<compile_context>
chip_gen: v7x
topology: tpu7x:2x2x1
jax: 0.10.2.dev20260603
libtpu: 0.0.44.dev20260713+nightly
codegen_flags: <defaults>
</compile_context>

<pallas_src>
import functools

import jax
import jax.numpy as jnp
from jax import lax
from jax.experimental import pallas as pl
from jax.experimental.pallas import tpu as pltpu
from jax.experimental.pallas import tpu_sc as plsc

_L = 16
_VT = 4096
_NEG = -1e30
_LOG2E = 1.4426950408889634
_LN2 = 0.6931471805599453


def _make_pool_kernel(V, D, B, CTX):
    info = plsc.get_sparse_core_info()
    nw = info.num_cores * info.num_subcores
    assert D == nw, "one embedding dim per vector subcore"
    n_idx = B * CTX

    mesh = plsc.VectorSubcoreMesh(core_axis_name="c", subcore_axis_name="s")

    ns = info.num_subcores

    @functools.partial(
        pl.kernel,
        out_type=jax.ShapeDtypeStruct((D * B,), jnp.float32),
        mesh=mesh,
        scratch_types=[
            pltpu.VMEM((V,), jnp.float32),
            pltpu.VMEM((n_idx,), jnp.int32),
            pltpu.VMEM((B,), jnp.float32),
            pltpu.SemaphoreType.DMA,
        ],
        compiler_params=pltpu.CompilerParams(
            use_tc_tiling_on_sc=True, needs_layout_passes=False),
    )
    def pool(tbl_hbm, idx_hbm, out_hbm, row_v, idx_v, out_v, sem):
        c = lax.axis_index("c")
        s = lax.axis_index("s")
        d = c * ns + s
        row_cp = pltpu.async_copy(tbl_hbm.at[d], row_v, sem)
        pltpu.sync_copy(idx_hbm, idx_v)
        row_cp.wait()
        lane = lax.iota(jnp.int32, _L) * CTX
        for g in range(0, B, _L):
            pos = lane + g * CTX
            acc = plsc.load_gather(row_v, [plsc.load_gather(idx_v, [pos])])
            for j in range(1, CTX):
                acc = acc + plsc.load_gather(
                    row_v, [plsc.load_gather(idx_v, [pos + j])])
            out_v[pl.ds(g, _L)] = acc * 0.25
        pltpu.sync_copy(out_v, out_hbm.at[pl.ds(d * B, B)])

    return pool


def _logits_tile(w_ref, e_ref):
    return lax.dot_general(
        w_ref[...], e_ref[...], (((0,), (0,)), ((), ())),
        preferred_element_type=jnp.float32)


def _stats_body(nt, w_ref, e_ref, lse_ref, s_scr):
    v = pl.program_id(0)

    @pl.when(v == 0)
    def _init():
        s_scr[...] = jnp.zeros_like(s_scr)

    s_scr[...] += jnp.sum(jnp.exp2(_logits_tile(w_ref, e_ref)),
                          axis=0, keepdims=True)

    @pl.when(v == nt - 1)
    def _fin():
        lse_ref[...] = jnp.log(s_scr[...])


def _out_body(w_ref, e_ref, lse_ref, o_ref):
    o_ref[...] = _logits_tile(w_ref, e_ref) * _LN2 - lse_ref[...]


def kernel(inputs, emb_table, W, b):
    B, CTX = inputs.shape
    V, D = emb_table.shape

    pool = _make_pool_kernel(V, D, B, CTX)
    pooled_t = pool(emb_table.T, inputs.reshape(-1))
    emb_aug = jnp.concatenate(
        [pooled_t.reshape(D, B), jnp.ones((1, B), jnp.float32)],
        axis=0).astype(jnp.bfloat16)

    nt = pl.cdiv(V, _VT)
    vpad = nt * _VT - V
    w_aug = jnp.concatenate(
        [jnp.pad(W.T, ((0, 0), (0, vpad))),
         jnp.pad(b, (0, vpad), constant_values=_NEG)[None, :]],
        axis=0)
    w_aug = (w_aug * _LOG2E).astype(jnp.bfloat16)

    lse = pl.pallas_call(
        functools.partial(_stats_body, nt),
        grid=(nt,),
        in_specs=[
            pl.BlockSpec((D + 1, _VT), lambda v: (0, v)),
            pl.BlockSpec((D + 1, B), lambda v: (0, 0)),
        ],
        out_specs=pl.BlockSpec((1, B), lambda v: (0, 0)),
        out_shape=jax.ShapeDtypeStruct((1, B), jnp.float32),
        scratch_shapes=[pltpu.VMEM((1, B), jnp.float32)],
        compiler_params=pltpu.CompilerParams(
            dimension_semantics=("arbitrary",),
            vmem_limit_bytes=56 * 1024 * 1024),
    )(w_aug, emb_aug)

    out_t = pl.pallas_call(
        _out_body,
        grid=(nt,),
        in_specs=[
            pl.BlockSpec((D + 1, _VT), lambda v: (0, v)),
            pl.BlockSpec((D + 1, B), lambda v: (0, 0)),
            pl.BlockSpec((1, B), lambda v: (0, 0)),
        ],
        out_specs=pl.BlockSpec((_VT, B), lambda v: (v, 0)),
        out_shape=jax.ShapeDtypeStruct((V, B), jnp.float32),
        compiler_params=pltpu.CompilerParams(
            dimension_semantics=("arbitrary",),
            vmem_limit_bytes=56 * 1024 * 1024),
    )(w_aug, emb_aug, lse)

    return jnp.transpose(out_t)

# --- scband reference (transcript-rebuilt; emitter-appended) ---
"""Pipeline reference for scband-cbow-90709709292208 (READ-ONLY COPY).

The authoritative reference and input builder live on the scoring server;
editing this copy changes nothing except your own understanding.
"""

import jax, jax.numpy as jnp
import numpy as np

VOCAB = 100000
DIM = 32
B = 1024
CTX = 4

def setup_inputs(seed: int = 0) -> dict:
    key = jax.random.key(seed)
    k1, k2, k3, k4 = jax.random.split(key, 4)
    inputs = jax.random.randint(k1, (B, CTX), 0, VOCAB, dtype=jnp.int32)
    emb_table = jax.random.normal(k2, (VOCAB, DIM), dtype=jnp.float32)
    W = jax.random.normal(k3, (VOCAB, DIM), dtype=jnp.float32) * 0.02
    b = jax.random.normal(k4, (VOCAB,), dtype=jnp.float32) * 0.02
    return {"inputs": inputs, "emb_table": emb_table, "W": W, "b": b}

def reference(inputs, emb_table, W, b):
    # nn.Embedding lookup -> gather
    emb = jnp.take(emb_table, inputs, axis=0)          # [B, CTX, DIM]
    emb_sum = jnp.sum(emb, axis=1) / 4                  # [B, DIM]
    emb_sum = jnp.squeeze(emb_sum)                      # [B, DIM]
    out2 = emb_sum @ W.T + b                            # [B, VOCAB]
    log_prob = jax.nn.log_softmax(out2, axis=1)
    return log_prob

if __name__ == "__main__":
    import jax
    _d = setup_inputs()
    print(jax.jit(kernel)(*tuple(_d.values())))

</pallas_src>

<mosaic_0001>
#map = affine_map<(d0, d1) -> (0, 0)>
#map1 = affine_map<(d0, d1) -> (0)>
module attributes {stable_mosaic.version = 14 : i64} {
  func.func @pool(%arg0: i32, %arg1: i32, %arg2: memref<32x100000xf32, #tpu.memory_space<hbm>>, %arg3: memref<4096xi32, #tpu.memory_space<hbm>>, %arg4: memref<32768xf32, #tpu.memory_space<hbm>>, %arg5: memref<100000xf32, #tpu.memory_space<vmem>>, %arg6: memref<4096xi32, #tpu.memory_space<vmem>>, %arg7: memref<1024xf32, #tpu.memory_space<vmem>>, %arg8: memref<!tpu.dma_semaphore, #tpu.memory_space<semaphore_mem>>) attributes {dimension_semantics = [#tpu.dimension_semantics<core_parallel>, #tpu.dimension_semantics<subcore_parallel>], iteration_bounds = array<i64: 2, 16>, scalar_prefetch = 0 : i64, scratch_operands = 4 : i64, tpu.core_type = #tpu.core_type<sc_vector_subcore>, window_params = [{transform_indices = #map}, {transform_indices = #map1}, {transform_indices = #map1}]} {
    %mul3A = arith.constant 16 : i32
    %mul3A_0 = arith.muli %arg0, %mul3A : i32
    %add3A = arith.addi %mul3A_0, %arg1 : i32
    %dma_start3A = arith.constant 0 : i32
    %dma_start3A_1 = tpu.memref_slice %arg2[%add3A, %dma_start3A] : memref<32x100000xf32, #tpu.memory_space<hbm>> -> memref<1x100000xf32, #tpu.memory_space<hbm>>
    %dma_start3A_2 = tpu.memref_squeeze %dma_start3A_1 : memref<1x100000xf32, #tpu.memory_space<hbm>> -> memref<100000xf32, #tpu.memory_space<hbm>>
    %dma_start3A_3 = arith.constant 0 : i32
    %dma_start3A_4 = tpu.memref_slice %arg2[%add3A, %dma_start3A_3] : memref<32x100000xf32, #tpu.memory_space<hbm>> -> memref<1x100000xf32, #tpu.memory_space<hbm>>
    %dma_start3A_5 = tpu.memref_squeeze %dma_start3A_4 : memref<1x100000xf32, #tpu.memory_space<hbm>> -> memref<100000xf32, #tpu.memory_space<hbm>>
    tpu.enqueue_dma source(%dma_start3A_5 : memref<100000xf32, #tpu.memory_space<hbm>>) target(%arg5 : memref<100000xf32, #tpu.memory_space<vmem>>) target_semaphore(%arg8 : memref<!tpu.dma_semaphore, #tpu.memory_space<semaphore_mem>>)
    "tpu.region"() ({
      %run_scoped3A = tpu.sem_alloc : memref<!tpu.dma_semaphore, #tpu.memory_space<semaphore_mem>>
      tpu.enqueue_dma source(%arg3 : memref<4096xi32, #tpu.memory_space<hbm>>) target(%arg6 : memref<4096xi32, #tpu.memory_space<vmem>>) target_semaphore(%run_scoped3A : memref<!tpu.dma_semaphore, #tpu.memory_space<semaphore_mem>>)
      tpu.wait_dma2 semaphore(%run_scoped3A : memref<!tpu.dma_semaphore, #tpu.memory_space<semaphore_mem>>) src(%arg3 : memref<4096xi32, #tpu.memory_space<hbm>>) dst(%arg6 : memref<4096xi32, #tpu.memory_space<vmem>>)
      tpu.yield
    }) : () -> ()
    %dma_wait3A = arith.constant 0 : i32
    %dma_wait3A_6 = tpu.memref_slice %arg2[%add3A, %dma_wait3A] : memref<32x100000xf32, #tpu.memory_space<hbm>> -> memref<1x100000xf32, #tpu.memory_space<hbm>>
    %dma_wait3A_7 = tpu.memref_squeeze %dma_wait3A_6 : memref<1x100000xf32, #tpu.memory_space<hbm>> -> memref<100000xf32, #tpu.memory_space<hbm>>
    %dma_wait3A_8 = arith.constant 0 : i32
    %dma_wait3A_9 = tpu.memref_slice %arg2[%add3A, %dma_wait3A_8] : memref<32x100000xf32, #tpu.memory_space<hbm>> -> memref<1x100000xf32, #tpu.memory_space<hbm>>
    %dma_wait3A_10 = tpu.memref_squeeze %dma_wait3A_9 : memref<1x100000xf32, #tpu.memory_space<hbm>> -> memref<100000xf32, #tpu.memory_space<hbm>>
    tpu.wait_dma2 semaphore(%arg8 : memref<!tpu.dma_semaphore, #tpu.memory_space<semaphore_mem>>) src(%dma_wait3A_10 : memref<100000xf32, #tpu.memory_space<hbm>>) dst(%arg5 : memref<100000xf32, #tpu.memory_space<vmem>>)
    %iota3A = tpu.iota {dimensions = array<i32: 0>} : vector<16xi32>
    %mul3A_11 = arith.constant 4 : i32
    %mul3A_12 = vector.broadcast %mul3A_11 : i32 to vector<16xi32>
    %mul3A_13 = arith.muli %iota3A, %mul3A_12 : vector<16xi32>
    %add3A_14 = arith.constant 0 : i32
    %add3A_15 = vector.broadcast %add3A_14 : i32 to vector<16xi32>
    %add3A_16 = arith.addi %mul3A_13, %add3A_15 : vector<16xi32>
    %gather3A = tpu.vector_load_idx %arg6[%add3A_16] : memref<4096xi32, #tpu.memory_space<vmem>>[vector<16xi32>], vector<16xi32>,
    %gather3A_17 = tpu.vector_load_idx %arg5[%gather3A] : memref<100000xf32, #tpu.memory_space<vmem>>[vector<16xi32>], vector<16xf32>,
    %add3A_18 = arith.constant 1 : i32
    %add3A_19 = vector.broadcast %add3A_18 : i32 to vector<16xi32>
    %add3A_20 = arith.addi %add3A_16, %add3A_19 : vector<16xi32>
    %gather3A_21 = tpu.vector_load_idx %arg6[%add3A_20] : memref<4096xi32, #tpu.memory_space<vmem>>[vector<16xi32>], vector<16xi32>,
    %gather3A_22 = tpu.vector_load_idx %arg5[%gather3A_21] : memref<100000xf32, #tpu.memory_space<vmem>>[vector<16xi32>], vector<16xf32>,
    %add3A_23 = arith.addf %gather3A_17, %gather3A_22 : vector<16xf32>
    %add3A_24 = arith.constant 2 : i32
    %add3A_25 = vector.broadcast %add3A_24 : i32 to vector<16xi32>
    %add3A_26 = arith.addi %add3A_16, %add3A_25 : vector<16xi32>
    %gather3A_27 = tpu.vector_load_idx %arg6[%add3A_26] : memref<4096xi32, #tpu.memory_space<vmem>>[vector<16xi32>], vector<16xi32>,
    %gather3A_28 = tpu.vector_load_idx %arg5[%gather3A_27] : memref<100000xf32, #tpu.memory_space<vmem>>[vector<16xi32>], vector<16xf32>,
    %add3A_29 = arith.addf %add3A_23, %gather3A_28 : vector<16xf32>
    %add3A_30 = arith.constant 3 : i32
    %add3A_31 = vector.broadcast %add3A_30 : i32 to vector<16xi32>
    %add3A_32 = arith.addi %add3A_16, %add3A_31 : vector<16xi32>
    %gather3A_33 = tpu.vector_load_idx %arg6[%add3A_32] : memref<4096xi32, #tpu.memory_space<vmem>>[vector<16xi32>], vector<16xi32>,
    %gather3A_34 = tpu.vector_load_idx %arg5[%gather3A_33] : memref<100000xf32, #tpu.memory_space<vmem>>[vector<16xi32>], vector<16xf32>,
    %add3A_35 = arith.addf %add3A_29, %gather3A_34 : vector<16xf32>
    %mul3A_36 = arith.constant 2.500000e-01 : f32
    %mul3A_37 = vector.broadcast %mul3A_36 : f32 to vector<16xf32>
    %mul3A_38 = arith.mulf %add3A_35, %mul3A_37 : vector<16xf32>
    %swap3A = arith.constant 0 : index
    %swap3A_39 = tpu.vector_load %arg7[%swap3A] {strides = array<i32>} : memref<1024xf32, #tpu.memory_space<vmem>>, vector<16xf32>,
    tpu.vector_store %arg7[%swap3A], %mul3A_38 {strides = array<i32>} : memref<1024xf32, #tpu.memory_space<vmem>>, vector<16xf32>,
    %add3A_40 = arith.constant 64 : i32
    %add3A_41 = vector.broadcast %add3A_40 : i32 to vector<16xi32>
    %add3A_42 = arith.addi %mul3A_13, %add3A_41 : vector<16xi32>
    %gather3A_43 = tpu.vector_load_idx %arg6[%add3A_42] : memref<4096xi32, #tpu.memory_space<vmem>>[vector<16xi32>], vector<16xi32>,
    %gather3A_44 = tpu.vector_load_idx %arg5[%gather3A_43] : memref<100000xf32, #tpu.memory_space<vmem>>[vector<16xi32>], vector<16xf32>,
    %add3A_45 = arith.constant 1 : i32
    %add3A_46 = vector.broadcast %add3A_45 : i32 to vector<16xi32>
    %add3A_47 = arith.addi %add3A_42, %add3A_46 : vector<16xi32>
    %gather3A_48 = tpu.vector_load_idx %arg6[%add3A_47] : memref<4096xi32, #tpu.memory_space<vmem>>[vector<16xi32>], vector<16xi32>,
    %gather3A_49 = tpu.vector_load_idx %arg5[%gather3A_48] : memref<100000xf32, #tpu.memory_space<vmem>>[vector<16xi32>], vector<16xf32>,
    %add3A_50 = arith.addf %gather3A_44, %gather3A_49 : vector<16xf32>
    %add3A_51 = arith.constant 2 : i32
    %add3A_52 = vector.broadcast %add3A_51 : i32 to vector<16xi32>
    %add3A_53 = arith.addi %add3A_42, %add3A_52 : vector<16xi32>
    %gather3A_54 = tpu.vector_load_idx %arg6[%add3A_53] : memref<4096xi32, #tpu.memory_space<vmem>>[vector<16xi32>], vector<16xi32>,
    %gather3A_55 = tpu.vector_load_idx %arg5[%gather3A_54] : memref<100000xf32, #tpu.memory_space<vmem>>[vector<16xi32>], vector<16xf32>,
    %add3A_56 = arith.addf %add3A_50, %gather3A_55 : vector<16xf32>
    %add3A_57 = arith.constant 3 : i32
    %add3A_58 = vector.broadcast %add3A_57 : i32 to vector<16xi32>
    %add3A_59 = arith.addi %add3A_42, %add3A_58 : vector<16xi32>
    %gather3A_60 = tpu.vector_load_idx %arg6[%add3A_59] : memref<4096xi32, #tpu.memory_space<vmem>>[vector<16xi32>], vector<16xi32>,
    %gather3A_61 = tpu.vector_load_idx %arg5[%gather3A_60] : memref<100000xf32, #tpu.memory_space<vmem>>[vector<16xi32>], vector<16xf32>,
    %add3A_62 = arith.addf %add3A_56, %gather3A_61 : vector<16xf32>
    %mul3A_63 = arith.constant 2.500000e-01 : f32
    %mul3A_64 = vector.broadcast %mul3A_63 : f32 to vector<16xf32>
    %mul3A_65 = arith.mulf %add3A_62, %mul3A_64 : vector<16xf32>
    %swap3A_66 = arith.constant 16 : index
    %swap3A_67 = tpu.vector_load %arg7[%swap3A_66] {strides = array<i32>} : memref<1024xf32, #tpu.memory_space<vmem>>, vector<16xf32>,
    tpu.vector_store %arg7[%swap3A_66], %mul3A_65 {strides = array<i32>} : memref<1024xf32, #tpu.memory_space<vmem>>, vector<16xf32>,
    %add3A_68 = arith.constant 128 : i32
    %add3A_69 = vector.broadcast %add3A_68 : i32 to vector<16xi32>
    %add3A_70 = arith.addi %mul3A_13, %add3A_69 : vector<16xi32>
    %gather3A_71 = tpu.vector_load_idx %arg6[%add3A_70] : memref<4096xi32, #tpu.memory_space<vmem>>[vector<16xi32>], vector<16xi32>,
    %gather3A_72 = tpu.vector_load_idx %arg5[%gather3A_71] : memref<100000xf32, #tpu.memory_space<vmem>>[vector<16xi32>], vector<16xf32>,
    %add3A_73 = arith.constant 1 : i32
    %add3A_74 = vector.broadcast %add3A_73 : i32 to vector<16xi32>
    %add3A_75 = arith.addi %add3A_70, %add3A_74 : vector<16xi32>
    %gather3A_76 = tpu.vector_load_idx %arg6[%add3A_75] : memref<4096xi32, #tpu.memory_space<vmem>>[vector<16xi32>], vector<16xi32>,
    %gather3A_77 = tpu.vector_load_idx %arg5[%gather3A_76] : memref<100000xf32, #tpu.memory_space<vmem>>[vector<16xi32>], vector<16xf32>,
    %add3A_78 = arith.addf %gather3A_72, %gather3A_77 : vector<16xf32>
    %add3A_79 = arith.constant 2 : i32
    %add3A_80 = vector.broadcast %add3A_79 : i32 to vector<16xi32>
    %add3A_81 = arith.addi %add3A_70, %add3A_80 : vector<16xi32>
    %gather3A_82 = tpu.vector_load_idx %arg6[%add3A_81] : memref<4096xi32, #tpu.memory_space<vmem>>[vector<16xi32>], vector<16xi32>,
    %gather3A_83 = tpu.vector_load_idx %arg5[%gather3A_82] : memref<100000xf32, #tpu.memory_space<vmem>>[vector<16xi32>], vector<16xf32>,
    %add3A_84 = arith.addf %add3A_78, %gather3A_83 : vector<16xf32>
    %add3A_85 = arith.constant 3 : i32
    %add3A_86 = vector.broadcast %add3A_85 : i32 to vector<16xi32>
    %add3A_87 = arith.addi %add3A_70, %add3A_86 : vector<16xi32>
    %gather3A_88 = tpu.vector_load_idx %arg6[%add3A_87] : memref<4096xi32, #tpu.memory_space<vmem>>[vector<16xi32>], vector<16xi32>,
    %gather3A_89 = tpu.vector_load_idx %arg5[%gather3A_88] : memref<100000xf32, #tpu.memory_space<vmem>>[vector<16xi32>], vector<16xf32>,
    %add3A_90 = arith.addf %add3A_84, %gather3A_89 : vector<16xf32>
    %mul3A_91 = arith.constant 2.500000e-01 : f32
    %mul3A_92 = vector.broadcast %mul3A_91 : f32 to vector<16xf32>
    %mul3A_93 = arith.mulf %add3A_90, %mul3A_92 : vector<16xf32>
    %swap3A_94 = arith.constant 32 : index
    %swap3A_95 = tpu.vector_load %arg7[%swap3A_94] {strides = array<i32>} : memref<1024xf32, #tpu.memory_space<vmem>>, vector<16xf32>,
    tpu.vector_store %arg7[%swap3A_94], %mul3A_93 {strides = array<i32>} : memref<1024xf32, #tpu.memory_space<vmem>>, vector<16xf32>,
    %add3A_96 = arith.constant 192 : i32
    %add3A_97 = vector.broadcast %add3A_96 : i32 to vector<16xi32>
    %add3A_98 = arith.addi %mul3A_13, %add3A_97 : vector<16xi32>
    %gather3A_99 = tpu.vector_load_idx %arg6[%add3A_98] : memref<4096xi32, #tpu.memory_space<vmem>>[vector<16xi32>], vector<16xi32>,
    %gather3A_100 = tpu.vector_load_idx %arg5[%gather3A_99] : memref<100000xf32, #tpu.memory_space<vmem>>[vector<16xi32>], vector<16xf32>,
    %add3A_101 = arith.constant 1 : i32
    %add3A_102 = vector.broadcast %add3A_101 : i32 to vector<16xi32>
    %add3A_103 = arith.addi %add3A_98, %add3A_102 : vector<16xi32>
    %gather3A_104 = tpu.vector_load_idx %arg6[%add3A_103] : memref<4096xi32, #tpu.memory_space<vmem>>[vector<16xi32>], vector<16xi32>,
    %gather3A_105 = tpu.vector_load_idx %arg5[%gather3A_104] : memref<100000xf32, #tpu.memory_space<vmem>>[vector<16xi32>], vector<16xf32>,
    %add3A_106 = arith.addf %gather3A_100, %gather3A_105 : vector<16xf32>
    %add3A_107 = arith.constant 2 : i32
    %add3A_108 = vector.broadcast %add3A_107 : i32 to vector<16xi32>
    %add3A_109 = arith.addi %add3A_98, %add3A_108 : vector<16xi32>
    %gather3A_110 = tpu.vector_load_idx %arg6[%add3A_109] : memref<4096xi32, #tpu.memory_space<vmem>>[vector<16xi32>], vector<16xi32>,
    %gather3A_111 = tpu.vector_load_idx %arg5[%gather3A_110] : memref<100000xf32, #tpu.memory_space<vmem>>[vector<16xi32>], vector<16xf32>,
    %add3A_112 = arith.addf %add3A_106, %gather3A_111 : vector<16xf32>
    %add3A_113 = arith.constant 3 : i32
    %add3A_114 = vector.broadcast %add3A_113 : i32 to vector<16xi32>
    %add3A_115 = arith.addi %add3A_98, %add3A_114 : vector<16xi32>
    %gather3A_116 = tpu.vector_load_idx %arg6[%add3A_115] : memref<4096xi32, #tpu.memory_space<vmem>>[vector<16xi32>], vector<16xi32>,
    %gather3A_117 = tpu.vector_load_idx %arg5[%gather3A_116] : memref<100000xf32, #tpu.memory_space<vmem>>[vector<16xi32>], vector<16xf32>,
    %add3A_118 = arith.addf %add3A_112, %gather3A_117 : vector<16xf32>
    %mul3A_119 = arith.constant 2.500000e-01 : f32
    %mul3A_120 = vector.broadcast %mul3A_119 : f32 to vector<16xf32>
    %mul3A_121 = arith.mulf %add3A_118, %mul3A_120 : vector<16xf32>
    %swap3A_122 = arith.constant 48 : index
    %swap3A_123 = tpu.vector_load %arg7[%swap3A_122] {strides = array<i32>} : memref<1024xf32, #tpu.memory_space<vmem>>, vector<16xf32>,
    tpu.vector_store %arg7[%swap3A_122], %mul3A_121 {strides = array<i32>} : memref<1024xf32, #tpu.memory_space<vmem>>, vector<16xf32>,
    %add3A_124 = arith.constant 256 : i32
    %add3A_125 = vector.broadcast %add3A_124 : i32 to vector<16xi32>
    %add3A_126 = arith.addi %mul3A_13, %add3A_125 : vector<16xi32>
    %gather3A_127 = tpu.vector_load_idx %arg6[%add3A_126] : memref<4096xi32, #tpu.memory_space<vmem>>[vector<16xi32>], vector<16xi32>,
    %gather3A_128 = tpu.vector_load_idx %arg5[%gather3A_127] : memref<100000xf32, #tpu.memory_space<vmem>>[vector<16xi32>], vector<16xf32>,
    %add3A_129 = arith.constant 1 : i32
    %add3A_130 = vector.broadcast %add3A_129 : i32 to vector<16xi32>
    %add3A_131 = arith.addi %add3A_126, %add3A_130 : vector<16xi32>
    %gather3A_132 = tpu.vector_load_idx %arg6[%add3A_131] : memref<4096xi32, #tpu.memory_space<vmem>>[vector<16xi32>], vector<16xi32>,
    %gather3A_133 = tpu.vector_load_idx %arg5[%gather3A_132] : memref<100000xf32, #tpu.memory_space<vmem>>[vector<16xi32>], vector<16xf32>,
    %add3A_134 = arith.addf %gather3A_128, %gather3A_133 : vector<16xf32>
    %add3A_135 = arith.constant 2 : i32
    %add3A_136 = vector.broadcast %add3A_135 : i32 to vector<16xi32>
    %add3A_137 = arith.addi %add3A_126, %add3A_136 : vector<16xi32>
    %gather3A_138 = tpu.vector_load_idx %arg6[%add3A_137] : memref<4096xi32, #tpu.memory_space<vmem>>[vector<16xi32>], vector<16xi32>,
    %gather3A_139 = tpu.vector_load_idx %arg5[%gather3A_138] : memref<100000xf32, #tpu.memory_space<vmem>>[vector<16xi32>], vector<16xf32>,
    %add3A_140 = arith.addf %add3A_134, %gather3A_139 : vector<16xf32>
    %add3A_141 = arith.constant 3 : i32
    %add3A_142 = vector.broadcast %add3A_141 : i32 to vector<16xi32>
    %add3A_143 = arith.addi %add3A_126, %add3A_142 : vector<16xi32>
    %gather3A_144 = tpu.vector_load_idx %arg6[%add3A_143] : memref<4096xi32, #tpu.memory_space<vmem>>[vector<16xi32>], vector<16xi32>,
    %gather3A_145 = tpu.vector_load_idx %arg5[%gather3A_144] : memref<100000xf32, #tpu.memory_space<vmem>>[vector<16xi32>], vector<16xf32>,
    %add3A_146 = arith.addf %add3A_140, %gather3A_145 : vector<16xf32>
    %mul3A_147 = arith.constant 2.500000e-01 : f32
    %mul3A_148 = vector.broadcast %mul3A_147 : f32 to vector<16xf32>
    %mul3A_149 = arith.mulf %add3A_146, %mul3A_148 : vector<16xf32>
    %swap3A_150 = arith.constant 64 : index
    %swap3A_151 = tpu.vector_load %arg7[%swap3A_150] {strides = array<i32>} : memref<1024xf32, #tpu.memory_space<vmem>>, vector<16xf32>,
    tpu.vector_store %arg7[%swap3A_150], %mul3A_149 {strides = array<i32>} : memref<1024xf32, #tpu.memory_space<vmem>>, vector<16xf32>,
    %add3A_152 = arith.constant 320 : i32
    %add3A_153 = vector.broadcast %add3A_152 : i32 to vector<16xi32>
    %add3A_154 = arith.addi %mul3A_13, %add3A_153 : vector<16xi32>
    %gather3A_155 = tpu.vector_load_idx %arg6[%add3A_154] : memref<4096xi32, #tpu.memory_space<vmem>>[vector<16xi32>], vector<16xi32>,
    %gather3A_156 = tpu.vector_load_idx %arg5[%gather3A_155] : memref<100000xf32, #tpu.memory_space<vmem>>[vector<16xi32>], vector<16xf32>,
    %add3A_157 = arith.constant 1 : i32
    %add3A_158 = vector.broadcast %add3A_157 : i32 to vector<16xi32>
    %add3A_159 = arith.addi %add3A_154, %add3A_158 : vector<16xi32>
    %gather3A_160 = tpu.vector_load_idx %arg6[%add3A_159] : memref<4096xi32, #tpu.memory_space<vmem>>[vector<16xi32>], vector<16xi32>,
    %gather3A_161 = tpu.vector_load_idx %arg5[%gather3A_160] : memref<100000xf32, #tpu.memory_space<vmem>>[vector<16xi32>], vector<16xf32>,
    %add3A_162 = arith.addf %gather3A_156, %gather3A_161 : vector<16xf32>
    %add3A_163 = arith.constant 2 : i32
    %add3A_164 = vector.broadcast %add3A_163 : i32 to vector<16xi32>
    %add3A_165 = arith.addi %add3A_154, %add3A_164 : vector<16xi32>
    %gather3A_166 = tpu.vector_load_idx %arg6[%add3A_165] : memref<4096xi32, #tpu.memory_space<vmem>>[vector<16xi32>], vector<16xi32>,
    %gather3A_167 = tpu.vector_load_idx %arg5[%gather3A_166] : memref<100000xf32, #tpu.memory_space<vmem>>[vector<16xi32>], vector<16xf32>,
    %add3A_168 = arith.addf %add3A_162, %gather3A_167 : vector<16xf32>
    %add3A_169 = arith.constant 3 : i32
    %add3A_170 = vector.broadcast %add3A_169 : i32 to vector<16xi32>
    %add3A_171 = arith.addi %add3A_154, %add3A_170 : vector<16xi32>
    %gather3A_172 = tpu.vector_load_idx %arg6[%add3A_171] : memref<4096xi32, #tpu.memory_space<vmem>>[vector<16xi32>], vector<16xi32>,
    %gather3A_173 = tpu.vector_load_idx %arg5[%gather3A_172] : memref<100000xf32, #tpu.memory_space<vmem>>[vector<16xi32>], vector<16xf32>,
    %add3A_174 = arith.addf %add3A_168, %gather3A_173 : vector<16xf32>
    %mul3A_175 = arith.constant 2.500000e-01 : f32
    %mul3A_176 = vector.broadcast %mul3A_175 : f32 to vector<16xf32>
    %mul3A_177 = arith.mulf %add3A_174, %mul3A_176 : vector<16xf32>
    %swap3A_178 = arith.constant 80 : index
    %swap3A_179 = tpu.vector_load %arg7[%swap3A_178] {strides = array<i32>} : memref<1024xf32, #tpu.memory_space<vmem>>, vector<16xf32>,
    tpu.vector_store %arg7[%swap3A_178], %mul3A_177 {strides = array<i32>} : memref<1024xf32, #tpu.memory_space<vmem>>, vector<16xf32>,
    %add3A_180 = arith.constant 384 : i32
    %add3A_181 = vector.broadcast %add3A_180 : i32 to vector<16xi32>
    %add3A_182 = arith.addi %mul3A_13, %add3A_181 : vector<16xi32>
    %gather3A_183 = tpu.vector_load_idx %arg6[%add3A_182] : memref<4096xi32, #tpu.memory_space<vmem>>[vector<16xi32>], vector<16xi32>,
    %gather3A_184 = tpu.vector_load_idx %arg5[%gather3A_183] : memref<100000xf32, #tpu.memory_space<vmem>>[vector<16xi32>], vector<16xf32>,
    %add3A_185 = arith.constant 1 : i32
    %add3A_186 = vector.broadcast %add3A_185 : i32 to vector<16xi32>
    %add3A_187 = arith.addi %add3A_182, %add3A_186 : vector<16xi32>
    %gather3A_188 = tpu.vector_load_idx %arg6[%add3A_187] : memref<4096xi32, #tpu.memory_space<vmem>>[vector<16xi32>], vector<16xi32>,
    %gather3A_189 = tpu.vector_load_idx %arg5[%gather3A_188] : memref<100000xf32, #tpu.memory_space<vmem>>[vector<16xi32>], vector<16xf32>,
    %add3A_190 = arith.addf %gather3A_184, %gather3A_189 : vector<16xf32>
    %add3A_191 = arith.constant 2 : i32
    %add3A_192 = vector.broadcast %add3A_191 : i32 to vector<16xi32>
    %add3A_193 = arith.addi %add3A_182, %add3A_192 : vector<16xi32>
    %gather3A_194 = tpu.vector_load_idx %arg6[%add3A_193] : memref<4096xi32, #tpu.memory_space<vmem>>[vector<16xi32>], vector<16xi32>,
    %gather3A_195 = tpu.vector_load_idx %arg5[%gather3A_194] : memref<100000xf32, #tpu.memory_space<vmem>>[vector<16xi32>], vector<16xf32>,
    %add3A_196 = arith.addf %add3A_190, %gather3A_195 : vector<16xf32>
    %add3A_197 = arith.constant 3 : i32
    %add3A_198 = vector.broadcast %add3A_197 : i32 to vector<16xi32>
    %add3A_199 = arith.addi %add3A_182, %add3A_198 : vector<16xi32>
    %gather3A_200 = tpu.vector_load_idx %arg6[%add3A_199] : memref<4096xi32, #tpu.memory_space<vmem>>[vector<16xi32>], vector<16xi32>,
    %gather3A_201 = tpu.vector_load_idx %arg5[%gather3A_200] : memref<100000xf32, #tpu.memory_space<vmem>>[vector<16xi32>], vector<16xf32>,
    %add3A_202 = arith.addf %add3A_196, %gather3A_201 : vector<16xf32>
    %mul3A_203 = arith.constant 2.500000e-01 : f32
    %mul3A_204 = vector.broadcast %mul3A_203 : f32 to vector<16xf32>
    %mul3A_205 = arith.mulf %add3A_202, %mul3A_204 : vector<16xf32>
    %swap3A_206 = arith.constant 96 : index
    %swap3A_207 = tpu.vector_load %arg7[%swap3A_206] {strides = array<i32>} : memref<1024xf32, #tpu.memory_space<vmem>>, vector<16xf32>,
    tpu.vector_store %arg7[%swap3A_206], %mul3A_205 {strides = array<i32>} : memref<1024xf32, #tpu.memory_space<vmem>>, vector<16xf32>,
    %add3A_208 = arith.constant 448 : i32
    %add3A_209 = vector.broadcast %add3A_208 : i32 to vector<16xi32>
    %add3A_210 = arith.addi %mul3A_13, %add3A_209 : vector<16xi32>
    %gather3A_211 = tpu.vector_load_idx %arg6[%add3A_210] : memref<4096xi32, #tpu.memory_space<vmem>>[vector<16xi32>], vector<16xi32>,
    %gather3A_212 = tpu.vector_load_idx %arg5[%gather3A_211] : memref<100000xf32, #tpu.memory_space<vmem>>[vector<16xi32>], vector<16xf32>,
    %add3A_213 = arith.constant 1 : i32
    %add3A_214 = vector.broadcast %add3A_213 : i32 to vector<16xi32>
    %add3A_215 = arith.addi %add3A_210, %add3A_214 : vector<16xi32>
    %gather3A_216 = tpu.vector_load_idx %arg6[%add3A_215] : memref<4096xi32, #tpu.memory_space<vmem>>[vector<16xi32>], vector<16xi32>,
    %gather3A_217 = tpu.vector_load_idx %arg5[%gather3A_216] : memref<100000xf32, #tpu.memory_space<vmem>>[vector<16xi32>], vector<16xf32>,
    %add3A_218 = arith.addf %gather3A_212, %gather3A_217 : vector<16xf32>
    %add3A_219 = arith.constant 2 : i32
    %add3A_220 = vector.broadcast %add3A_219 : i32 to vector<16xi32>
    %add3A_221 = arith.addi %add3A_210, %add3A_220 : vector<16xi32>
    %gather3A_222 = tpu.vector_load_idx %arg6[%add3A_221] : memref<4096xi32, #tpu.memory_space<vmem>>[vector<16xi32>], vector<16xi32>,
    %gather3A_223 = tpu.vector_load_idx %arg5[%gather3A_222] : memref<100000xf32, #tpu.memory_space<vmem>>[vector<16xi32>], vector<16xf32>,
    %add3A_224 = arith.addf %add3A_218, %gather3A_223 : vector<16xf32>
    %add3A_225 = arith.constant 3 : i32
    %add3A_226 = vector.broadcast %add3A_225 : i32 to vector<16xi32>
    %add3A_227 = arith.addi %add3A_210, %add3A_226 : vector<16xi32>
    %gather3A_228 = tpu.vector_load_idx %arg6[%add3A_227] : memref<4096xi32, #tpu.memory_space<vmem>>[vector<16xi32>], vector<16xi32>,
    %gather3A_229 = tpu.vector_load_idx %arg5[%gather3A_228] : memref<100000xf32, #tpu.memory_space<vmem>>[vector<16xi32>], vector<16xf32>,
    %add3A_230 = arith.addf %add3A_224, %gather3A_229 : vector<16xf32>
    %mul3A_231 = arith.constant 2.500000e-01 : f32
    %mul3A_232 = vector.broadcast %mul3A_231 : f32 to vector<16xf32>
    %mul3A_233 = arith.mulf %add3A_230, %mul3A_232 : vector<16xf32>
    %swap3A_234 = arith.constant 112 : index
    %swap3A_235 = tpu.vector_load %arg7[%swap3A_234] {strides = array<i32>} : memref<1024xf32, #tpu.memory_space<vmem>>, vector<16xf32>,
    tpu.vector_store %arg7[%swap3A_234], %mul3A_233 {strides = array<i32>} : memref<1024xf32, #tpu.memory_space<vmem>>, vector<16xf32>,
    %add3A_236 = arith.constant 512 : i32
    %add3A_237 = vector.broadcast %add3A_236 : i32 to vector<16xi32>
    %add3A_238 = arith.addi %mul3A_13, %add3A_237 : vector<16xi32>
    %gather3A_239 = tpu.vector_load_idx %arg6[%add3A_238] : memref<4096xi32, #tpu.memory_space<vmem>>[vector<16xi32>], vector<16xi32>,
    %gather3A_240 = tpu.vector_load_idx %arg5[%gather3A_239] : memref<100000xf32, #tpu.memory_space<vmem>>[vector<16xi32>], vector<16xf32>,
    %add3A_241 = arith.constant 1 : i32
    %add3A_242 = vector.broadcast %add3A_241 : i32 to vector<16xi32>
    %add3A_243 = arith.addi %add3A_238, %add3A_242 : vector<16xi32>
    %gather3A_244 = tpu.vector_load_idx %arg6[%add3A_243] : memref<4096xi32, #tpu.memory_space<vmem>>[vector<16xi32>], vector<16xi32>,
    %gather3A_245 = tpu.vector_load_idx %arg5[%gather3A_244] : memref<100000xf32, #tpu.memory_space<vmem>>[vector<16xi32>], vector<16xf32>,
    %add3A_246 = arith.addf %gather3A_240, %gather3A_245 : vector<16xf32>
    %add3A_247 = arith.constant 2 : i32
    %add3A_248 = vector.broadcast %add3A_247 : i32 to vector<16xi32>
    %add3A_249 = arith.addi %add3A_238, %add3A_248 : vector<16xi32>
    %gather3A_250 = tpu.vector_load_idx %arg6[%add3A_249] : memref<4096xi32, #tpu.memory_space<vmem>>[vector<16xi32>], vector<16xi32>,
    %gather3A_251 = tpu.vector_load_idx %arg5[%gather3A_250] : memref<100000xf32, #tpu.memory_space<vmem>>[vector<16xi32>], vector<16xf32>,
    %add3A_252 = arith.addf %add3A_246, %gather3A_251 : vector<16xf32>
    %add3A_253 = arith.constant 3 : i32
    %add3A_254 = vector.broadcast %add3A_253 : i32 to vector<16xi32>
    %add3A_255 = arith.addi %add3A_238, %add3A_254 : vector<16xi32>
    %gather3A_256 = tpu.vector_load_idx %arg6[%add3A_255] : memref<4096xi32, #tpu.memory_space<vmem>>[vector<16xi32>], vector<16xi32>,
    %gather3A_257 = tpu.vector_load_idx %arg5[%gather3A_256] : memref<100000xf32, #tpu.memory_space<vmem>>[vector<16xi32>], vector<16xf32>,
    %add3A_258 = arith.addf %add3A_252, %gather3A_257 : vector<16xf32>
    %mul3A_259 = arith.constant 2.500000e-01 : f32
    %mul3A_260 = vector.broadcast %mul3A_259 : f32 to vector<16xf32>
    %mul3A_261 = arith.mulf %add3A_258, %mul3A_260 : vector<16xf32>
    %swap3A_262 = arith.constant 128 : index
    %swap3A_263 = tpu.vector_load %arg7[%swap3A_262] {strides = array<i32>} : memref<1024xf32, #tpu.memory_space<vmem>>, vector<16xf32>,
    tpu.vector_store %arg7[%swap3A_262], %mul3A_261 {strides = array<i32>} : memref<1024xf32, #tpu.memory_space<vmem>>, vector<16xf32>,
    %add3A_264 = arith.constant 576 : i32
    %add3A_265 = vector.broadcast %add3A_264 : i32 to vector<16xi32>
    %add3A_266 = arith.addi %mul3A_13, %add3A_265 : vector<16xi32>
    %gather3A_267 = tpu.vector_load_idx %arg6[%add3A_266] : memref<4096xi32, #tpu.memory_space<vmem>>[vector<16xi32>], vector<16xi32>,
    %gather3A_268 = tpu.vector_load_idx %arg5[%gather3A_267] : memref<100000xf32, #tpu.memory_space<vmem>>[vector<16xi32>], vector<16xf32>,
    %add3A_269 = arith.constant 1 : i32
    %add3A_270 = vector.broadcast %add3A_269 : i32 to vector<16xi32>
    %add3A_271 = arith.addi %add3A_266, %add3A_270 : vector<16xi32>
    %gather3A_272 = tpu.vector_load_idx %arg6[%add3A_271] : memref<4096xi32, #tpu.memory_space<vmem>>[vector<16xi32>], vector<16xi32>,
    %gather3A_273 = tpu.vector_load_idx %arg5[%gather3A_272] : memref<100000xf32, #tpu.memory_space<vmem>>[vector<16xi32>], vector<16xf32>,
    %add3A_274 = arith.addf %gather3A_268, %gather3A_273 : vector<16xf32>
    %add3A_275 = arith.constant 2 : i32
    %add3A_276 = vector.broadcast %add3A_275 : i32 to vector<16xi32>
    %add3A_277 = arith.addi %add3A_266, %add3A_276 : vector<16xi32>
    %gather3A_278 = tpu.vector_load_idx %arg6[%add3A_277] : memref<4096xi32, #tpu.memory_space<vmem>>[vector<16xi32>], vector<16xi32>,
    %gather3A_279 = tpu.vector_load_idx %arg5[%gather3A_278] : memref<100000xf32, #tpu.memory_space<vmem>>[vector<16xi32>], vector<16xf32>,
    %add3A_280 = arith.addf %add3A_274, %gather3A_279 : vector<16xf32>
    %add3A_281 = arith.constant 3 : i32
    %add3A_282 = vector.broadcast %add3A_281 : i32 to vector<16xi32>
    %add3A_283 = arith.addi %add3A_266, %add3A_282 : vector<16xi32>
    %gather3A_284 = tpu.vector_load_idx %arg6[%add3A_283] : memref<4096xi32, #tpu.memory_space<vmem>>[vector<16xi32>], vector<16xi32>,
    %gather3A_285 = tpu.vector_load_idx %arg5[%gather3A_284] : memref<100000xf32, #tpu.memory_space<vmem>>[vector<16xi32>], vector<16xf32>,
    %add3A_286 = arith.addf %add3A_280, %gather3A_285 : vector<16xf32>
    %mul3A_287 = arith.constant 2.500000e-01 : f32
    %mul3A_288 = vector.broadcast %mul3A_287 : f32 to vector<16xf32>
    %mul3A_289 = arith.mulf %add3A_286, %mul3A_288 : vector<16xf32>
    %swap3A_290 = arith.constant 144 : index
    %swap3A_291 = tpu.vector_load %arg7[%swap3A_290] {strides = array<i32>} : memref<1024xf32, #tpu.memory_space<vmem>>, vector<16xf32>,
    tpu.vector_store %arg7[%swap3A_290], %mul3A_289 {strides = array<i32>} : memref<1024xf32, #tpu.memory_space<vmem>>, vector<16xf32>,
    %add3A_292 = arith.constant 640 : i32
    %add3A_293 = vector.broadcast %add3A_292 : i32 to vector<16xi32>
    %add3A_294 = arith.addi %mul3A_13, %add3A_293 : vector<16xi32>
    %gather3A_295 = tpu.vector_load_idx %arg6[%add3A_294] : memref<4096xi32, #tpu.memory_space<vmem>>[vector<16xi32>], vector<16xi32>,
    %gather3A_296 = tpu.vector_load_idx %arg5[%gather3A_295] : memref<100000xf32, #tpu.memory_space<vmem>>[vector<16xi32>], vector<16xf32>,
    %add3A_297 = arith.constant 1 : i32
    %add3A_298 = vector.broadcast %add3A_297 : i32 to vector<16xi32>
    %add3A_299 = arith.addi %add3A_294, %add3A_298 : vector<16xi32>
    %gather3A_300 = tpu.vector_load_idx %arg6[%add3A_299] : memref<4096xi32, #tpu.memory_space<vmem>>[vector<16xi32>], vector<16xi32>,
    %gather3A_301 = tpu.vector_load_idx %arg5[%gather3A_300] : memref<100000xf32, #tpu.memory_space<vmem>>[vector<16xi32>], vector<16xf32>,
    %add3A_302 = arith.addf %gather3A_296, %gather3A_301 : vector<16xf32>
    %add3A_303 = arith.constant 2 : i32
    %add3A_304 = vector.broadcast %add3A_303 : i32 to vector<16xi32>
    %add3A_305 = arith.addi %add3A_294, %add3A_304 : vector<16xi32>
    %gather3A_306 = tpu.vector_load_idx %arg6[%add3A_305] : memref<4096xi32, #tpu.memory_space<vmem>>[vector<16xi32>], vector<16xi32>,
    %gather3A_307 = tpu.vector_load_idx %arg5[%gather3A_306] : memref<100000xf32, #tpu.memory_space<vmem>>[vector<16xi32>], vector<16xf32>,
    %add3A_308 = arith.addf %add3A_302, %gather3A_307 : vector<16xf32>
    %add3A_309 = arith.constant 3 : i32
    %add3A_310 = vector.broadcast %add3A_309 : i32 to vector<16xi32>
    %add3A_311 = arith.addi %add3A_294, %add3A_310 : vector<16xi32>
    %gather3A_312 = tpu.vector_load_idx %arg6[%add3A_311] : memref<4096xi32, #tpu.memory_space<vmem>>[vector<16xi32>], vector<16xi32>,
    %gather3A_313 = tpu.vector_load_idx %arg5[%gather3A_312] : memref<100000xf32, #tpu.memory_space<vmem>>[vector<16xi32>], vector<16xf32>,
    %add3A_314 = arith.addf %add3A_308, %gather3A_313 : vector<16xf32>
    %mul3A_315 = arith.constant 2.500000e-01 : f32
    %mul3A_316 = vector.broadcast %mul3A_315 : f32 to vector<16xf32>
    %mul3A_317 = arith.mulf %add3A_314, %mul3A_316 : vector<16xf32>
    %swap3A_318 = arith.constant 160 : index
    %swap3A_319 = tpu.vector_load %arg7[%swap3A_318] {strides = array<i32>} : memref<1024xf32, #tpu.memory_space<vmem>>, vector<16xf32>,
    tpu.vector_store %arg7[%swap3A_318], %mul3A_317 {strides = array<i32>} : memref<1024xf32, #tpu.memory_space<vmem>>, vector<16xf32>,
    %add3A_320 = arith.constant 704 : i32
    %add3A_321 = vector.broadcast %add3A_320 : i32 to vector<16xi32>
    %add3A_322 = arith.addi %mul3A_13, %add3A_321 : vector<16xi32>
    %gather3A_323 = tpu.vector_load_idx %arg6[%add3A_322] : memref<4096xi32, #tpu.memory_space<vmem>>[vector<16xi32>], vector<16xi32>,
    %gather3A_324 = tpu.vector_load_idx %arg5[%gather3A_323] : memref<100000xf32, #tpu.memory_space<vmem>>[vector<16xi32>], vector<16xf32>,
    %add3A_325 = arith.constant 1 : i32
    %add3A_326 = vector.broadcast %add3A_325 : i32 to vector<16xi32>
    %add3A_327 = arith.addi %add3A_322, %add3A_326 : vector<16xi32>
    %gather3A_328 = tpu.vector_load_idx %arg6[%add3A_327] : memref<4096xi32, #tpu.memory_space<vmem>>[vector<16xi32>], vector<16xi32>,
    %gather3A_329 = tpu.vector_load_idx %arg5[%gather3A_328] : memref<100000xf32, #tpu.memory_space<vmem>>[vector<16xi32>], vector<16xf32>,
    %add3A_330 = arith.addf %gather3A_324, %gather3A_329 : vector<16xf32>
    %add3A_331 = arith.constant 2 : i32
    %add3A_332 = vector.broadcast %add3A_331 : i32 to vector<16xi32>
    %add3A_333 = arith.addi %add3A_322, %add3A_332 : vector<16xi32>
    %gather3A_334 = tpu.vector_load_idx %arg6[%add3A_333] : memref<4096xi32, #tpu.memory_space<vmem>>[vector<16xi32>], vector<16xi32>,
    %gather3A_335 = tpu.vector_load_idx %arg5[%gather3A_334] : memref<100000xf32, #tpu.memory_space<vmem>>[vector<16xi32>], vector<16xf32>,
    %add3A_336 = arith.addf %add3A_330, %gather3A_335 : vector<16xf32>
    %add3A_337 = arith.constant 3 : i32
    %add3A_338 = vector.broadcast %add3A_337 : i32 to vector<16xi32>
    %add3A_339 = arith.addi %add3A_322, %add3A_338 : vector<16xi32>
    %gather3A_340 = tpu.vector_load_idx %arg6[%add3A_339] : memref<4096xi32, #tpu.memory_space<vmem>>[vector<16xi32>], vector<16xi32>,
    %gather3A_341 = tpu.vector_load_idx %arg5[%gather3A_340] : memref<100000xf32, #tpu.memory_space<vmem>>[vector<16xi32>], vector<16xf32>,
    %add3A_342 = arith.addf %add3A_336, %gather3A_341 : vector<16xf32>
    %mul3A_343 = arith.constant 2.500000e-01 : f32
    %mul3A_344 = vector.broadcast %mul3A_343 : f32 to vector<16xf32>
    %mul3A_345 = arith.mulf %add3A_342, %mul3A_344 : vector<16xf32>
    %swap3A_346 = arith.constant 176 : index
    %swap3A_347 = tpu.vector_load %arg7[%swap3A_346] {strides = array<i32>} : memref<1024xf32, #tpu.memory_space<vmem>>, vector<16xf32>,
    tpu.vector_store %arg7[%swap3A_346], %mul3A_345 {strides = array<i32>} : memref<1024xf32, #tpu.memory_space<vmem>>, vector<16xf32>,
    %add3A_348 = arith.constant 768 : i32
    %add3A_349 = vector.broadcast %add3A_348 : i32 to vector<16xi32>
    %add3A_350 = arith.addi %mul3A_13, %add3A_349 : vector<16xi32>
    %gather3A_351 = tpu.vector_load_idx %arg6[%add3A_350] : memref<4096xi32, #tpu.memory_space<vmem>>[vector<16xi32>], vector<16xi32>,
    %gather3A_352 = tpu.vector_load_idx %arg5[%gather3A_351] : memref<100000xf32, #tpu.memory_space<vmem>>[vector<16xi32>], vector<16xf32>,
    %add3A_353 = arith.constant 1 : i32
    %add3A_354 = vector.broadcast %add3A_353 : i32 to vector<16xi32>
    %add3A_355 = arith.addi %add3A_350, %add3A_354 : vector<16xi32>
    %gather3A_356 = tpu.vector_load_idx %arg6[%add3A_355] : memref<4096xi32, #tpu.memory_space<vmem>>[vector<16xi32>], vector<16xi32>,
    %gather3A_357 = tpu.vector_load_idx %arg5[%gather3A_356] : memref<100000xf32, #tpu.memory_space<vmem>>[vector<16xi32>], vector<16xf32>,
    %add3A_358 = arith.addf %gather3A_352, %gather3A_357 : vector<16xf32>
    %add3A_359 = arith.constant 2 : i32
    %add3A_360 = vector.broadcast %add3A_359 : i32 to vector<16xi32>
    %add3A_361 = arith.addi %add3A_350, %add3A_360 : vector<16xi32>
    %gather3A_362 = tpu.vector_load_idx %arg6[%add3A_361] : memref<4096xi32, #tpu.memory_space<vmem>>[vector<16xi32>], vector<16xi32>,
    %gather3A_363 = tpu.vector_load_idx %arg5[%gather3A_362] : memref<100000xf32, #tpu.memory_space<vmem>>[vector<16xi32>], vector<16xf32>,
    %add3A_364 = arith.addf %add3A_358, %gather3A_363 : vector<16xf32>
    %add3A_365 = arith.constant 3 : i32
    %add3A_366 = vector.broadcast %add3A_365 : i32 to vector<16xi32>
    %add3A_367 = arith.addi %add3A_350, %add3A_366 : vector<16xi32>
    %gather3A_368 = tpu.vector_load_idx %arg6[%add3A_367] : memref<4096xi32, #tpu.memory_space<vmem>>[vector<16xi32>], vector<16xi32>,
    %gather3A_369 = tpu.vector_load_idx %arg5[%gather3A_368] : memref<100000xf32, #tpu.memory_space<vmem>>[vector<16xi32>], vector<16xf32>,
    %add3A_370 = arith.addf %add3A_364, %gather3A_369 : vector<16xf32>
    %mul3A_371 = arith.constant 2.500000e-01 : f32
    %mul3A_372 = vector.broadcast %mul3A_371 : f32 to vector<16xf32>
    %mul3A_373 = arith.mulf %add3A_370, %mul3A_372 : vector<16xf32>
    %swap3A_374 = arith.constant 192 : index
    %swap3A_375 = tpu.vector_load %arg7[%swap3A_374] {strides = array<i32>} : memref<1024xf32, #tpu.memory_space<vmem>>, vector<16xf32>,
    tpu.vector_store %arg7[%swap3A_374], %mul3A_373 {strides = array<i32>} : memref<1024xf32, #tpu.memory_space<vmem>>, vector<16xf32>,
    %add3A_376 = arith.constant 832 : i32
    %add3A_377 = vector.broadcast %add3A_376 : i32 to vector<16xi32>
    %add3A_378 = arith.addi %mul3A_13, %add3A_377 : vector<16xi32>
    %gather3A_379 = tpu.vector_load_idx %arg6[%add3A_378] : memref<4096xi32, #tpu.memory_space<vmem>>[vector<16xi32>], vector<16xi32>,
    %gather3A_380 = tpu.vector_load_idx %arg5[%gather3A_379] : memref<100000xf32, #tpu.memory_space<vmem>>[vector<16xi32>], vector<16xf32>,
    %add3A_381 = arith.constant 1 : i32
    %add3A_382 = vector.broadcast %add3A_381 : i32 to vector<16xi32>
    %add3A_383 = arith.addi %add3A_378, %add3A_382 : vector<16xi32>
    %gather3A_384 = tpu.vector_load_idx %arg6[%add3A_383] : memref<4096xi32, #tpu.memory_space<vmem>>[vector<16xi32>], vector<16xi32>,
    %gather3A_385 = tpu.vector_load_idx %arg5[%gather3A_384] : memref<100000xf32, #tpu.memory_space<vmem>>[vector<16xi32>], vector<16xf32>,
    %add3A_386 = arith.addf %gather3A_380, %gather3A_385 : vector<16xf32>
    %add3A_387 = arith.constant 2 : i32
    %add3A_388 = vector.broadcast %add3A_387 : i32 to vector<16xi32>
    %add3A_389 = arith.addi %add3A_378, %add3A_388 : vector<16xi32>
    %gather3A_390 = tpu.vector_load_idx %arg6[%add3A_389] : memref<4096xi32, #tpu.memory_space<vmem>>[vector<16xi32>], vector<16xi32>,
    %gather3A_391 = tpu.vector_load_idx %arg5[%gather3A_390] : memref<100000xf32, #tpu.memory_space<vmem>>[vector<16xi32>], vector<16xf32>,
    %add3A_392 = arith.addf %add3A_386, %gather3A_391 : vector<16xf32>
    %add3A_393 = arith.constant 3 : i32
    %add3A_394 = vector.broadcast %add3A_393 : i32 to vector<16xi32>
    %add3A_395 = arith.addi %add3A_378, %add3A_394 : vector<16xi32>
    %gather3A_396 = tpu.vector_load_idx %arg6[%add3A_395] : memref<4096xi32, #tpu.memory_space<vmem>>[vector<16xi32>], vector<16xi32>,
    %gather3A_397 = tpu.vector_load_idx %arg5[%gather3A_396] : memref<100000xf32, #tpu.memory_space<vmem>>[vector<16xi32>], vector<16xf32>,
    %add3A_398 = arith.addf %add3A_392, %gather3A_397 : vector<16xf32>
    %mul3A_399 = arith.constant 2.500000e-01 : f32
    %mul3A_400 = vector.broadcast %mul3A_399 : f32 to vector<16xf32>
    %mul3A_401 = arith.mulf %add3A_398, %mul3A_400 : vector<16xf32>
    %swap3A_402 = arith.constant 208 : index
    %swap3A_403 = tpu.vector_load %arg7[%swap3A_402] {strides = array<i32>} : memref<1024xf32, #tpu.memory_space<vmem>>, vector<16xf32>,
    tpu.vector_store %arg7[%swap3A_402], %mul3A_401 {strides = array<i32>} : memref<1024xf32, #tpu.memory_space<vmem>>, vector<16xf32>,
    %add3A_404 = arith.constant 896 : i32
    %add3A_405 = vector.broadcast %add3A_404 : i32 to vector<16xi32>
    %add3A_406 = arith.addi %mul3A_13, %add3A_405 : vector<16xi32>
    %gather3A_407 = tpu.vector_load_idx %arg6[%add3A_406] : memref<4096xi32, #tpu.memory_space<vmem>>[vector<16xi32>], vector<16xi32>,
    %gather3A_408 = tpu.vector_load_idx %arg5[%gather3A_407] : memref<100000xf32, #tpu.memory_space<vmem>>[vector<16xi32>], vector<16xf32>,
    %add3A_409 = arith.constant 1 : i32
    %add3A_410 = vector.broadcast %add3A_409 : i32 to vector<16xi32>
    %add3A_411 = arith.addi %add3A_406, %add3A_410 : vector<16xi32>
    %gather3A_412 = tpu.vector_load_idx %arg6[%add3A_411] : memref<4096xi32, #tpu.memory_space<vmem>>[vector<16xi32>], vector<16xi32>,
    %gather3A_413 = tpu.vector_load_idx %arg5[%gather3A_412] : memref<100000xf32, #tpu.memory_space<vmem>>[vector<16xi32>], vector<16xf32>,
    %add3A_414 = arith.addf %gather3A_408, %gather3A_413 : vector<16xf32>
    %add3A_415 = arith.constant 2 : i32
    %add3A_416 = vector.broadcast %add3A_415 : i32 to vector<16xi32>
    %add3A_417 = arith.addi %add3A_406, %add3A_416 : vector<16xi32>
    %gather3A_418 = tpu.vector_load_idx %arg6[%add3A_417] : memref<4096xi32, #tpu.memory_space<vmem>>[vector<16xi32>], vector<16xi32>,
    %gather3A_419 = tpu.vector_load_idx %arg5[%gather3A_418] : memref<100000xf32, #tpu.memory_space<vmem>>[vector<16xi32>], vector<16xf32>,
    %add3A_420 = arith.addf %add3A_414, %gather3A_419 : vector<16xf32>
    %add3A_421 = arith.constant 3 : i32
    %add3A_422 = vector.broadcast %add3A_421 : i32 to vector<16xi32>
    %add3A_423 = arith.addi %add3A_406, %add3A_422 : vector<16xi32>
    %gather3A_424 = tpu.vector_load_idx %arg6[%add3A_423] : memref<4096xi32, #tpu.memory_space<vmem>>[vector<16xi32>], vector<16xi32>,
    %gather3A_425 = tpu.vector_load_idx %arg5[%gather3A_424] : memref<100000xf32, #tpu.memory_space<vmem>>[vector<16xi32>], vector<16xf32>,
    %add3A_426 = arith.addf %add3A_420, %gather3A_425 : vector<16xf32>
    %mul3A_427 = arith.constant 2.500000e-01 : f32
    %mul3A_428 = vector.broadcast %mul3A_427 : f32 to vector<16xf32>
    %mul3A_429 = arith.mulf %add3A_426, %mul3A_428 : vector<16xf32>
    %swap3A_430 = arith.constant 224 : index
    %swap3A_431 = tpu.vector_load %arg7[%swap3A_430] {strides = array<i32>} : memref<1024xf32, #tpu.memory_space<vmem>>, vector<16xf32>,
    tpu.vector_store %arg7[%swap3A_430], %mul3A_429 {strides = array<i32>} : memref<1024xf32, #tpu.memory_space<vmem>>, vector<16xf32>,
    %add3A_432 = arith.constant 960 : i32
    %add3A_433 = vector.broadcast %add3A_432 : i32 to vector<16xi32>
    %add3A_434 = arith.addi %mul3A_13, %add3A_433 : vector<16xi32>
    %gather3A_435 = tpu.vector_load_idx %arg6[%add3A_434] : memref<4096xi32, #tpu.memory_space<vmem>>[vector<16xi32>], vector<16xi32>,
    %gather3A_436 = tpu.vector_load_idx %arg5[%gather3A_435] : memref<100000xf32, #tpu.memory_space<vmem>>[vector<16xi32>], vector<16xf32>,
    %add3A_437 = arith.constant 1 : i32
    %add3A_438 = vector.broadcast %add3A_437 : i32 to vector<16xi32>
    %add3A_439 = arith.addi %add3A_434, %add3A_438 : vector<16xi32>
    %gather3A_440 = tpu.vector_load_idx %arg6[%add3A_439] : memref<4096xi32, #tpu.memory_space<vmem>>[vector<16xi32>], vector<16xi32>,
    %gather3A_441 = tpu.vector_load_idx %arg5[%gather3A_440] : memref<100000xf32, #tpu.memory_space<vmem>>[vector<16xi32>], vector<16xf32>,
    %add3A_442 = arith.addf %gather3A_436, %gather3A_441 : vector<16xf32>
    %add3A_443 = arith.constant 2 : i32
    %add3A_444 = vector.broadcast %add3A_443 : i32 to vector<16xi32>
    %add3A_445 = arith.addi %add3A_434, %add3A_444 : vector<16xi32>
    %gather3A_446 = tpu.vector_load_idx %arg6[%add3A_445] : memref<4096xi32, #tpu.memory_space<vmem>>[vector<16xi32>], vector<16xi32>,
    %gather3A_447 = tpu.vector_load_idx %arg5[%gather3A_446] : memref<100000xf32, #tpu.memory_space<vmem>>[vector<16xi32>], vector<16xf32>,
    %add3A_448 = arith.addf %add3A_442, %gather3A_447 : vector<16xf32>
    %add3A_449 = arith.constant 3 : i32
    %add3A_450 = vector.broadcast %add3A_449 : i32 to vector<16xi32>
    %add3A_451 = arith.addi %add3A_434, %add3A_450 : vector<16xi32>
    %gather3A_452 = tpu.vector_load_idx %arg6[%add3A_451] : memref<4096xi32, #tpu.memory_space<vmem>>[vector<16xi32>], vector<16xi32>,
    %gather3A_453 = tpu.vector_load_idx %arg5[%gather3A_452] : memref<100000xf32, #tpu.memory_space<vmem>>[vector<16xi32>], vector<16xf32>,
    %add3A_454 = arith.addf %add3A_448, %gather3A_453 : vector<16xf32>
    %mul3A_455 = arith.constant 2.500000e-01 : f32
    %mul3A_456 = vector.broadcast %mul3A_455 : f32 to vector<16xf32>
    %mul3A_457 = arith.mulf %add3A_454, %mul3A_456 : vector<16xf32>
    %swap3A_458 = arith.constant 240 : index
    %swap3A_459 = tpu.vector_load %arg7[%swap3A_458] {strides = array<i32>} : memref<1024xf32, #tpu.memory_space<vmem>>, vector<16xf32>,
    tpu.vector_store %arg7[%swap3A_458], %mul3A_457 {strides = array<i32>} : memref<1024xf32, #tpu.memory_space<vmem>>, vector<16xf32>,
    %add3A_460 = arith.constant 1024 : i32
    %add3A_461 = vector.broadcast %add3A_460 : i32 to vector<16xi32>
    %add3A_462 = arith.addi %mul3A_13, %add3A_461 : vector<16xi32>
    %gather3A_463 = tpu.vector_load_idx %arg6[%add3A_462] : memref<4096xi32, #tpu.memory_space<vmem>>[vector<16xi32>], vector<16xi32>,
    %gather3A_464 = tpu.vector_load_idx %arg5[%gather3A_463] : memref<100000xf32, #tpu.memory_space<vmem>>[vector<16xi32>], vector<16xf32>,
    %add3A_465 = arith.constant 1 : i32
    %add3A_466 = vector.broadcast %add3A_465 : i32 to vector<16xi32>
    %add3A_467 = arith.addi %add3A_462, %add3A_466 : vector<16xi32>
    %gather3A_468 = tpu.vector_load_idx %arg6[%add3A_467] : memref<4096xi32, #tpu.memory_space<vmem>>[vector<16xi32>], vector<16xi32>,
    %gather3A_469 = tpu.vector_load_idx %arg5[%gather3A_468] : memref<100000xf32, #tpu.memory_space<vmem>>[vector<16xi32>], vector<16xf32>,
    %add3A_470 = arith.addf %gather3A_464, %gather3A_469 : vector<16xf32>
    %add3A_471 = arith.constant 2 : i32
    %add3A_472 = vector.broadcast %add3A_471 : i32 to vector<16xi32>
    %add3A_473 = arith.addi %add3A_462, %add3A_472 : vector<16xi32>
    %gather3A_474 = tpu.vector_load_idx %arg6[%add3A_473] : memref<4096xi32, #tpu.memory_space<vmem>>[vector<16xi32>], vector<16xi32>,
    %gather3A_475 = tpu.vector_load_idx %arg5[%gather3A_474] : memref<100000xf32, #tpu.memory_space<vmem>>[vector<16xi32>], vector<16xf32>,
    %add3A_476 = arith.addf %add3A_470, %gather3A_475 : vector<16xf32>
    %add3A_477 = arith.constant 3 : i32
    %add3A_478 = vector.broadcast %add3A_477 : i32 to vector<16xi32>
    %add3A_479 = arith.addi %add3A_462, %add3A_478 : vector<16xi32>
    %gather3A_480 = tpu.vector_load_idx %arg6[%add3A_479] : memref<4096xi32, #tpu.memory_space<vmem>>[vector<16xi32>], vector<16xi32>,
    %gather3A_481 = tpu.vector_load_idx %arg5[%gather3A_480] : memref<100000xf32, #tpu.memory_space<vmem>>[vector<16xi32>], vector<16xf32>,
    %add3A_482 = arith.addf %add3A_476, %gather3A_481 : vector<16xf32>
    %mul3A_483 = arith.constant 2.500000e-01 : f32
    %mul3A_484 = vector.broadcast %mul3A_483 : f32 to vector<16xf32>
    %mul3A_485 = arith.mulf %add3A_482, %mul3A_484 : vector<16xf32>
    %swap3A_486 = arith.constant 256 : index
    %swap3A_487 = tpu.vector_load %arg7[%swap3A_486] {strides = array<i32>} : memref<1024xf32, #tpu.memory_space<vmem>>, vector<16xf32>,
    tpu.vector_store %arg7[%swap3A_486], %mul3A_485 {strides = array<i32>} : memref<1024xf32, #tpu.memory_space<vmem>>, vector<16xf32>,
    %add3A_488 = arith.constant 1088 : i32
    %add3A_489 = vector.broadcast %add3A_488 : i32 to vector<16xi32>
    %add3A_490 = arith.addi %mul3A_13, %add3A_489 : vector<16xi32>
    %gather3A_491 = tpu.vector_load_idx %arg6[%add3A_490] : memref<4096xi32, #tpu.memory_space<vmem>>[vector<16xi32>], vector<16xi32>,
    %gather3A_492 = tpu.vector_load_idx %arg5[%gather3A_491] : memref<100000xf32, #tpu.memory_space<vmem>>[vector<16xi32>], vector<16xf32>,
    %add3A_493 = arith.constant 1 : i32
    %add3A_494 = vector.broadcast %add3A_493 : i32 to vector<16xi32>
    %add3A_495 = arith.addi %add3A_490, %add3A_494 : vector<16xi32>
    %gather3A_496 = tpu.vector_load_idx %arg6[%add3A_495] : memref<4096xi32, #tpu.memory_space<vmem>>[vector<16xi32>], vector<16xi32>,
    %gather3A_497 = tpu.vector_load_idx %arg5[%gather3A_496] : memref<100000xf32, #tpu.memory_space<vmem>>[vector<16xi32>], vector<16xf32>,
    %add3A_498 = arith.addf %gather3A_492, %gather3A_497 : vector<16xf32>
    %add3A_499 = arith.constant 2 : i32
    %add3A_500 = vector.broadcast %add3A_499 : i32 to vector<16xi32>
    %add3A_501 = arith.addi %add3A_490, %add3A_500 : vector<16xi32>
    %gather3A_502 = tpu.vector_load_idx %arg6[%add3A_501] : memref<4096xi32, #tpu.memory_space<vmem>>[vector<16xi32>], vector<16xi32>,
    %gather3A_503 = tpu.vector_load_idx %arg5[%gather3A_502] : memref<100000xf32, #tpu.memory_space<vmem>>[vector<16xi32>], vector<16xf32>,
    %add3A_504 = arith.addf %add3A_498, %gather3A_503 : vector<16xf32>
    %add3A_505 = arith.constant 3 : i32
    %add3A_506 = vector.broadcast %add3A_505 : i32 to vector<16xi32>
    %add3A_507 = arith.addi %add3A_490, %add3A_506 : vector<16xi32>
    %gather3A_508 = tpu.vector_load_idx %arg6[%add3A_507] : memref<4096xi32, #tpu.memory_space<vmem>>[vector<16xi32>], vector<16xi32>,
    %gather3A_509 = tpu.vector_load_idx %arg5[%gather3A_508] : memref<100000xf32, #tpu.memory_space<vmem>>[vector<16xi32>], vector<16xf32>,
    %add3A_510 = arith.addf %add3A_504, %gather3A_509 : vector<16xf32>
    %mul3A_511 = arith.constant 2.500000e-01 : f32
    %mul3A_512 = vector.broadcast %mul3A_511 : f32 to vector<16xf32>
    %mul3A_513 = arith.mulf %add3A_510, %mul3A_512 : vector<16xf32>
    %swap3A_514 = arith.constant 272 : index
    %swap3A_515 = tpu.vector_load %arg7[%swap3A_514] {strides = array<i32>} : memref<1024xf32, #tpu.memory_space<vmem>>, vector<16xf32>,
    tpu.vector_store %arg7[%swap3A_514], %mul3A_513 {strides = array<i32>} : memref<1024xf32, #tpu.memory_space<vmem>>, vector<16xf32>,
    %add3A_516 = arith.constant 1152 : i32
    %add3A_517 = vector.broadcast %add3A_516 : i32 to vector<16xi32>
    %add3A_518 = arith.addi %mul3A_13, %add3A_517 : vector<16xi32>
    %gather3A_519 = tpu.vector_load_idx %arg6[%add3A_518] : memref<4096xi32, #tpu.memory_space<vmem>>[vector<16xi32>], vector<16xi32>,
    %gather3A_520 = tpu.vector_load_idx %arg5[%gather3A_519] : memref<100000xf32, #tpu.memory_space<vmem>>[vector<16xi32>], vector<16xf32>,
    %add3A_521 = arith.constant 1 : i32
    %add3A_522 = vector.broadcast %add3A_521 : i32 to vector<16xi32>
    %add3A_523 = arith.addi %add3A_518, %add3A_522 : vector<16xi32>
    %gather3A_524 = tpu.vector_load_idx %arg6[%add3A_523] : memref<4096xi32, #tpu.memory_space<vmem>>[vector<16xi32>], vector<16xi32>,
    %gather3A_525 = tpu.vector_load_idx %arg5[%gather3A_524] : memref<100000xf32, #tpu.memory_space<vmem>>[vector<16xi32>], vector<16xf32>,
    %add3A_526 = arith.addf %gather3A_520, %gather3A_525 : vector<16xf32>
    %add3A_527 = arith.constant 2 : i32
    %add3A_528 = vector.broadcast %add3A_527 : i32 to vector<16xi32>
    %add3A_529 = arith.addi %add3A_518, %add3A_528 : vector<16xi32>
    %gather3A_530 = tpu.vector_load_idx %arg6[%add3A_529] : memref<4096xi32, #tpu.memory_space<vmem>>[vector<16xi32>], vector<16xi32>,
    %gather3A_531 = tpu.vector_load_idx %arg5[%gather3A_530] : memref<100000xf32, #tpu.memory_space<vmem>>[vector<16xi32>], vector<16xf32>,
    %add3A_532 = arith.addf %add3A_526, %gather3A_531 : vector<16xf32>
    %add3A_533 = arith.constant 3 : i32
    %add3A_534 = vector.broadcast %add3A_533 : i32 to vector<16xi32>
    %add3A_535 = arith.addi %add3A_518, %add3A_534 : vector<16xi32>
    %gather3A_536 = tpu.vector_load_idx %arg6[%add3A_535] : memref<4096xi32, #tpu.memory_space<vmem>>[vector<16xi32>], vector<16xi32>,
    %gather3A_537 = tpu.vector_load_idx %arg5[%gather3A_536] : memref<100000xf32, #tpu.memory_space<vmem>>[vector<16xi32>], vector<16xf32>,
    %add3A_538 = arith.addf %add3A_532, %gather3A_537 : vector<16xf32>
    %mul3A_539 = arith.constant 2.500000e-01 : f32
    %mul3A_540 = vector.broadcast %mul3A_539 : f32 to vector<16xf32>
    %mul3A_541 = arith.mulf %add3A_538, %mul3A_540 : vector<16xf32>
    %swap3A_542 = arith.constant 288 : index
    %swap3A_543 = tpu.vector_load %arg7[%swap3A_542] {strides = array<i32>} : memref<1024xf32, #tpu.memory_space<vmem>>, vector<16xf32>,
    tpu.vector_store %arg7[%swap3A_542], %mul3A_541 {strides = array<i32>} : memref<1024xf32, #tpu.memory_space<vmem>>, vector<16xf32>,
    %add3A_544 = arith.constant 1216 : i32
    %add3A_545 = vector.broadcast %add3A_544 : i32 to vector<16xi32>
    %add3A_546 = arith.addi %mul3A_13, %add3A_545 : vector<16xi32>
    %gather3A_547 = tpu.vector_load_idx %arg6[%add3A_546] : memref<4096xi32, #tpu.memory_space<vmem>>[vector<16xi32>], vector<16xi32>,
    %gather3A_548 = tpu.vector_load_idx %arg5[%gather3A_547] : memref<100000xf32, #tpu.memory_space<vmem>>[vector<16xi32>], vector<16xf32>,
    %add3A_549 = arith.constant 1 : i32
    %add3A_550 = vector.broadcast %add3A_549 : i32 to vector<16xi32>
    %add3A_551 = arith.addi %add3A_546, %add3A_550 : vector<16xi32>
    %gather3A_552 = tpu.vector_load_idx %arg6[%add3A_551] : memref<4096xi32, #tpu.memory_space<vmem>>[vector<16xi32>], vector<16xi32>,
    %gather3A_553 = tpu.vector_load_idx %arg5[%gather3A_552] : memref<100000xf32, #tpu.memory_space<vmem>>[vector<16xi32>], vector<16xf32>,
    %add3A_554 = arith.addf %gather3A_548, %gather3A_553 : vector<16xf32>
    %add3A_555 = arith.constant 2 : i32
    %add3A_556 = vector.broadcast %add3A_555 : i32 to vector<16xi32>
    %add3A_557 = arith.addi %add3A_546, %add3A_556 : vector<16xi32>
    %gather3A_558 = tpu.vector_load_idx %arg6[%add3A_557] : memref<4096xi32, #tpu.memory_space<vmem>>[vector<16xi32>], vector<16xi32>,
    %gather3A_559 = tpu.vector_load_idx %arg5[%gather3A_558] : memref<100000xf32, #tpu.memory_space<vmem>>[vector<16xi32>], vector<16xf32>,
    %add3A_560 = arith.addf %add3A_554, %gather3A_559 : vector<16xf32>
    %add3A_561 = arith.constant 3 : i32
    %add3A_562 = vector.broadcast %add3A_561 : i32 to vector<16xi32>
    %add3A_563 = arith.addi %add3A_546, %add3A_562 : vector<16xi32>
    %gather3A_564 = tpu.vector_load_idx %arg6[%add3A_563] : memref<4096xi32, #tpu.memory_space<vmem>>[vector<16xi32>], vector<16xi32>,
    %gather3A_565 = tpu.vector_load_idx %arg5[%gather3A_564] : memref<100000xf32, #tpu.memory_space<vmem>>[vector<16xi32>], vector<16xf32>,
    %add3A_566 = arith.addf %add3A_560, %gather3A_565 : vector<16xf32>
    %mul3A_567 = arith.constant 2.500000e-01 : f32
    %mul3A_568 = vector.broadcast %mul3A_567 : f32 to vector<16xf32>
    %mul3A_569 = arith.mulf %add3A_566, %mul3A_568 : vector<16xf32>
    %swap3A_570 = arith.constant 304 : index
    %swap3A_571 = tpu.vector_load %arg7[%swap3A_570] {strides = array<i32>} : memref<1024xf32, #tpu.memory_space<vmem>>, vector<16xf32>,
    tpu.vector_store %arg7[%swap3A_570], %mul3A_569 {strides = array<i32>} : memref<1024xf32, #tpu.memory_space<vmem>>, vector<16xf32>,
    %add3A_572 = arith.constant 1280 : i32
    %add3A_573 = vector.broadcast %add3A_572 : i32 to vector<16xi32>
    %add3A_574 = arith.addi %mul3A_13, %add3A_573 : vector<16xi32>
    %gather3A_575 = tpu.vector_load_idx %arg6[%add3A_574] : memref<4096xi32, #tpu.memory_space<vmem>>[vector<16xi32>], vector<16xi32>,
    %gather3A_576 = tpu.vector_load_idx %arg5[%gather3A_575] : memref<100000xf32, #tpu.memory_space<vmem>>[vector<16xi32>], vector<16xf32>,
    %add3A_577 = arith.constant 1 : i32
    %add3A_578 = vector.broadcast %add3A_577 : i32 to vector<16xi32>
    %add3A_579 = arith.addi %add3A_574, %add3A_578 : vector<16xi32>
    %gather3A_580 = tpu.vector_load_idx %arg6[%add3A_579] : memref<4096xi32, #tpu.memory_space<vmem>>[vector<16xi32>], vector<16xi32>,
    %gather3A_581 = tpu.vector_load_idx %arg5[%gather3A_580] : memref<100000xf32, #tpu.memory_space<vmem>>[vector<16xi32>], vector<16xf32>,
    %add3A_582 = arith.addf %gather3A_576, %gather3A_581 : vector<16xf32>
    %add3A_583 = arith.constant 2 : i32
    %add3A_584 = vector.broadcast %add3A_583 : i32 to vector<16xi32>
    %add3A_585 = arith.addi %add3A_574, %add3A_584 : vector<16xi32>
    %gather3A_586 = tpu.vector_load_idx %arg6[%add3A_585] : memref<4096xi32, #tpu.memory_space<vmem>>[vector<16xi32>], vector<16xi32>,
    %gather3A_587 = tpu.vector_load_idx %arg5[%gather3A_586] : memref<100000xf32, #tpu.memory_space<vmem>>[vector<16xi32>], vector<16xf32>,
    %add3A_588 = arith.addf %add3A_582, %gather3A_587 : vector<16xf32>
    %add3A_589 = arith.constant 3 : i32
    %add3A_590 = vector.broadcast %add3A_589 : i32 to vector<16xi32>
    %add3A_591 = arith.addi %add3A_574, %add3A_590 : vector<16xi32>
    %gather3A_592 = tpu.vector_load_idx %arg6[%add3A_591] : memref<4096xi32, #tpu.memory_space<vmem>>[vector<16xi32>], vector<16xi32>,
    %gather3A_593 = tpu.vector_load_idx %arg5[%gather3A_592] : memref<100000xf32, #tpu.memory_space<vmem>>[vector<16xi32>], vector<16xf32>,
    %add3A_594 = arith.addf %add3A_588, %gather3A_593 : vector<16xf32>
    %mul3A_595 = arith.constant 2.500000e-01 : f32
    %mul3A_596 = vector.broadcast %mul3A_595 : f32 to vector<16xf32>
    %mul3A_597 = arith.mulf %add3A_594, %mul3A_596 : vector<16xf32>
    %swap3A_598 = arith.constant 320 : index
    %swap3A_599 = tpu.vector_load %arg7[%swap3A_598] {strides = array<i32>} : memref<1024xf32, #tpu.memory_space<vmem>>, vector<16xf32>,
    tpu.vector_store %arg7[%swap3A_598], %mul3A_597 {strides = array<i32>} : memref<1024xf32, #tpu.memory_space<vmem>>, vector<16xf32>,
    %add3A_600 = arith.constant 1344 : i32
    %add3A_601 = vector.broadcast %add3A_600 : i32 to vector<16xi32>
    %add3A_602 = arith.addi %mul3A_13, %add3A_601 : vector<16xi32>
    %gather3A_603 = tpu.vector_load_idx %arg6[%add3A_602] : memref<4096xi32, #tpu.memory_space<vmem>>[vector<16xi32>], vector<16xi32>,
    %gather3A_604 = tpu.vector_load_idx %arg5[%gather3A_603] : memref<100000xf32, #tpu.memory_space<vmem>>[vector<16xi32>], vector<16xf32>,
    %add3A_605 = arith.constant 1 : i32
    %add3A_606 = vector.broadcast %add3A_605 : i32 to vector<16xi32>
    %add3A_607 = arith.addi %add3A_602, %add3A_606 : vector<16xi32>
    %gather3A_608 = tpu.vector_load_idx %arg6[%add3A_607] : memref<4096xi32, #tpu.memory_space<vmem>>[vector<16xi32>], vector<16xi32>,
    %gather3A_609 = tpu.vector_load_idx %arg5[%gather3A_608] : memref<100000xf32, #tpu.memory_space<vmem>>[vector<16xi32>], vector<16xf32>,
    %add3A_610 = arith.addf %gather3A_604, %gather3A_609 : vector<16xf32>
    %add3A_611 = arith.constant 2 : i32
    %add3A_612 = vector.broadcast %add3A_611 : i32 to vector<16xi32>
    %add3A_613 = arith.addi %add3A_602, %add3A_612 : vector<16xi32>
    %gather3A_614 = tpu.vector_load_idx %arg6[%add3A_613] : memref<4096xi32, #tpu.memory_space<vmem>>[vector<16xi32>], vector<16xi32>,
    %gather3A_615 = tpu.vector_load_idx %arg5[%gather3A_614] : memref<100000xf32, #tpu.memory_space<vmem>>[vector<16xi32>], vector<16xf32>,
    %add3A_616 = arith.addf %add3A_610, %gather3A_615 : vector<16xf32>
    %add3A_617 = arith.constant 3 : i32
    %add3A_618 = vector.broadcast %add3A_617 : i32 to vector<16xi32>
    %add3A_619 = arith.addi %add3A_602, %add3A_618 : vector<16xi32>
    %gather3A_620 = tpu.vector_load_idx %arg6[%add3A_619] : memref<4096xi32, #tpu.memory_space<vmem>>[vector<16xi32>], vector<16xi32>,
    %gather3A_621 = tpu.vector_load_idx %arg5[%gather3A_620] : memref<100000xf32, #tpu.memory_space<vmem>>[vector<16xi32>], vector<16xf32>,
    %add3A_622 = arith.addf %add3A_616, %gather3A_621 : vector<16xf32>
    %mul3A_623 = arith.constant 2.500000e-01 : f32
    %mul3A_624 = vector.broadcast %mul3A_623 : f32 to vector<16xf32>
    %mul3A_625 = arith.mulf %add3A_622, %mul3A_624 : vector<16xf32>
    %swap3A_626 = arith.constant 336 : index
    %swap3A_627 = tpu.vector_load %arg7[%swap3A_626] {strides = array<i32>} : memref<1024xf32, #tpu.memory_space<vmem>>, vector<16xf32>,
    tpu.vector_store %arg7[%swap3A_626], %mul3A_625 {strides = array<i32>} : memref<1024xf32, #tpu.memory_space<vmem>>, vector<16xf32>,
    %add3A_628 = arith.constant 1408 : i32
    %add3A_629 = vector.broadcast %add3A_628 : i32 to vector<16xi32>
    %add3A_630 = arith.addi %mul3A_13, %add3A_629 : vector<16xi32>
    %gather3A_631 = tpu.vector_load_idx %arg6[%add3A_630] : memref<4096xi32, #tpu.memory_space<vmem>>[vector<16xi32>], vector<16xi32>,
    %gather3A_632 = tpu.vector_load_idx %arg5[%gather3A_631] : memref<100000xf32, #tpu.memory_space<vmem>>[vector<16xi32>], vector<16xf32>,
    %add3A_633 = arith.constant 1 : i32
    %add3A_634 = vector.broadcast %add3A_633 : i32 to vector<16xi32>
    %add3A_635 = arith.addi %add3A_630, %add3A_634 : vector<16xi32>
    %gather3A_636 = tpu.vector_load_idx %arg6[%add3A_635] : memref<4096xi32, #tpu.memory_space<vmem>>[vector<16xi32>], vector<16xi32>,
    %gather3A_637 = tpu.vector_load_idx %arg5[%gather3A_636] : memref<100000xf32, #tpu.memory_space<vmem>>[vector<16xi32>], vector<16xf32>,
    %add3A_638 = arith.addf %gather3A_632, %gather3A_637 : vector<16xf32>
    %add3A_639 = arith.constant 2 : i32
    %add3A_640 = vector.broadcast %add3A_639 : i32 to vector<16xi32>
    %add3A_641 = arith.addi %add3A_630, %add3A_640 : vector<16xi32>
    %gather3A_642 = tpu.vector_load_idx %arg6[%add3A_641] : memref<4096xi32, #tpu.memory_space<vmem>>[vector<16xi32>], vector<16xi32>,
    %gather3A_643 = tpu.vector_load_idx %arg5[%gather3A_642] : memref<100000xf32, #tpu.memory_space<vmem>>[vector<16xi32>], vector<16xf32>,
    %add3A_644 = arith.addf %add3A_638, %gather3A_643 : vector<16xf32>
    %add3A_645 = arith.constant 3 : i32
    %add3A_646 = vector.broadcast %add3A_645 : i32 to vector<16xi32>
    %add3A_647 = arith.addi %add3A_630, %add3A_646 : vector<16xi32>
    %gather3A_648 = tpu.vector_load_idx %arg6[%add3A_647] : memref<4096xi32, #tpu.memory_space<vmem>>[vector<16xi32>], vector<16xi32>,
    %gather3A_649 = tpu.vector_load_idx %arg5[%gather3A_648] : memref<100000xf32, #tpu.memory_space<vmem>>[vector<16xi32>], vector<16xf32>,
    %add3A_650 = arith.addf %add3A_644, %gather3A_649 : vector<16xf32>
    %mul3A_651 = arith.constant 2.500000e-01 : f32
    %mul3A_652 = vector.broadcast %mul3A_651 : f32 to vector<16xf32>
    %mul3A_653 = arith.mulf %add3A_650, %mul3A_652 : vector<16xf32>
    %swap3A_654 = arith.constant 352 : index
    %swap3A_655 = tpu.vector_load %arg7[%swap3A_654] {strides = array<i32>} : memref<1024xf32, #tpu.memory_space<vmem>>, vector<16xf32>,
    tpu.vector_store %arg7[%swap3A_654], %mul3A_653 {strides = array<i32>} : memref<1024xf32, #tpu.memory_space<vmem>>, vector<16xf32>,
    %add3A_656 = arith.constant 1472 : i32
    %add3A_657 = vector.broadcast %add3A_656 : i32 to vector<16xi32>
    %add3A_658 = arith.addi %mul3A_13, %add3A_657 : vector<16xi32>
    %gather3A_659 = tpu.vector_load_idx %arg6[%add3A_658] : memref<4096xi32, #tpu.memory_space<vmem>>[vector<16xi32>], vector<16xi32>,
    %gather3A_660 = tpu.vector_load_idx %arg5[%gather3A_659] : memref<100000xf32, #tpu.memory_space<vmem>>[vector<16xi32>], vector<16xf32>,
    %add3A_661 = arith.constant 1 : i32
    %add3A_662 = vector.broadcast %add3A_661 : i32 to vector<16xi32>
    %add3A_663 = arith.addi %add3A_658, %add3A_662 : vector<16xi32>
    %gather3A_664 = tpu.vector_load_idx %arg6[%add3A_663] : memref<4096xi32, #tpu.memory_space<vmem>>[vector<16xi32>], vector<16xi32>,
    %gather3A_665 = tpu.vector_load_idx %arg5[%gather3A_664] : memref<100000xf32, #tpu.memory_space<vmem>>[vector<16xi32>], vector<16xf32>,
    %add3A_666 = arith.addf %gather3A_660, %gather3A_665 : vector<16xf32>
    %add3A_667 = arith.constant 2 : i32
    %add3A_668 = vector.broadcast %add3A_667 : i32 to vector<16xi32>
    %add3A_669 = arith.addi %add3A_658, %add3A_668 : vector<16xi32>
    %gather3A_670 = tpu.vector_load_idx %arg6[%add3A_669] : memref<4096xi32, #tpu.memory_space<vmem>>[vector<16xi32>], vector<16xi32>,
    %gather3A_671 = tpu.vector_load_idx %arg5[%gather3A_670] : memref<100000xf32, #tpu.memory_space<vmem>>[vector<16xi32>], vector<16xf32>,
    %add3A_672 = arith.addf %add3A_666, %gather3A_671 : vector<16xf32>
    %add3A_673 = arith.constant 3 : i32
    %add3A_674 = vector.broadcast %add3A_673 : i32 to vector<16xi32>
    %add3A_675 = arith.addi %add3A_658, %add3A_674 : vector<16xi32>
    %gather3A_676 = tpu.vector_load_idx %arg6[%add3A_675] : memref<4096xi32, #tpu.memory_space<vmem>>[vector<16xi32>], vector<16xi32>,
    %gather3A_677 = tpu.vector_load_idx %arg5[%gather3A_676] : memref<100000xf32, #tpu.memory_space<vmem>>[vector<16xi32>], vector<16xf32>,
    %add3A_678 = arith.addf %add3A_672, %gather3A_677 : vector<16xf32>
    %mul3A_679 = arith.constant 2.500000e-01 : f32
    %mul3A_680 = vector.broadcast %mul3A_679 : f32 to vector<16xf32>
    %mul3A_681 = arith.mulf %add3A_678, %mul3A_680 : vector<16xf32>
    %swap3A_682 = arith.constant 368 : index
    %swap3A_683 = tpu.vector_load %arg7[%swap3A_682] {strides = array<i32>} : memref<1024xf32, #tpu.memory_space<vmem>>, vector<16xf32>,
    tpu.vector_store %arg7[%swap3A_682], %mul3A_681 {strides = array<i32>} : memref<1024xf32, #tpu.memory_space<vmem>>, vector<16xf32>,
    %add3A_684 = arith.constant 1536 : i32
    %add3A_685 = vector.broadcast %add3A_684 : i32 to vector<16xi32>
    %add3A_686 = arith.addi %mul3A_13, %add3A_685 : vector<16xi32>
    %gather3A_687 = tpu.vector_load_idx %arg6[%add3A_686] : memref<4096xi32, #tpu.memory_space<vmem>>[vector<16xi32>], vector<16xi32>,
    %gather3A_688 = tpu.vector_load_idx %arg5[%gather3A_687] : memref<100000xf32, #tpu.memory_space<vmem>>[vector<16xi32>], vector<16xf32>,
    %add3A_689 = arith.constant 1 : i32
    %add3A_690 = vector.broadcast %add3A_689 : i32 to vector<16xi32>
    %add3A_691 = arith.addi %add3A_686, %add3A_690 : vector<16xi32>
    %gather3A_692 = tpu.vector_load_idx %arg6[%add3A_691] : memref<4096xi32, #tpu.memory_space<vmem>>[vector<16xi32>], vector<16xi32>,
    %gather3A_693 = tpu.vector_load_idx %arg5[%gather3A_692] : memref<100000xf32, #tpu.memory_space<vmem>>[vector<16xi32>], vector<16xf32>,
    %add3A_694 = arith.addf %gather3A_688, %gather3A_693 : vector<16xf32>
    %add3A_695 = arith.constant 2 : i32
    %add3A_696 = vector.broadcast %add3A_695 : i32 to vector<16xi32>
    %add3A_697 = arith.addi %add3A_686, %add3A_696 : vector<16xi32>
    %gather3A_698 = tpu.vector_load_idx %arg6[%add3A_697] : memref<4096xi32, #tpu.memory_space<vmem>>[vector<16xi32>], vector<16xi32>,
    %gather3A_699 = tpu.vector_load_idx %arg5[%gather3A_698] : memref<100000xf32, #tpu.memory_space<vmem>>[vector<16xi32>], vector<16xf32>,
    %add3A_700 = arith.addf %add3A_694, %gather3A_699 : vector<16xf32>
    %add3A_701 = arith.constant 3 : i32
    %add3A_702 = vector.broadcast %add3A_701 : i32 to vector<16xi32>
    %add3A_703 = arith.addi %add3A_686, %add3A_702 : vector<16xi32>
    %gather3A_704 = tpu.vector_load_idx %arg6[%add3A_703] : memref<4096xi32, #tpu.memory_space<vmem>>[vector<16xi32>], vector<16xi32>,
    %gather3A_705 = tpu.vector_load_idx %arg5[%gather3A_704] : memref<100000xf32, #tpu.memory_space<vmem>>[vector<16xi32>], vector<16xf32>,
    %add3A_706 = arith.addf %add3A_700, %gather3A_705 : vector<16xf32>
    %mul3A_707 = arith.constant 2.500000e-01 : f32
    %mul3A_708 = vector.broadcast %mul3A_707 : f32 to vector<16xf32>
    %mul3A_709 = arith.mulf %add3A_706, %mul3A_708 : vector<16xf32>
    %swap3A_710 = arith.constant 384 : index
    %swap3A_711 = tpu.vector_load %arg7[%swap3A_710] {strides = array<i32>} : memref<1024xf32, #tpu.memory_space<vmem>>, vector<16xf32>,
    tpu.vector_store %arg7[%swap3A_710], %mul3A_709 {strides = array<i32>} : memref<1024xf32, #tpu.memory_space<vmem>>, vector<16xf32>,
    %add3A_712 = arith.constant 1600 : i32
    %add3A_713 = vector.broadcast %add3A_712 : i32 to vector<16xi32>
    %add3A_714 = arith.addi %mul3A_13, %add3A_713 : vector<16xi32>
    %gather3A_715 = tpu.vector_load_idx %arg6[%add3A_714] : memref<4096xi32, #tpu.memory_space<vmem>>[vector<16xi32>], vector<16xi32>,
    %gather3A_716 = tpu.vector_load_idx %arg5[%gather3A_715] : memref<100000xf32, #tpu.memory_space<vmem>>[vector<16xi32>], vector<16xf32>,
    %add3A_717 = arith.constant 1 : i32
    %add3A_718 = vector.broadcast %add3A_717 : i32 to vector<16xi32>
    %add3A_719 = arith.addi %add3A_714, %add3A_718 : vector<16xi32>
    %gather3A_720 = tpu.vector_load_idx %arg6[%add3A_719] : memref<4096xi32, #tpu.memory_space<vmem>>[vector<16xi32>], vector<16xi32>,
    %gather3A_721 = tpu.vector_load_idx %arg5[%gather3A_720] : memref<100000xf32, #tpu.memory_space<vmem>>[vector<16xi32>], vector<16xf32>,
    %add3A_722 = arith.addf %gather3A_716, %gather3A_721 : vector<16xf32>
    %add3A_723 = arith.constant 2 : i32
    %add3A_724 = vector.broadcast %add3A_723 : i32 to vector<16xi32>
    %add3A_725 = arith.addi %add3A_714, %add3A_724 : vector<16xi32>
    %gather3A_726 = tpu.vector_load_idx %arg6[%add3A_725] : memref<4096xi32, #tpu.memory_space<vmem>>[vector<16xi32>], vector<16xi32>,
    %gather3A_727 = tpu.vector_load_idx %arg5[%gather3A_726] : memref<100000xf32, #tpu.memory_space<vmem>>[vector<16xi32>], vector<16xf32>,
    %add3A_728 = arith.addf %add3A_722, %gather3A_727 : vector<16xf32>
    %add3A_729 = arith.constant 3 : i32
    %add3A_730 = vector.broadcast %add3A_729 : i32 to vector<16xi32>
    %add3A_731 = arith.addi %add3A_714, %add3A_730 : vector<16xi32>
    %gather3A_732 = tpu.vector_load_idx %arg6[%add3A_731] : memref<4096xi32, #tpu.memory_space<vmem>>[vector<16xi32>], vector<16xi32>,
    %gather3A_733 = tpu.vector_load_idx %arg5[%gather3A_732] : memref<100000xf32, #tpu.memory_space<vmem>>[vector<16xi32>], vector<16xf32>,
    %add3A_734 = arith.addf %add3A_728, %gather3A_733 : vector<16xf32>
    %mul3A_735 = arith.constant 2.500000e-01 : f32
    %mul3A_736 = vector.broadcast %mul3A_735 : f32 to vector<16xf32>
    %mul3A_737 = arith.mulf %add3A_734, %mul3A_736 : vector<16xf32>
    %swap3A_738 = arith.constant 400 : index
    %swap3A_739 = tpu.vector_load %arg7[%swap3A_738] {strides = array<i32>} : memref<1024xf32, #tpu.memory_space<vmem>>, vector<16xf32>,
    tpu.vector_store %arg7[%swap3A_738], %mul3A_737 {strides = array<i32>} : memref<1024xf32, #tpu.memory_space<vmem>>, vector<16xf32>,
    %add3A_740 = arith.constant 1664 : i32
    %add3A_741 = vector.broadcast %add3A_740 : i32 to vector<16xi32>
    %add3A_742 = arith.addi %mul3A_13, %add3A_741 : vector<16xi32>
    %gather3A_743 = tpu.vector_load_idx %arg6[%add3A_742] : memref<4096xi32, #tpu.memory_space<vmem>>[vector<16xi32>], vector<16xi32>,
    %gather3A_744 = tpu.vector_load_idx %arg5[%gather3A_743] : memref<100000xf32, #tpu.memory_space<vmem>>[vector<16xi32>], vector<16xf32>,
    %add3A_745 = arith.constant 1 : i32
    %add3A_746 = vector.broadcast %add3A_745 : i32 to vector<16xi32>
    %add3A_747 = arith.addi %add3A_742, %add3A_746 : vector<16xi32>
    %gather3A_748 = tpu.vector_load_idx %arg6[%add3A_747] : memref<4096xi32, #tpu.memory_space<vmem>>[vector<16xi32>], vector<16xi32>,
    %gather3A_749 = tpu.vector_load_idx %arg5[%gather3A_748] : memref<100000xf32, #tpu.memory_space<vmem>>[vector<16xi32>], vector<16xf32>,
    %add3A_750 = arith.addf %gather3A_744, %gather3A_749 : vector<16xf32>
    %add3A_751 = arith.constant 2 : i32
    %add3A_752 = vector.broadcast %add3A_751 : i32 to vector<16xi32>
    %add3A_753 = arith.addi %add3A_742, %add3A_752 : vector<16xi32>
    %gather3A_754 = tpu.vector_load_idx %arg6[%add3A_753] : memref<4096xi32, #tpu.memory_space<vmem>>[vector<16xi32>], vector<16xi32>,
    %gather3A_755 = tpu.vector_load_idx %arg5[%gather3A_754] : memref<100000xf32, #tpu.memory_space<vmem>>[vector<16xi32>], vector<16xf32>,
    %add3A_756 = arith.addf %add3A_750, %gather3A_755 : vector<16xf32>
    %add3A_757 = arith.constant 3 : i32
    %add3A_758 = vector.broadcast %add3A_757 : i32 to vector<16xi32>
    %add3A_759 = arith.addi %add3A_742, %add3A_758 : vector<16xi32>
    %gather3A_760 = tpu.vector_load_idx %arg6[%add3A_759] : memref<4096xi32, #tpu.memory_space<vmem>>[vector<16xi32>], vector<16xi32>,
    %gather3A_761 = tpu.vector_load_idx %arg5[%gather3A_760] : memref<100000xf32, #tpu.memory_space<vmem>>[vector<16xi32>], vector<16xf32>,
    %add3A_762 = arith.addf %add3A_756, %gather3A_761 : vector<16xf32>
    %mul3A_763 = arith.constant 2.500000e-01 : f32
    %mul3A_764 = vector.broadcast %mul3A_763 : f32 to vector<16xf32>
    %mul3A_765 = arith.mulf %add3A_762, %mul3A_764 : vector<16xf32>
    %swap3A_766 = arith.constant 416 : index
    %swap3A_767 = tpu.vector_load %arg7[%swap3A_766] {strides = array<i32>} : memref<1024xf32, #tpu.memory_space<vmem>>, vector<16xf32>,
    tpu.vector_store %arg7[%swap3A_766], %mul3A_765 {strides = array<i32>} : memref<1024xf32, #tpu.memory_space<vmem>>, vector<16xf32>,
    %add3A_768 = arith.constant 1728 : i32
    %add3A_769 = vector.broadcast %add3A_768 : i32 to vector<16xi32>
    %add3A_770 = arith.addi %mul3A_13, %add3A_769 : vector<16xi32>
    %gather3A_771 = tpu.vector_load_idx %arg6[%add3A_770] : memref<4096xi32, #tpu.memory_space<vmem>>[vector<16xi32>], vector<16xi32>,
    %gather3A_772 = tpu.vector_load_idx %arg5[%gather3A_771] : memref<100000xf32, #tpu.memory_space<vmem>>[vector<16xi32>], vector<16xf32>,
    %add3A_773 = arith.constant 1 : i32
    %add3A_774 = vector.broadcast %add3A_773 : i32 to vector<16xi32>
    %add3A_775 = arith.addi %add3A_770, %add3A_774 : vector<16xi32>
    %gather3A_776 = tpu.vector_load_idx %arg6[%add3A_775] : memref<4096xi32, #tpu.memory_space<vmem>>[vector<16xi32>], vector<16xi32>,
    %gather3A_777 = tpu.vector_load_idx %arg5[%gather3A_776] : memref<100000xf32, #tpu.memory_space<vmem>>[vector<16xi32>], vector<16xf32>,
    %add3A_778 = arith.addf %gather3A_772, %gather3A_777 : vector<16xf32>
    %add3A_779 = arith.constant 2 : i32
    %add3A_780 = vector.broadcast %add3A_779 : i32 to vector<16xi32>
    %add3A_781 = arith.addi %add3A_770, %add3A_780 : vector<16xi32>
    %gather3A_782 = tpu.vector_load_idx %arg6[%add3A_781] : memref<4096xi32, #tpu.memory_space<vmem>>[vector<16xi32>], vector<16xi32>,
    %gather3A_783 = tpu.vector_load_idx %arg5[%gather3A_782] : memref<100000xf32, #tpu.memory_space<vmem>>[vector<16xi32>], vector<16xf32>,
    %add3A_784 = arith.addf %add3A_778, %gather3A_783 : vector<16xf32>
    %add3A_785 = arith.constant 3 : i32
    %add3A_786 = vector.broadcast %add3A_785 : i32 to vector<16xi32>
    %add3A_787 = arith.addi %add3A_770, %add3A_786 : vector<16xi32>
    %gather3A_788 = tpu.vector_load_idx %arg6[%add3A_787] : memref<4096xi32, #tpu.memory_space<vmem>>[vector<16xi32>], vector<16xi32>,
    %gather3A_789 = tpu.vector_load_idx %arg5[%gather3A_788] : memref<100000xf32, #tpu.memory_space<vmem>>[vector<16xi32>], vector<16xf32>,
    %add3A_790 = arith.addf %add3A_784, %gather3A_789 : vector<16xf32>
    %mul3A_791 = arith.constant 2.500000e-01 : f32
    %mul3A_792 = vector.broadcast %mul3A_791 : f32 to vector<16xf32>
    %mul3A_793 = arith.mulf %add3A_790, %mul3A_792 : vector<16xf32>
    %swap3A_794 = arith.constant 432 : index
    %swap3A_795 = tpu.vector_load %arg7[%swap3A_794] {strides = array<i32>} : memref<1024xf32, #tpu.memory_space<vmem>>, vector<16xf32>,
    tpu.vector_store %arg7[%swap3A_794], %mul3A_793 {strides = array<i32>} : memref<1024xf32, #tpu.memory_space<vmem>>, vector<16xf32>,
    %add3A_796 = arith.constant 1792 : i32
    %add3A_797 = vector.broadcast %add3A_796 : i32 to vector<16xi32>
    %add3A_798 = arith.addi %mul3A_13, %add3A_797 : vector<16xi32>
    %gather3A_799 = tpu.vector_load_idx %arg6[%add3A_798] : memref<4096xi32, #tpu.memory_space<vmem>>[vector<16xi32>], vector<16xi32>,
    %gather3A_800 = tpu.vector_load_idx %arg5[%gather3A_799] : memref<100000xf32, #tpu.memory_space<vmem>>[vector<16xi32>], vector<16xf32>,
    %add3A_801 = arith.constant 1 : i32
    %add3A_802 = vector.broadcast %add3A_801 : i32 to vector<16xi32>
    %add3A_803 = arith.addi %add3A_798, %add3A_802 : vector<16xi32>
    %gather3A_804 = tpu.vector_load_idx %arg6[%add3A_803] : memref<4096xi32, #tpu.memory_space<vmem>>[vector<16xi32>], vector<16xi32>,
    %gather3A_805 = tpu.vector_load_idx %arg5[%gather3A_804] : memref<100000xf32, #tpu.memory_space<vmem>>[vector<16xi32>], vector<16xf32>,
    %add3A_806 = arith.addf %gather3A_800, %gather3A_805 : vector<16xf32>
    %add3A_807 = arith.constant 2 : i32
    %add3A_808 = vector.broadcast %add3A_807 : i32 to vector<16xi32>
    %add3A_809 = arith.addi %add3A_798, %add3A_808 : vector<16xi32>
    %gather3A_810 = tpu.vector_load_idx %arg6[%add3A_809] : memref<4096xi32, #tpu.memory_space<vmem>>[vector<16xi32>], vector<16xi32>,
    %gather3A_811 = tpu.vector_load_idx %arg5[%gather3A_810] : memref<100000xf32, #tpu.memory_space<vmem>>[vector<16xi32>], vector<16xf32>,
    %add3A_812 = arith.addf %add3A_806, %gather3A_811 : vector<16xf32>
    %add3A_813 = arith.constant 3 : i32
    %add3A_814 = vector.broadcast %add3A_813 : i32 to vector<16xi32>
    %add3A_815 = arith.addi %add3A_798, %add3A_814 : vector<16xi32>
    %gather3A_816 = tpu.vector_load_idx %arg6[%add3A_815] : memref<4096xi32, #tpu.memory_space<vmem>>[vector<16xi32>], vector<16xi32>,
    %gather3A_817 = tpu.vector_load_idx %arg5[%gather3A_816] : memref<100000xf32, #tpu.memory_space<vmem>>[vector<16xi32>], vector<16xf32>,
    %add3A_818 = arith.addf %add3A_812, %gather3A_817 : vector<16xf32>
    %mul3A_819 = arith.constant 2.500000e-01 : f32
    %mul3A_820 = vector.broadcast %mul3A_819 : f32 to vector<16xf32>
    %mul3A_821 = arith.mulf %add3A_818, %mul3A_820 : vector<16xf32>
    %swap3A_822 = arith.constant 448 : index
    %swap3A_823 = tpu.vector_load %arg7[%swap3A_822] {strides = array<i32>} : memref<1024xf32, #tpu.memory_space<vmem>>, vector<16xf32>,
    tpu.vector_store %arg7[%swap3A_822], %mul3A_821 {strides = array<i32>} : memref<1024xf32, #tpu.memory_space<vmem>>, vector<16xf32>,
    %add3A_824 = arith.constant 1856 : i32
    %add3A_825 = vector.broadcast %add3A_824 : i32 to vector<16xi32>
    %add3A_826 = arith.addi %mul3A_13, %add3A_825 : vector<16xi32>
    %gather3A_827 = tpu.vector_load_idx %arg6[%add3A_826] : memref<4096xi32, #tpu.memory_space<vmem>>[vector<16xi32>], vector<16xi32>,
    %gather3A_828 = tpu.vector_load_idx %arg5[%gather3A_827] : memref<100000xf32, #tpu.memory_space<vmem>>[vector<16xi32>], vector<16xf32>,
    %add3A_829 = arith.constant 1 : i32
    %add3A_830 = vector.broadcast %add3A_829 : i32 to vector<16xi32>
    %add3A_831 = arith.addi %add3A_826, %add3A_830 : vector<16xi32>
    %gather3A_832 = tpu.vector_load_idx %arg6[%add3A_831] : memref<4096xi32, #tpu.memory_space<vmem>>[vector<16xi32>], vector<16xi32>,
    %gather3A_833 = tpu.vector_load_idx %arg5[%gather3A_832] : memref<100000xf32, #tpu.memory_space<vmem>>[vector<16xi32>], vector<16xf32>,
    %add3A_834 = arith.addf %gather3A_828, %gather3A_833 : vector<16xf32>
    %add3A_835 = arith.constant 2 : i32
    %add3A_836 = vector.broadcast %add3A_835 : i32 to vector<16xi32>
    %add3A_837 = arith.addi %add3A_826, %add3A_836 : vector<16xi32>
    %gather3A_838 = tpu.vector_load_idx %arg6[%add3A_837] : memref<4096xi32, #tpu.memory_space<vmem>>[vector<16xi32>], vector<16xi32>,
    %gather3A_839 = tpu.vector_load_idx %arg5[%gather3A_838] : memref<100000xf32, #tpu.memory_space<vmem>>[vector<16xi32>], vector<16xf32>,
    %add3A_840 = arith.addf %add3A_834, %gather3A_839 : vector<16xf32>
    %add3A_841 = arith.constant 3 : i32
    %add3A_842 = vector.broadcast %add3A_841 : i32 to vector<16xi32>
    %add3A_843 = arith.addi %add3A_826, %add3A_842 : vector<16xi32>
    %gather3A_844 = tpu.vector_load_idx %arg6[%add3A_843] : memref<4096xi32, #tpu.memory_space<vmem>>[vector<16xi32>], vector<16xi32>,
    %gather3A_845 = tpu.vector_load_idx %arg5[%gather3A_844] : memref<100000xf32, #tpu.memory_space<vmem>>[vector<16xi32>], vector<16xf32>,
    %add3A_846 = arith.addf %add3A_840, %gather3A_845 : vector<16xf32>
    %mul3A_847 = arith.constant 2.500000e-01 : f32
    %mul3A_848 = vector.broadcast %mul3A_847 : f32 to vector<16xf32>
    %mul3A_849 = arith.mulf %add3A_846, %mul3A_848 : vector<16xf32>
    %swap3A_850 = arith.constant 464 : index
    %swap3A_851 = tpu.vector_load %arg7[%swap3A_850] {strides = array<i32>} : memref<1024xf32, #tpu.memory_space<vmem>>, vector<16xf32>,
    tpu.vector_store %arg7[%swap3A_850], %mul3A_849 {strides = array<i32>} : memref<1024xf32, #tpu.memory_space<vmem>>, vector<16xf32>,
    %add3A_852 = arith.constant 1920 : i32
    %add3A_853 = vector.broadcast %add3A_852 : i32 to vector<16xi32>
    %add3A_854 = arith.addi %mul3A_13, %add3A_853 : vector<16xi32>
    %gather3A_855 = tpu.vector_load_idx %arg6[%add3A_854] : memref<4096xi32, #tpu.memory_space<vmem>>[vector<16xi32>], vector<16xi32>,
    %gather3A_856 = tpu.vector_load_idx %arg5[%gather3A_855] : memref<100000xf32, #tpu.memory_space<vmem>>[vector<16xi32>], vector<16xf32>,
    %add3A_857 = arith.constant 1 : i32
    %add3A_858 = vector.broadcast %add3A_857 : i32 to vector<16xi32>
    %add3A_859 = arith.addi %add3A_854, %add3A_858 : vector<16xi32>
    %gather3A_860 = tpu.vector_load_idx %arg6[%add3A_859] : memref<4096xi32, #tpu.memory_space<vmem>>[vector<16xi32>], vector<16xi32>,
    %gather3A_861 = tpu.vector_load_idx %arg5[%gather3A_860] : memref<100000xf32, #tpu.memory_space<vmem>>[vector<16xi32>], vector<16xf32>,
    %add3A_862 = arith.addf %gather3A_856, %gather3A_861 : vector<16xf32>
    %add3A_863 = arith.constant 2 : i32
    %add3A_864 = vector.broadcast %add3A_863 : i32 to vector<16xi32>
    %add3A_865 = arith.addi %add3A_854, %add3A_864 : vector<16xi32>
    %gather3A_866 = tpu.vector_load_idx %arg6[%add3A_865] : memref<4096xi32, #tpu.memory_space<vmem>>[vector<16xi32>], vector<16xi32>,
    %gather3A_867 = tpu.vector_load_idx %arg5[%gather3A_866] : memref<100000xf32, #tpu.memory_space<vmem>>[vector<16xi32>], vector<16xf32>,
    %add3A_868 = arith.addf %add3A_862, %gather3A_867 : vector<16xf32>
    %add3A_869 = arith.constant 3 : i32
    %add3A_870 = vector.broadcast %add3A_869 : i32 to vector<16xi32>
    %add3A_871 = arith.addi %add3A_854, %add3A_870 : vector<16xi32>
    %gather3A_872 = tpu.vector_load_idx %arg6[%add3A_871] : memref<4096xi32, #tpu.memory_space<vmem>>[vector<16xi32>], vector<16xi32>,
    %gather3A_873 = tpu.vector_load_idx %arg5[%gather3A_872] : memref<100000xf32, #tpu.memory_space<vmem>>[vector<16xi32>], vector<16xf32>,
    %add3A_874 = arith.addf %add3A_868, %gather3A_873 : vector<16xf32>
    %mul3A_875 = arith.constant 2.500000e-01 : f32
    %mul3A_876 = vector.broadcast %mul3A_875 : f32 to vector<16xf32>
    %mul3A_877 = arith.mulf %add3A_874, %mul3A_876 : vector<16xf32>
    %swap3A_878 = arith.constant 480 : index
    %swap3A_879 = tpu.vector_load %arg7[%swap3A_878] {strides = array<i32>} : memref<1024xf32, #tpu.memory_space<vmem>>, vector<16xf32>,
    tpu.vector_store %arg7[%swap3A_878], %mul3A_877 {strides = array<i32>} : memref<1024xf32, #tpu.memory_space<vmem>>, vector<16xf32>,
    %add3A_880 = arith.constant 1984 : i32
    %add3A_881 = vector.broadcast %add3A_880 : i32 to vector<16xi32>
    %add3A_882 = arith.addi %mul3A_13, %add3A_881 : vector<16xi32>
    %gather3A_883 = tpu.vector_load_idx %arg6[%add3A_882] : memref<4096xi32, #tpu.memory_space<vmem>>[vector<16xi32>], vector<16xi32>,
    %gather3A_884 = tpu.vector_load_idx %arg5[%gather3A_883] : memref<100000xf32, #tpu.memory_space<vmem>>[vector<16xi32>], vector<16xf32>,
    %add3A_885 = arith.constant 1 : i32
    %add3A_886 = vector.broadcast %add3A_885 : i32 to vector<16xi32>
    %add3A_887 = arith.addi %add3A_882, %add3A_886 : vector<16xi32>
    %gather3A_888 = tpu.vector_load_idx %arg6[%add3A_887] : memref<4096xi32, #tpu.memory_space<vmem>>[vector<16xi32>], vector<16xi32>,
    %gather3A_889 = tpu.vector_load_idx %arg5[%gather3A_888] : memref<100000xf32, #tpu.memory_space<vmem>>[vector<16xi32>], vector<16xf32>,
    %add3A_890 = arith.addf %gather3A_884, %gather3A_889 : vector<16xf32>
    %add3A_891 = arith.constant 2 : i32
    %add3A_892 = vector.broadcast %add3A_891 : i32 to vector<16xi32>
    %add3A_893 = arith.addi %add3A_882, %add3A_892 : vector<16xi32>
    %gather3A_894 = tpu.vector_load_idx %arg6[%add3A_893] : memref<4096xi32, #tpu.memory_space<vmem>>[vector<16xi32>], vector<16xi32>,
    %gather3A_895 = tpu.vector_load_idx %arg5[%gather3A_894] : memref<100000xf32, #tpu.memory_space<vmem>>[vector<16xi32>], vector<16xf32>,
    %add3A_896 = arith.addf %add3A_890, %gather3A_895 : vector<16xf32>
    %add3A_897 = arith.constant 3 : i32
    %add3A_898 = vector.broadcast %add3A_897 : i32 to vector<16xi32>
    %add3A_899 = arith.addi %add3A_882, %add3A_898 : vector<16xi32>
    %gather3A_900 = tpu.vector_load_idx %arg6[%add3A_899] : memref<4096xi32, #tpu.memory_space<vmem>>[vector<16xi32>], vector<16xi32>,
    %gather3A_901 = tpu.vector_load_idx %arg5[%gather3A_900] : memref<100000xf32, #tpu.memory_space<vmem>>[vector<16xi32>], vector<16xf32>,
    %add3A_902 = arith.addf %add3A_896, %gather3A_901 : vector<16xf32>
    %mul3A_903 = arith.constant 2.500000e-01 : f32
    %mul3A_904 = vector.broadcast %mul3A_903 : f32 to vector<16xf32>
    %mul3A_905 = arith.mulf %add3A_902, %mul3A_904 : vector<16xf32>
    %swap3A_906 = arith.constant 496 : index
    %swap3A_907 = tpu.vector_load %arg7[%swap3A_906] {strides = array<i32>} : memref<1024xf32, #tpu.memory_space<vmem>>, vector<16xf32>,
    tpu.vector_store %arg7[%swap3A_906], %mul3A_905 {strides = array<i32>} : memref<1024xf32, #tpu.memory_space<vmem>>, vector<16xf32>,
    %add3A_908 = arith.constant 2048 : i32
    %add3A_909 = vector.broadcast %add3A_908 : i32 to vector<16xi32>
    %add3A_910 = arith.addi %mul3A_13, %add3A_909 : vector<16xi32>
    %gather3A_911 = tpu.vector_load_idx %arg6[%add3A_910] : memref<4096xi32, #tpu.memory_space<vmem>>[vector<16xi32>], vector<16xi32>,
    %gather3A_912 = tpu.vector_load_idx %arg5[%gather3A_911] : memref<100000xf32, #tpu.memory_space<vmem>>[vector<16xi32>], vector<16xf32>,
    %add3A_913 = arith.constant 1 : i32
    %add3A_914 = vector.broadcast %add3A_913 : i32 to vector<16xi32>
    %add3A_915 = arith.addi %add3A_910, %add3A_914 : vector<16xi32>
    %gather3A_916 = tpu.vector_load_idx %arg6[%add3A_915] : memref<4096xi32, #tpu.memory_space<vmem>>[vector<16xi32>], vector<16xi32>,
    %gather3A_917 = tpu.vector_load_idx %arg5[%gather3A_916] : memref<100000xf32, #tpu.memory_space<vmem>>[vector<16xi32>], vector<16xf32>,
    %add3A_918 = arith.addf %gather3A_912, %gather3A_917 : vector<16xf32>
    %add3A_919 = arith.constant 2 : i32
    %add3A_920 = vector.broadcast %add3A_919 : i32 to vector<16xi32>
    %add3A_921 = arith.addi %add3A_910, %add3A_920 : vector<16xi32>
    %gather3A_922 = tpu.vector_load_idx %arg6[%add3A_921] : memref<4096xi32, #tpu.memory_space<vmem>>[vector<16xi32>], vector<16xi32>,
    %gather3A_923 = tpu.vector_load_idx %arg5[%gather3A_922] : memref<100000xf32, #tpu.memory_space<vmem>>[vector<16xi32>], vector<16xf32>,
    %add3A_924 = arith.addf %add3A_918, %gather3A_923 : vector<16xf32>
    %add3A_925 = arith.constant 3 : i32
    %add3A_926 = vector.broadcast %add3A_925 : i32 to vector<16xi32>
    %add3A_927 = arith.addi %add3A_910, %add3A_926 : vector<16xi32>
    %gather3A_928 = tpu.vector_load_idx %arg6[%add3A_927] : memref<4096xi32, #tpu.memory_space<vmem>>[vector<16xi32>], vector<16xi32>,
    %gather3A_929 = tpu.vector_load_idx %arg5[%gather3A_928] : memref<100000xf32, #tpu.memory_space<vmem>>[vector<16xi32>], vector<16xf32>,
    %add3A_930 = arith.addf %add3A_924, %gather3A_929 : vector<16xf32>
    %mul3A_931 = arith.constant 2.500000e-01 : f32
    %mul3A_932 = vector.broadcast %mul3A_931 : f32 to vector<16xf32>
    %mul3A_933 = arith.mulf %add3A_930, %mul3A_932 : vector<16xf32>
    %swap3A_934 = arith.constant 512 : index
    %swap3A_935 = tpu.vector_load %arg7[%swap3A_934] {strides = array<i32>} : memref<1024xf32, #tpu.memory_space<vmem>>, vector<16xf32>,
    tpu.vector_store %arg7[%swap3A_934], %mul3A_933 {strides = array<i32>} : memref<1024xf32, #tpu.memory_space<vmem>>, vector<16xf32>,
    %add3A_936 = arith.constant 2112 : i32
    %add3A_937 = vector.broadcast %add3A_936 : i32 to vector<16xi32>
    %add3A_938 = arith.addi %mul3A_13, %add3A_937 : vector<16xi32>
    %gather3A_939 = tpu.vector_load_idx %arg6[%add3A_938] : memref<4096xi32, #tpu.memory_space<vmem>>[vector<16xi32>], vector<16xi32>,
    %gather3A_940 = tpu.vector_load_idx %arg5[%gather3A_939] : memref<100000xf32, #tpu.memory_space<vmem>>[vector<16xi32>], vector<16xf32>,
    %add3A_941 = arith.constant 1 : i32
    %add3A_942 = vector.broadcast %add3A_941 : i32 to vector<16xi32>
    %add3A_943 = arith.addi %add3A_938, %add3A_942 : vector<16xi32>
    %gather3A_944 = tpu.vector_load_idx %arg6[%add3A_943] : memref<4096xi32, #tpu.memory_space<vmem>>[vector<16xi32>], vector<16xi32>,
    %gather3A_945 = tpu.vector_load_idx %arg5[%gather3A_944] : memref<100000xf32, #tpu.memory_space<vmem>>[vector<16xi32>], vector<16xf32>,
    %add3A_946 = arith.addf %gather3A_940, %gather3A_945 : vector<16xf32>
    %add3A_947 = arith.constant 2 : i32
    %add3A_948 = vector.broadcast %add3A_947 : i32 to vector<16xi32>
    %add3A_949 = arith.addi %add3A_938, %add3A_948 : vector<16xi32>
    %gather3A_950 = tpu.vector_load_idx %arg6[%add3A_949] : memref<4096xi32, #tpu.memory_space<vmem>>[vector<16xi32>], vector<16xi32>,
    %gather3A_951 = tpu.vector_load_idx %arg5[%gather3A_950] : memref<100000xf32, #tpu.memory_space<vmem>>[vector<16xi32>], vector<16xf32>,
    %add3A_952 = arith.addf %add3A_946, %gather3A_951 : vector<16xf32>
    %add3A_953 = arith.constant 3 : i32
    %add3A_954 = vector.broadcast %add3A_953 : i32 to vector<16xi32>
    %add3A_955 = arith.addi %add3A_938, %add3A_954 : vector<16xi32>
    %gather3A_956 = tpu.vector_load_idx %arg6[%add3A_955] : memref<4096xi32, #tpu.memory_space<vmem>>[vector<16xi32>], vector<16xi32>,
    %gather3A_957 = tpu.vector_load_idx %arg5[%gather3A_956] : memref<100000xf32, #tpu.memory_space<vmem>>[vector<16xi32>], vector<16xf32>,
    %add3A_958 = arith.addf %add3A_952, %gather3A_957 : vector<16xf32>
    %mul3A_959 = arith.constant 2.500000e-01 : f32
    %mul3A_960 = vector.broadcast %mul3A_959 : f32 to vector<16xf32>
    %mul3A_961 = arith.mulf %add3A_958, %mul3A_960 : vector<16xf32>
    %swap3A_962 = arith.constant 528 : index
    %swap3A_963 = tpu.vector_load %arg7[%swap3A_962] {strides = array<i32>} : memref<1024xf32, #tpu.memory_space<vmem>>, vector<16xf32>,
    tpu.vector_store %arg7[%swap3A_962], %mul3A_961 {strides = array<i32>} : memref<1024xf32, #tpu.memory_space<vmem>>, vector<16xf32>,
    %add3A_964 = arith.constant 2176 : i32
    %add3A_965 = vector.broadcast %add3A_964 : i32 to vector<16xi32>
    %add3A_966 = arith.addi %mul3A_13, %add3A_965 : vector<16xi32>
    %gather3A_967 = tpu.vector_load_idx %arg6[%add3A_966] : memref<4096xi32, #tpu.memory_space<vmem>>[vector<16xi32>], vector<16xi32>,
    %gather3A_968 = tpu.vector_load_idx %arg5[%gather3A_967] : memref<100000xf32, #tpu.memory_space<vmem>>[vector<16xi32>], vector<16xf32>,
    %add3A_969 = arith.constant 1 : i32
    %add3A_970 = vector.broadcast %add3A_969 : i32 to vector<16xi32>
    %add3A_971 = arith.addi %add3A_966, %add3A_970 : vector<16xi32>
    %gather3A_972 = tpu.vector_load_idx %arg6[%add3A_971] : memref<4096xi32, #tpu.memory_space<vmem>>[vector<16xi32>], vector<16xi32>,
    %gather3A_973 = tpu.vector_load_idx %arg5[%gather3A_972] : memref<100000xf32, #tpu.memory_space<vmem>>[vector<16xi32>], vector<16xf32>,
    %add3A_974 = arith.addf %gather3A_968, %gather3A_973 : vector<16xf32>
    %add3A_975 = arith.constant 2 : i32
    %add3A_976 = vector.broadcast %add3A_975 : i32 to vector<16xi32>
    %add3A_977 = arith.addi %add3A_966, %add3A_976 : vector<16xi32>
    %gather3A_978 = tpu.vector_load_idx %arg6[%add3A_977] : memref<4096xi32, #tpu.memory_space<vmem>>[vector<16xi32>], vector<16xi32>,
    %gather3A_979 = tpu.vector_load_idx %arg5[%gather3A_978] : memref<100000xf32, #tpu.memory_space<vmem>>[vector<16xi32>], vector<16xf32>,
    %add3A_980 = arith.addf %add3A_974, %gather3A_979 : vector<16xf32>
    %add3A_981 = arith.constant 3 : i32
    %add3A_982 = vector.broadcast %add3A_981 : i32 to vector<16xi32>
    %add3A_983 = arith.addi %add3A_966, %add3A_982 : vector<16xi32>
    %gather3A_984 = tpu.vector_load_idx %arg6[%add3A_983] : memref<4096xi32, #tpu.memory_space<vmem>>[vector<16xi32>], vector<16xi32>,
    %gather3A_985 = tpu.vector_load_idx %arg5[%gather3A_984] : memref<100000xf32, #tpu.memory_space<vmem>>[vector<16xi32>], vector<16xf32>,
    %add3A_986 = arith.addf %add3A_980, %gather3A_985 : vector<16xf32>
    %mul3A_987 = arith.constant 2.500000e-01 : f32
    %mul3A_988 = vector.broadcast %mul3A_987 : f32 to vector<16xf32>
    %mul3A_989 = arith.mulf %add3A_986, %mul3A_988 : vector<16xf32>
    %swap3A_990 = arith.constant 544 : index
    %swap3A_991 = tpu.vector_load %arg7[%swap3A_990] {strides = array<i32>} : memref<1024xf32, #tpu.memory_space<vmem>>, vector<16xf32>,
    tpu.vector_store %arg7[%swap3A_990], %mul3A_989 {strides = array<i32>} : memref<1024xf32, #tpu.memory_space<vmem>>, vector<16xf32>,
    %add3A_992 = arith.constant 2240 : i32
    %add3A_993 = vector.broadcast %add3A_992 : i32 to vector<16xi32>
    %add3A_994 = arith.addi %mul3A_13, %add3A_993 : vector<16xi32>
    %gather3A_995 = tpu.vector_load_idx %arg6[%add3A_994] : memref<4096xi32, #tpu.memory_space<vmem>>[vector<16xi32>], vector<16xi32>,
    %gather3A_996 = tpu.vector_load_idx %arg5[%gather3A_995] : memref<100000xf32, #tpu.memory_space<vmem>>[vector<16xi32>], vector<16xf32>,
    %add3A_997 = arith.constant 1 : i32
    %add3A_998 = vector.broadcast %add3A_997 : i32 to vector<16xi32>
    %add3A_999 = arith.addi %add3A_994, %add3A_998 : vector<16xi32>
    %gather3A_1000 = tpu.vector_load_idx %arg6[%add3A_999] : memref<4096xi32, #tpu.memory_space<vmem>>[vector<16xi32>], vector<16xi32>,
    %gather3A_1001 = tpu.vector_load_idx %arg5[%gather3A_1000] : memref<100000xf32, #tpu.memory_space<vmem>>[vector<16xi32>], vector<16xf32>,
    %add3A_1002 = arith.addf %gather3A_996, %gather3A_1001 : vector<16xf32>
    %add3A_1003 = arith.constant 2 : i32
    %add3A_1004 = vector.broadcast %add3A_1003 : i32 to vector<16xi32>
    %add3A_1005 = arith.addi %add3A_994, %add3A_1004 : vector<16xi32>
    %gather3A_1006 = tpu.vector_load_idx %arg6[%add3A_1005] : memref<4096xi32, #tpu.memory_space<vmem>>[vector<16xi32>], vector<16xi32>,
    %gather3A_1007 = tpu.vector_load_idx %arg5[%gather3A_1006] : memref<100000xf32, #tpu.memory_space<vmem>>[vector<16xi32>], vector<16xf32>,
    %add3A_1008 = arith.addf %add3A_1002, %gather3A_1007 : vector<16xf32>
    %add3A_1009 = arith.constant 3 : i32
    %add3A_1010 = vector.broadcast %add3A_1009 : i32 to vector<16xi32>
    %add3A_1011 = arith.addi %add3A_994, %add3A_1010 : vector<16xi32>
    %gather3A_1012 = tpu.vector_load_idx %arg6[%add3A_1011] : memref<4096xi32, #tpu.memory_space<vmem>>[vector<16xi32>], vector<16xi32>,
    %gather3A_1013 = tpu.vector_load_idx %arg5[%gather3A_1012] : memref<100000xf32, #tpu.memory_space<vmem>>[vector<16xi32>], vector<16xf32>,
    %add3A_1014 = arith.addf %add3A_1008, %gather3A_1013 : vector<16xf32>
    %mul3A_1015 = arith.constant 2.500000e-01 : f32
    %mul3A_1016 = vector.broadcast %mul3A_1015 : f32 to vector<16xf32>
    %mul3A_1017 = arith.mulf %add3A_1014, %mul3A_1016 : vector<16xf32>
    %swap3A_1018 = arith.constant 560 : index
    %swap3A_1019 = tpu.vector_load %arg7[%swap3A_1018] {strides = array<i32>} : memref<1024xf32, #tpu.memory_space<vmem>>, vector<16xf32>,
    tpu.vector_store %arg7[%swap3A_1018], %mul3A_1017 {strides = array<i32>} : memref<1024xf32, #tpu.memory_space<vmem>>, vector<16xf32>,
    %add3A_1020 = arith.constant 2304 : i32
    %add3A_1021 = vector.broadcast %add3A_1020 : i32 to vector<16xi32>
    %add3A_1022 = arith.addi %mul3A_13, %add3A_1021 : vector<16xi32>
    %gather3A_1023 = tpu.vector_load_idx %arg6[%add3A_1022] : memref<4096xi32, #tpu.memory_space<vmem>>[vector<16xi32>], vector<16xi32>,
    %gather3A_1024 = tpu.vector_load_idx %arg5[%gather3A_1023] : memref<100000xf32, #tpu.memory_space<vmem>>[vector<16xi32>], vector<16xf32>,
    %add3A_1025 = arith.constant 1 : i32
    %add3A_1026 = vector.broadcast %add3A_1025 : i32 to vector<16xi32>
    %add3A_1027 = arith.addi %add3A_1022, %add3A_1026 : vector<16xi32>
    %gather3A_1028 = tpu.vector_load_idx %arg6[%add3A_1027] : memref<4096xi32, #tpu.memory_space<vmem>>[vector<16xi32>], vector<16xi32>,
    %gather3A_1029 = tpu.vector_load_idx %arg5[%gather3A_1028] : memref<100000xf32, #tpu.memory_space<vmem>>[vector<16xi32>], vector<16xf32>,
    %add3A_1030 = arith.addf %gather3A_1024, %gather3A_1029 : vector<16xf32>
    %add3A_1031 = arith.constant 2 : i32
    %add3A_1032 = vector.broadcast %add3A_1031 : i32 to vector<16xi32>
    %add3A_1033 = arith.addi %add3A_1022, %add3A_1032 : vector<16xi32>
    %gather3A_1034 = tpu.vector_load_idx %arg6[%add3A_1033] : memref<4096xi32, #tpu.memory_space<vmem>>[vector<16xi32>], vector<16xi32>,
    %gather3A_1035 = tpu.vector_load_idx %arg5[%gather3A_1034] : memref<100000xf32, #tpu.memory_space<vmem>>[vector<16xi32>], vector<16xf32>,
    %add3A_1036 = arith.addf %add3A_1030, %gather3A_1035 : vector<16xf32>
    %add3A_1037 = arith.constant 3 : i32
    %add3A_1038 = vector.broadcast %add3A_1037 : i32 to vector<16xi32>
    %add3A_1039 = arith.addi %add3A_1022, %add3A_1038 : vector<16xi32>
    %gather3A_1040 = tpu.vector_load_idx %arg6[%add3A_1039] : memref<4096xi32, #tpu.memory_space<vmem>>[vector<16xi32>], vector<16xi32>,
    %gather3A_1041 = tpu.vector_load_idx %arg5[%gather3A_1040] : memref<100000xf32, #tpu.memory_space<vmem>>[vector<16xi32>], vector<16xf32>,
    %add3A_1042 = arith.addf %add3A_1036, %gather3A_1041 : vector<16xf32>
    %mul3A_1043 = arith.constant 2.500000e-01 : f32
    %mul3A_1044 = vector.broadcast %mul3A_1043 : f32 to vector<16xf32>
    %mul3A_1045 = arith.mulf %add3A_1042, %mul3A_1044 : vector<16xf32>
    %swap3A_1046 = arith.constant 576 : index
    %swap3A_1047 = tpu.vector_load %arg7[%swap3A_1046] {strides = array<i32>} : memref<1024xf32, #tpu.memory_space<vmem>>, vector<16xf32>,
    tpu.vector_store %arg7[%swap3A_1046], %mul3A_1045 {strides = array<i32>} : memref<1024xf32, #tpu.memory_space<vmem>>, vector<16xf32>,
    %add3A_1048 = arith.constant 2368 : i32
    %add3A_1049 = vector.broadcast %add3A_1048 : i32 to vector<16xi32>
    %add3A_1050 = arith.addi %mul3A_13, %add3A_1049 : vector<16xi32>
    %gather3A_1051 = tpu.vector_load_idx %arg6[%add3A_1050] : memref<4096xi32, #tpu.memory_space<vmem>>[vector<16xi32>], vector<16xi32>,
    %gather3A_1052 = tpu.vector_load_idx %arg5[%gather3A_1051] : memref<100000xf32, #tpu.memory_space<vmem>>[vector<16xi32>], vector<16xf32>,
    %add3A_1053 = arith.constant 1 : i32
    %add3A_1054 = vector.broadcast %add3A_1053 : i32 to vector<16xi32>
    %add3A_1055 = arith.addi %add3A_1050, %add3A_1054 : vector<16xi32>
    %gather3A_1056 = tpu.vector_load_idx %arg6[%add3A_1055] : memref<4096xi32, #tpu.memory_space<vmem>>[vector<16xi32>], vector<16xi32>,
    %gather3A_1057 = tpu.vector_load_idx %arg5[%gather3A_1056] : memref<100000xf32, #tpu.memory_space<vmem>>[vector<16xi32>], vector<16xf32>,
    %add3A_1058 = arith.addf %gather3A_1052, %gather3A_1057 : vector<16xf32>
    %add3A_1059 = arith.constant 2 : i32
    %add3A_1060 = vector.broadcast %add3A_1059 : i32 to vector<16xi32>
    %add3A_1061 = arith.addi %add3A_1050, %add3A_1060 : vector<16xi32>
    %gather3A_1062 = tpu.vector_load_idx %arg6[%add3A_1061] : memref<4096xi32, #tpu.memory_space<vmem>>[vector<16xi32>], vector<16xi32>,
    %gather3A_1063 = tpu.vector_load_idx %arg5[%gather3A_1062] : memref<100000xf32, #tpu.memory_space<vmem>>[vector<16xi32>], vector<16xf32>,
    %add3A_1064 = arith.addf %add3A_1058, %gather3A_1063 : vector<16xf32>
    %add3A_1065 = arith.constant 3 : i32
    %add3A_1066 = vector.broadcast %add3A_1065 : i32 to vector<16xi32>
    %add3A_1067 = arith.addi %add3A_1050, %add3A_1066 : vector<16xi32>
    %gather3A_1068 = tpu.vector_load_idx %arg6[%add3A_1067] : memref<4096xi32, #tpu.memory_space<vmem>>[vector<16xi32>], vector<16xi32>,
    %gather3A_1069 = tpu.vector_load_idx %arg5[%gather3A_1068] : memref<100000xf32, #tpu.memory_space<vmem>>[vector<16xi32>], vector<16xf32>,
    %add3A_1070 = arith.addf %add3A_1064, %gather3A_1069 : vector<16xf32>
    %mul3A_1071 = arith.constant 2.500000e-01 : f32
    %mul3A_1072 = vector.broadcast %mul3A_1071 : f32 to vector<16xf32>
    %mul3A_1073 = arith.mulf %add3A_1070, %mul3A_1072 : vector<16xf32>
    %swap3A_1074 = arith.constant 592 : index
    %swap3A_1075 = tpu.vector_load %arg7[%swap3A_1074] {strides = array<i32>} : memref<1024xf32, #tpu.memory_space<vmem>>, vector<16xf32>,
    tpu.vector_store %arg7[%swap3A_1074], %mul3A_1073 {strides = array<i32>} : memref<1024xf32, #tpu.memory_space<vmem>>, vector<16xf32>,
    %add3A_1076 = arith.constant 2432 : i32
    %add3A_1077 = vector.broadcast %add3A_1076 : i32 to vector<16xi32>
    %add3A_1078 = arith.addi %mul3A_13, %add3A_1077 : vector<16xi32>
    %gather3A_1079 = tpu.vector_load_idx %arg6[%add3A_1078] : memref<4096xi32, #tpu.memory_space<vmem>>[vector<16xi32>], vector<16xi32>,
    %gather3A_1080 = tpu.vector_load_idx %arg5[%gather3A_1079] : memref<100000xf32, #tpu.memory_space<vmem>>[vector<16xi32>], vector<16xf32>,
    %add3A_1081 = arith.constant 1 : i32
    %add3A_1082 = vector.broadcast %add3A_1081 : i32 to vector<16xi32>
    %add3A_1083 = arith.addi %add3A_1078, %add3A_1082 : vector<16xi32>
    %gather3A_1084 = tpu.vector_load_idx %arg6[%add3A_1083] : memref<4096xi32, #tpu.memory_space<vmem>>[vector<16xi32>], vector<16xi32>,
    %gather3A_1085 = tpu.vector_load_idx %arg5[%gather3A_1084] : memref<100000xf32, #tpu.memory_space<vmem>>[vector<16xi32>], vector<16xf32>,
    %add3A_1086 = arith.addf %gather3A_1080, %gather3A_1085 : vector<16xf32>
    %add3A_1087 = arith.constant 2 : i32
    %add3A_1088 = vector.broadcast %add3A_1087 : i32 to vector<16xi32>
    %add3A_1089 = arith.addi %add3A_1078, %add3A_1088 : vector<16xi32>
    %gather3A_1090 = tpu.vector_load_idx %arg6[%add3A_1089] : memref<4096xi32, #tpu.memory_space<vmem>>[vector<16xi32>], vector<16xi32>,
    %gather3A_1091 = tpu.vector_load_idx %arg5[%gather3A_1090] : memref<100000xf32, #tpu.memory_space<vmem>>[vector<16xi32>], vector<16xf32>,
    %add3A_1092 = arith.addf %add3A_1086, %gather3A_1091 : vector<16xf32>
    %add3A_1093 = arith.constant 3 : i32
    %add3A_1094 = vector.broadcast %add3A_1093 : i32 to vector<16xi32>
    %add3A_1095 = arith.addi %add3A_1078, %add3A_1094 : vector<16xi32>
    %gather3A_1096 = tpu.vector_load_idx %arg6[%add3A_1095] : memref<4096xi32, #tpu.memory_space<vmem>>[vector<16xi32>], vector<16xi32>,
    %gather3A_1097 = tpu.vector_load_idx %arg5[%gather3A_1096] : memref<100000xf32, #tpu.memory_space<vmem>>[vector<16xi32>], vector<16xf32>,
    %add3A_1098 = arith.addf %add3A_1092, %gather3A_1097 : vector<16xf32>
    %mul3A_1099 = arith.constant 2.500000e-01 : f32
    %mul3A_1100 = vector.broadcast %mul3A_1099 : f32 to vector<16xf32>
    %mul3A_1101 = arith.mulf %add3A_1098, %mul3A_1100 : vector<16xf32>
    %swap3A_1102 = arith.constant 608 : index
    %swap3A_1103 = tpu.vector_load %arg7[%swap3A_1102] {strides = array<i32>} : memref<1024xf32, #tpu.memory_space<vmem>>, vector<16xf32>,
    tpu.vector_store %arg7[%swap3A_1102], %mul3A_1101 {strides = array<i32>} : memref<1024xf32, #tpu.memory_space<vmem>>, vector<16xf32>,
    %add3A_1104 = arith.constant 2496 : i32
    %add3A_1105 = vector.broadcast %add3A_1104 : i32 to vector<16xi32>
    %add3A_1106 = arith.addi %mul3A_13, %add3A_1105 : vector<16xi32>
    %gather3A_1107 = tpu.vector_load_idx %arg6[%add3A_1106] : memref<4096xi32, #tpu.memory_space<vmem>>[vector<16xi32>], vector<16xi32>,
    %gather3A_1108 = tpu.vector_load_idx %arg5[%gather3A_1107] : memref<100000xf32, #tpu.memory_space<vmem>>[vector<16xi32>], vector<16xf32>,
    %add3A_1109 = arith.constant 1 : i32
    %add3A_1110 = vector.broadcast %add3A_1109 : i32 to vector<16xi32>
    %add3A_1111 = arith.addi %add3A_1106, %add3A_1110 : vector<16xi32>
    %gather3A_1112 = tpu.vector_load_idx %arg6[%add3A_1111] : memref<4096xi32, #tpu.memory_space<vmem>>[vector<16xi32>], vector<16xi32>,
    %gather3A_1113 = tpu.vector_load_idx %arg5[%gather3A_1112] : memref<100000xf32, #tpu.memory_space<vmem>>[vector<16xi32>], vector<16xf32>,
    %add3A_1114 = arith.addf %gather3A_1108, %gather3A_1113 : vector<16xf32>
    %add3A_1115 = arith.constant 2 : i32
    %add3A_1116 = vector.broadcast %add3A_1115 : i32 to vector<16xi32>
    %add3A_1117 = arith.addi %add3A_1106, %add3A_1116 : vector<16xi32>
    %gather3A_1118 = tpu.vector_load_idx %arg6[%add3A_1117] : memref<4096xi32, #tpu.memory_space<vmem>>[vector<16xi32>], vector<16xi32>,
    %gather3A_1119 = tpu.vector_load_idx %arg5[%gather3A_1118] : memref<100000xf32, #tpu.memory_space<vmem>>[vector<16xi32>], vector<16xf32>,
    %add3A_1120 = arith.addf %add3A_1114, %gather3A_1119 : vector<16xf32>
    %add3A_1121 = arith.constant 3 : i32
    %add3A_1122 = vector.broadcast %add3A_1121 : i32 to vector<16xi32>
    %add3A_1123 = arith.addi %add3A_1106, %add3A_1122 : vector<16xi32>
    %gather3A_1124 = tpu.vector_load_idx %arg6[%add3A_1123] : memref<4096xi32, #tpu.memory_space<vmem>>[vector<16xi32>], vector<16xi32>,
    %gather3A_1125 = tpu.vector_load_idx %arg5[%gather3A_1124] : memref<100000xf32, #tpu.memory_space<vmem>>[vector<16xi32>], vector<16xf32>,
    %add3A_1126 = arith.addf %add3A_1120, %gather3A_1125 : vector<16xf32>
    %mul3A_1127 = arith.constant 2.500000e-01 : f32
    %mul3A_1128 = vector.broadcast %mul3A_1127 : f32 to vector<16xf32>
    %mul3A_1129 = arith.mulf %add3A_1126, %mul3A_1128 : vector<16xf32>
    %swap3A_1130 = arith.constant 624 : index
    %swap3A_1131 = tpu.vector_load %arg7[%swap3A_1130] {strides = array<i32>} : memref<1024xf32, #tpu.memory_space<vmem>>, vector<16xf32>,
    tpu.vector_store %arg7[%swap3A_1130], %mul3A_1129 {strides = array<i32>} : memref<1024xf32, #tpu.memory_space<vmem>>, vector<16xf32>,
    %add3A_1132 = arith.constant 2560 : i32
    %add3A_1133 = vector.broadcast %add3A_1132 : i32 to vector<16xi32>
    %add3A_1134 = arith.addi %mul3A_13, %add3A_1133 : vector<16xi32>
    %gather3A_1135 = tpu.vector_load_idx %arg6[%add3A_1134] : memref<4096xi32, #tpu.memory_space<vmem>>[vector<16xi32>], vector<16xi32>,
    %gather3A_1136 = tpu.vector_load_idx %arg5[%gather3A_1135] : memref<100000xf32, #tpu.memory_space<vmem>>[vector<16xi32>], vector<16xf32>,
    %add3A_1137 = arith.constant 1 : i32
    %add3A_1138 = vector.broadcast %add3A_1137 : i32 to vector<16xi32>
    %add3A_1139 = arith.addi %add3A_1134, %add3A_1138 : vector<16xi32>
    %gather3A_1140 = tpu.vector_load_idx %arg6[%add3A_1139] : memref<4096xi32, #tpu.memory_space<vmem>>[vector<16xi32>], vector<16xi32>,
    %gather3A_1141 = tpu.vector_load_idx %arg5[%gather3A_1140] : memref<100000xf32, #tpu.memory_space<vmem>>[vector<16xi32>], vector<16xf32>,
    %add3A_1142 = arith.addf %gather3A_1136, %gather3A_1141 : vector<16xf32>
    %add3A_1143 = arith.constant 2 : i32
    %add3A_1144 = vector.broadcast %add3A_1143 : i32 to vector<16xi32>
    %add3A_1145 = arith.addi %add3A_1134, %add3A_1144 : vector<16xi32>
    %gather3A_1146 = tpu.vector_load_idx %arg6[%add3A_1145] : memref<4096xi32, #tpu.memory_space<vmem>>[vector<16xi32>], vector<16xi32>,
    %gather3A_1147 = tpu.vector_load_idx %arg5[%gather3A_1146] : memref<100000xf32, #tpu.memory_space<vmem>>[vector<16xi32>], vector<16xf32>,
    %add3A_1148 = arith.addf %add3A_1142, %gather3A_1147 : vector<16xf32>
    %add3A_1149 = arith.constant 3 : i32
    %add3A_1150 = vector.broadcast %add3A_1149 : i32 to vector<16xi32>
    %add3A_1151 = arith.addi %add3A_1134, %add3A_1150 : vector<16xi32>
    %gather3A_1152 = tpu.vector_load_idx %arg6[%add3A_1151] : memref<4096xi32, #tpu.memory_space<vmem>>[vector<16xi32>], vector<16xi32>,
    %gather3A_1153 = tpu.vector_load_idx %arg5[%gather3A_1152] : memref<100000xf32, #tpu.memory_space<vmem>>[vector<16xi32>], vector<16xf32>,
    %add3A_1154 = arith.addf %add3A_1148, %gather3A_1153 : vector<16xf32>
    %mul3A_1155 = arith.constant 2.500000e-01 : f32
    %mul3A_1156 = vector.broadcast %mul3A_1155 : f32 to vector<16xf32>
    %mul3A_1157 = arith.mulf %add3A_1154, %mul3A_1156 : vector<16xf32>
    %swap3A_1158 = arith.constant 640 : index
    %swap3A_1159 = tpu.vector_load %arg7[%swap3A_1158] {strides = array<i32>} : memref<1024xf32, #tpu.memory_space<vmem>>, vector<16xf32>,
    tpu.vector_store %arg7[%swap3A_1158], %mul3A_1157 {strides = array<i32>} : memref<1024xf32, #tpu.memory_space<vmem>>, vector<16xf32>,
    %add3A_1160 = arith.constant 2624 : i32
    %add3A_1161 = vector.broadcast %add3A_1160 : i32 to vector<16xi32>
    %add3A_1162 = arith.addi %mul3A_13, %add3A_1161 : vector<16xi32>
    %gather3A_1163 = tpu.vector_load_idx %arg6[%add3A_1162] : memref<4096xi32, #tpu.memory_space<vmem>>[vector<16xi32>], vector<16xi32>,
    %gather3A_1164 = tpu.vector_load_idx %arg5[%gather3A_1163] : memref<100000xf32, #tpu.memory_space<vmem>>[vector<16xi32>], vector<16xf32>,
    %add3A_1165 = arith.constant 1 : i32
    %add3A_1166 = vector.broadcast %add3A_1165 : i32 to vector<16xi32>
    %add3A_1167 = arith.addi %add3A_1162, %add3A_1166 : vector<16xi32>
    %gather3A_1168 = tpu.vector_load_idx %arg6[%add3A_1167] : memref<4096xi32, #tpu.memory_space<vmem>>[vector<16xi32>], vector<16xi32>,
    %gather3A_1169 = tpu.vector_load_idx %arg5[%gather3A_1168] : memref<100000xf32, #tpu.memory_space<vmem>>[vector<16xi32>], vector<16xf32>,
    %add3A_1170 = arith.addf %gather3A_1164, %gather3A_1169 : vector<16xf32>
    %add3A_1171 = arith.constant 2 : i32
    %add3A_1172 = vector.broadcast %add3A_1171 : i32 to vector<16xi32>
    %add3A_1173 = arith.addi %add3A_1162, %add3A_1172 : vector<16xi32>
    %gather3A_1174 = tpu.vector_load_idx %arg6[%add3A_1173] : memref<4096xi32, #tpu.memory_space<vmem>>[vector<16xi32>], vector<16xi32>,
    %gather3A_1175 = tpu.vector_load_idx %arg5[%gather3A_1174] : memref<100000xf32, #tpu.memory_space<vmem>>[vector<16xi32>], vector<16xf32>,
    %add3A_1176 = arith.addf %add3A_1170, %gather3A_1175 : vector<16xf32>
    %add3A_1177 = arith.constant 3 : i32
    %add3A_1178 = vector.broadcast %add3A_1177 : i32 to vector<16xi32>
    %add3A_1179 = arith.addi %add3A_1162, %add3A_1178 : vector<16xi32>
    %gather3A_1180 = tpu.vector_load_idx %arg6[%add3A_1179] : memref<4096xi32, #tpu.memory_space<vmem>>[vector<16xi32>], vector<16xi32>,
    %gather3A_1181 = tpu.vector_load_idx %arg5[%gather3A_1180] : memref<100000xf32, #tpu.memory_space<vmem>>[vector<16xi32>], vector<16xf32>,
    %add3A_1182 = arith.addf %add3A_1176, %gather3A_1181 : vector<16xf32>
    %mul3A_1183 = arith.constant 2.500000e-01 : f32
    %mul3A_1184 = vector.broadcast %mul3A_1183 : f32 to vector<16xf32>
    %mul3A_1185 = arith.mulf %add3A_1182, %mul3A_1184 : vector<16xf32>
    %swap3A_1186 = arith.constant 656 : index
    %swap3A_1187 = tpu.vector_load %arg7[%swap3A_1186] {strides = array<i32>} : memref<1024xf32, #tpu.memory_space<vmem>>, vector<16xf32>,
    tpu.vector_store %arg7[%swap3A_1186], %mul3A_1185 {strides = array<i32>} : memref<1024xf32, #tpu.memory_space<vmem>>, vector<16xf32>,
    %add3A_1188 = arith.constant 2688 : i32
    %add3A_1189 = vector.broadcast %add3A_1188 : i32 to vector<16xi32>
    %add3A_1190 = arith.addi %mul3A_13, %add3A_1189 : vector<16xi32>
    %gather3A_1191 = tpu.vector_load_idx %arg6[%add3A_1190] : memref<4096xi32, #tpu.memory_space<vmem>>[vector<16xi32>], vector<16xi32>,
    %gather3A_1192 = tpu.vector_load_idx %arg5[%gather3A_1191] : memref<100000xf32, #tpu.memory_space<vmem>>[vector<16xi32>], vector<16xf32>,
    %add3A_1193 = arith.constant 1 : i32
    %add3A_1194 = vector.broadcast %add3A_1193 : i32 to vector<16xi32>
    %add3A_1195 = arith.addi %add3A_1190, %add3A_1194 : vector<16xi32>
    %gather3A_1196 = tpu.vector_load_idx %arg6[%add3A_1195] : memref<4096xi32, #tpu.memory_space<vmem>>[vector<16xi32>], vector<16xi32>,
    %gather3A_1197 = tpu.vector_load_idx %arg5[%gather3A_1196] : memref<100000xf32, #tpu.memory_space<vmem>>[vector<16xi32>], vector<16xf32>,
    %add3A_1198 = arith.addf %gather3A_1192, %gather3A_1197 : vector<16xf32>
    %add3A_1199 = arith.constant 2 : i32
    %add3A_1200 = vector.broadcast %add3A_1199 : i32 to vector<16xi32>
    %add3A_1201 = arith.addi %add3A_1190, %add3A_1200 : vector<16xi32>
    %gather3A_1202 = tpu.vector_load_idx %arg6[%add3A_1201] : memref<4096xi32, #tpu.memory_space<vmem>>[vector<16xi32>], vector<16xi32>,
    %gather3A_1203 = tpu.vector_load_idx %arg5[%gather3A_1202] : memref<100000xf32, #tpu.memory_space<vmem>>[vector<16xi32>], vector<16xf32>,
    %add3A_1204 = arith.addf %add3A_1198, %gather3A_1203 : vector<16xf32>
    %add3A_1205 = arith.constant 3 : i32
    %add3A_1206 = vector.broadcast %add3A_1205 : i32 to vector<16xi32>
    %add3A_1207 = arith.addi %add3A_1190, %add3A_1206 : vector<16xi32>
    %gather3A_1208 = tpu.vector_load_idx %arg6[%add3A_1207] : memref<4096xi32, #tpu.memory_space<vmem>>[vector<16xi32>], vector<16xi32>,
    %gather3A_1209 = tpu.vector_load_idx %arg5[%gather3A_1208] : memref<100000xf32, #tpu.memory_space<vmem>>[vector<16xi32>], vector<16xf32>,
    %add3A_1210 = arith.addf %add3A_1204, %gather3A_1209 : vector<16xf32>
    %mul3A_1211 = arith.constant 2.500000e-01 : f32
    %mul3A_1212 = vector.broadcast %mul3A_1211 : f32 to vector<16xf32>
    %mul3A_1213 = arith.mulf %add3A_1210, %mul3A_1212 : vector<16xf32>
    %swap3A_1214 = arith.constant 672 : index
    %swap3A_1215 = tpu.vector_load %arg7[%swap3A_1214] {strides = array<i32>} : memref<1024xf32, #tpu.memory_space<vmem>>, vector<16xf32>,
    tpu.vector_store %arg7[%swap3A_1214], %mul3A_1213 {strides = array<i32>} : memref<1024xf32, #tpu.memory_space<vmem>>, vector<16xf32>,
    %add3A_1216 = arith.constant 2752 : i32
    %add3A_1217 = vector.broadcast %add3A_1216 : i32 to vector<16xi32>
    %add3A_1218 = arith.addi %mul3A_13, %add3A_1217 : vector<16xi32>
    %gather3A_1219 = tpu.vector_load_idx %arg6[%add3A_1218] : memref<4096xi32, #tpu.memory_space<vmem>>[vector<16xi32>], vector<16xi32>,
    %gather3A_1220 = tpu.vector_load_idx %arg5[%gather3A_1219] : memref<100000xf32, #tpu.memory_space<vmem>>[vector<16xi32>], vector<16xf32>,
    %add3A_1221 = arith.constant 1 : i32
    %add3A_1222 = vector.broadcast %add3A_1221 : i32 to vector<16xi32>
    %add3A_1223 = arith.addi %add3A_1218, %add3A_1222 : vector<16xi32>
    %gather3A_1224 = tpu.vector_load_idx %arg6[%add3A_1223] : memref<4096xi32, #tpu.memory_space<vmem>>[vector<16xi32>], vector<16xi32>,
    %gather3A_1225 = tpu.vector_load_idx %arg5[%gather3A_1224] : memref<100000xf32, #tpu.memory_space<vmem>>[vector<16xi32>], vector<16xf32>,
    %add3A_1226 = arith.addf %gather3A_1220, %gather3A_1225 : vector<16xf32>
    %add3A_1227 = arith.constant 2 : i32
    %add3A_1228 = vector.broadcast %add3A_1227 : i32 to vector<16xi32>
    %add3A_1229 = arith.addi %add3A_1218, %add3A_1228 : vector<16xi32>
    %gather3A_1230 = tpu.vector_load_idx %arg6[%add3A_1229] : memref<4096xi32, #tpu.memory_space<vmem>>[vector<16xi32>], vector<16xi32>,
    %gather3A_1231 = tpu.vector_load_idx %arg5[%gather3A_1230] : memref<100000xf32, #tpu.memory_space<vmem>>[vector<16xi32>], vector<16xf32>,
    %add3A_1232 = arith.addf %add3A_1226, %gather3A_1231 : vector<16xf32>
    %add3A_1233 = arith.constant 3 : i32
    %add3A_1234 = vector.broadcast %add3A_1233 : i32 to vector<16xi32>
    %add3A_1235 = arith.addi %add3A_1218, %add3A_1234 : vector<16xi32>
    %gather3A_1236 = tpu.vector_load_idx %arg6[%add3A_1235] : memref<4096xi32, #tpu.memory_space<vmem>>[vector<16xi32>], vector<16xi32>,
    %gather3A_1237 = tpu.vector_load_idx %arg5[%gather3A_1236] : memref<100000xf32, #tpu.memory_space<vmem>>[vector<16xi32>], vector<16xf32>,
    %add3A_1238 = arith.addf %add3A_1232, %gather3A_1237 : vector<16xf32>
    %mul3A_1239 = arith.constant 2.500000e-01 : f32
    %mul3A_1240 = vector.broadcast %mul3A_1239 : f32 to vector<16xf32>
    %mul3A_1241 = arith.mulf %add3A_1238, %mul3A_1240 : vector<16xf32>
    %swap3A_1242 = arith.constant 688 : index
    %swap3A_1243 = tpu.vector_load %arg7[%swap3A_1242] {strides = array<i32>} : memref<1024xf32, #tpu.memory_space<vmem>>, vector<16xf32>,
    tpu.vector_store %arg7[%swap3A_1242], %mul3A_1241 {strides = array<i32>} : memref<1024xf32, #tpu.memory_space<vmem>>, vector<16xf32>,
    %add3A_1244 = arith.constant 2816 : i32
    %add3A_1245 = vector.broadcast %add3A_1244 : i32 to vector<16xi32>
    %add3A_1246 = arith.addi %mul3A_13, %add3A_1245 : vector<16xi32>
    %gather3A_1247 = tpu.vector_load_idx %arg6[%add3A_1246] : memref<4096xi32, #tpu.memory_space<vmem>>[vector<16xi32>], vector<16xi32>,
    %gather3A_1248 = tpu.vector_load_idx %arg5[%gather3A_1247] : memref<100000xf32, #tpu.memory_space<vmem>>[vector<16xi32>], vector<16xf32>,
    %add3A_1249 = arith.constant 1 : i32
    %add3A_1250 = vector.broadcast %add3A_1249 : i32 to vector<16xi32>
    %add3A_1251 = arith.addi %add3A_1246, %add3A_1250 : vector<16xi32>
    %gather3A_1252 = tpu.vector_load_idx %arg6[%add3A_1251] : memref<4096xi32, #tpu.memory_space<vmem>>[vector<16xi32>], vector<16xi32>,
    %gather3A_1253 = tpu.vector_load_idx %arg5[%gather3A_1252] : memref<100000xf32, #tpu.memory_space<vmem>>[vector<16xi32>], vector<16xf32>,
    %add3A_1254 = arith.addf %gather3A_1248, %gather3A_1253 : vector<16xf32>
    %add3A_1255 = arith.constant 2 : i32
    %add3A_1256 = vector.broadcast %add3A_1255 : i32 to vector<16xi32>
    %add3A_1257 = arith.addi %add3A_1246, %add3A_1256 : vector<16xi32>
    %gather3A_1258 = tpu.vector_load_idx %arg6[%add3A_1257] : memref<4096xi32, #tpu.memory_space<vmem>>[vector<16xi32>], vector<16xi32>,
    %gather3A_1259 = tpu.vector_load_idx %arg5[%gather3A_1258] : memref<100000xf32, #tpu.memory_space<vmem>>[vector<16xi32>], vector<16xf32>,
    %add3A_1260 = arith.addf %add3A_1254, %gather3A_1259 : vector<16xf32>
    %add3A_1261 = arith.constant 3 : i32
    %add3A_1262 = vector.broadcast %add3A_1261 : i32 to vector<16xi32>
    %add3A_1263 = arith.addi %add3A_1246, %add3A_1262 : vector<16xi32>
    %gather3A_1264 = tpu.vector_load_idx %arg6[%add3A_1263] : memref<4096xi32, #tpu.memory_space<vmem>>[vector<16xi32>], vector<16xi32>,
    %gather3A_1265 = tpu.vector_load_idx %arg5[%gather3A_1264] : memref<100000xf32, #tpu.memory_space<vmem>>[vector<16xi32>], vector<16xf32>,
    %add3A_1266 = arith.addf %add3A_1260, %gather3A_1265 : vector<16xf32>
    %mul3A_1267 = arith.constant 2.500000e-01 : f32
    %mul3A_1268 = vector.broadcast %mul3A_1267 : f32 to vector<16xf32>
    %mul3A_1269 = arith.mulf %add3A_1266, %mul3A_1268 : vector<16xf32>
    %swap3A_1270 = arith.constant 704 : index
    %swap3A_1271 = tpu.vector_load %arg7[%swap3A_1270] {strides = array<i32>} : memref<1024xf32, #tpu.memory_space<vmem>>, vector<16xf32>,
    tpu.vector_store %arg7[%swap3A_1270], %mul3A_1269 {strides = array<i32>} : memref<1024xf32, #tpu.memory_space<vmem>>, vector<16xf32>,
    %add3A_1272 = arith.constant 2880 : i32
    %add3A_1273 = vector.broadcast %add3A_1272 : i32 to vector<16xi32>
    %add3A_1274 = arith.addi %mul3A_13, %add3A_1273 : vector<16xi32>
    %gather3A_1275 = tpu.vector_load_idx %arg6[%add3A_1274] : memref<4096xi32, #tpu.memory_space<vmem>>[vector<16xi32>], vector<16xi32>,
    %gather3A_1276 = tpu.vector_load_idx %arg5[%gather3A_1275] : memref<100000xf32, #tpu.memory_space<vmem>>[vector<16xi32>], vector<16xf32>,
    %add3A_1277 = arith.constant 1 : i32
    %add3A_1278 = vector.broadcast %add3A_1277 : i32 to vector<16xi32>
    %add3A_1279 = arith.addi %add3A_1274, %add3A_1278 : vector<16xi32>
    %gather3A_1280 = tpu.vector_load_idx %arg6[%add3A_1279] : memref<4096xi32, #tpu.memory_space<vmem>>[vector<16xi32>], vector<16xi32>,
    %gather3A_1281 = tpu.vector_load_idx %arg5[%gather3A_1280] : memref<100000xf32, #tpu.memory_space<vmem>>[vector<16xi32>], vector<16xf32>,
    %add3A_1282 = arith.addf %gather3A_1276, %gather3A_1281 : vector<16xf32>
    %add3A_1283 = arith.constant 2 : i32
    %add3A_1284 = vector.broadcast %add3A_1283 : i32 to vector<16xi32>
    %add3A_1285 = arith.addi %add3A_1274, %add3A_1284 : vector<16xi32>
    %gather3A_1286 = tpu.vector_load_idx %arg6[%add3A_1285] : memref<4096xi32, #tpu.memory_space<vmem>>[vector<16xi32>], vector<16xi32>,
    %gather3A_1287 = tpu.vector_load_idx %arg5[%gather3A_1286] : memref<100000xf32, #tpu.memory_space<vmem>>[vector<16xi32>], vector<16xf32>,
    %add3A_1288 = arith.addf %add3A_1282, %gather3A_1287 : vector<16xf32>
    %add3A_1289 = arith.constant 3 : i32
    %add3A_1290 = vector.broadcast %add3A_1289 : i32 to vector<16xi32>
    %add3A_1291 = arith.addi %add3A_1274, %add3A_1290 : vector<16xi32>
    %gather3A_1292 = tpu.vector_load_idx %arg6[%add3A_1291] : memref<4096xi32, #tpu.memory_space<vmem>>[vector<16xi32>], vector<16xi32>,
    %gather3A_1293 = tpu.vector_load_idx %arg5[%gather3A_1292] : memref<100000xf32, #tpu.memory_space<vmem>>[vector<16xi32>], vector<16xf32>,
    %add3A_1294 = arith.addf %add3A_1288, %gather3A_1293 : vector<16xf32>
    %mul3A_1295 = arith.constant 2.500000e-01 : f32
    %mul3A_1296 = vector.broadcast %mul3A_1295 : f32 to vector<16xf32>
    %mul3A_1297 = arith.mulf %add3A_1294, %mul3A_1296 : vector<16xf32>
    %swap3A_1298 = arith.constant 720 : index
    %swap3A_1299 = tpu.vector_load %arg7[%swap3A_1298] {strides = array<i32>} : memref<1024xf32, #tpu.memory_space<vmem>>, vector<16xf32>,
    tpu.vector_store %arg7[%swap3A_1298], %mul3A_1297 {strides = array<i32>} : memref<1024xf32, #tpu.memory_space<vmem>>, vector<16xf32>,
    %add3A_1300 = arith.constant 2944 : i32
    %add3A_1301 = vector.broadcast %add3A_1300 : i32 to vector<16xi32>
    %add3A_1302 = arith.addi %mul3A_13, %add3A_1301 : vector<16xi32>
    %gather3A_1303 = tpu.vector_load_idx %arg6[%add3A_1302] : memref<4096xi32, #tpu.memory_space<vmem>>[vector<16xi32>], vector<16xi32>,
    %gather3A_1304 = tpu.vector_load_idx %arg5[%gather3A_1303] : memref<100000xf32, #tpu.memory_space<vmem>>[vector<16xi32>], vector<16xf32>,
    %add3A_1305 = arith.constant 1 : i32
    %add3A_1306 = vector.broadcast %add3A_1305 : i32 to vector<16xi32>
    %add3A_1307 = arith.addi %add3A_1302, %add3A_1306 : vector<16xi32>
    %gather3A_1308 = tpu.vector_load_idx %arg6[%add3A_1307] : memref<4096xi32, #tpu.memory_space<vmem>>[vector<16xi32>], vector<16xi32>,
    %gather3A_1309 = tpu.vector_load_idx %arg5[%gather3A_1308] : memref<100000xf32, #tpu.memory_space<vmem>>[vector<16xi32>], vector<16xf32>,
    %add3A_1310 = arith.addf %gather3A_1304, %gather3A_1309 : vector<16xf32>
    %add3A_1311 = arith.constant 2 : i32
    %add3A_1312 = vector.broadcast %add3A_1311 : i32 to vector<16xi32>
    %add3A_1313 = arith.addi %add3A_1302, %add3A_1312 : vector<16xi32>
    %gather3A_1314 = tpu.vector_load_idx %arg6[%add3A_1313] : memref<4096xi32, #tpu.memory_space<vmem>>[vector<16xi32>], vector<16xi32>,
    %gather3A_1315 = tpu.vector_load_idx %arg5[%gather3A_1314] : memref<100000xf32, #tpu.memory_space<vmem>>[vector<16xi32>], vector<16xf32>,
    %add3A_1316 = arith.addf %add3A_1310, %gather3A_1315 : vector<16xf32>
    %add3A_1317 = arith.constant 3 : i32
    %add3A_1318 = vector.broadcast %add3A_1317 : i32 to vector<16xi32>
    %add3A_1319 = arith.addi %add3A_1302, %add3A_1318 : vector<16xi32>
    %gather3A_1320 = tpu.vector_load_idx %arg6[%add3A_1319] : memref<4096xi32, #tpu.memory_space<vmem>>[vector<16xi32>], vector<16xi32>,
    %gather3A_1321 = tpu.vector_load_idx %arg5[%gather3A_1320] : memref<100000xf32, #tpu.memory_space<vmem>>[vector<16xi32>], vector<16xf32>,
    %add3A_1322 = arith.addf %add3A_1316, %gather3A_1321 : vector<16xf32>
    %mul3A_1323 = arith.constant 2.500000e-01 : f32
    %mul3A_1324 = vector.broadcast %mul3A_1323 : f32 to vector<16xf32>
    %mul3A_1325 = arith.mulf %add3A_1322, %mul3A_1324 : vector<16xf32>
    %swap3A_1326 = arith.constant 736 : index
    %swap3A_1327 = tpu.vector_load %arg7[%swap3A_1326] {strides = array<i32>} : memref<1024xf32, #tpu.memory_space<vmem>>, vector<16xf32>,
    tpu.vector_store %arg7[%swap3A_1326], %mul3A_1325 {strides = array<i32>} : memref<1024xf32, #tpu.memory_space<vmem>>, vector<16xf32>,
    %add3A_1328 = arith.constant 3008 : i32
    %add3A_1329 = vector.broadcast %add3A_1328 : i32 to vector<16xi32>
    %add3A_1330 = arith.addi %mul3A_13, %add3A_1329 : vector<16xi32>
    %gather3A_1331 = tpu.vector_load_idx %arg6[%add3A_1330] : memref<4096xi32, #tpu.memory_space<vmem>>[vector<16xi32>], vector<16xi32>,
    %gather3A_1332 = tpu.vector_load_idx %arg5[%gather3A_1331] : memref<100000xf32, #tpu.memory_space<vmem>>[vector<16xi32>], vector<16xf32>,
    %add3A_1333 = arith.constant 1 : i32
    %add3A_1334 = vector.broadcast %add3A_1333 : i32 to vector<16xi32>
    %add3A_1335 = arith.addi %add3A_1330, %add3A_1334 : vector<16xi32>
    %gather3A_1336 = tpu.vector_load_idx %arg6[%add3A_1335] : memref<4096xi32, #tpu.memory_space<vmem>>[vector<16xi32>], vector<16xi32>,
    %gather3A_1337 = tpu.vector_load_idx %arg5[%gather3A_1336] : memref<100000xf32, #tpu.memory_space<vmem>>[vector<16xi32>], vector<16xf32>,
    %add3A_1338 = arith.addf %gather3A_1332, %gather3A_1337 : vector<16xf32>
    %add3A_1339 = arith.constant 2 : i32
    %add3A_1340 = vector.broadcast %add3A_1339 : i32 to vector<16xi32>
    %add3A_1341 = arith.addi %add3A_1330, %add3A_1340 : vector<16xi32>
    %gather3A_1342 = tpu.vector_load_idx %arg6[%add3A_1341] : memref<4096xi32, #tpu.memory_space<vmem>>[vector<16xi32>], vector<16xi32>,
    %gather3A_1343 = tpu.vector_load_idx %arg5[%gather3A_1342] : memref<100000xf32, #tpu.memory_space<vmem>>[vector<16xi32>], vector<16xf32>,
    %add3A_1344 = arith.addf %add3A_1338, %gather3A_1343 : vector<16xf32>
    %add3A_1345 = arith.constant 3 : i32
    %add3A_1346 = vector.broadcast %add3A_1345 : i32 to vector<16xi32>
    %add3A_1347 = arith.addi %add3A_1330, %add3A_1346 : vector<16xi32>
    %gather3A_1348 = tpu.vector_load_idx %arg6[%add3A_1347] : memref<4096xi32, #tpu.memory_space<vmem>>[vector<16xi32>], vector<16xi32>,
    %gather3A_1349 = tpu.vector_load_idx %arg5[%gather3A_1348] : memref<100000xf32, #tpu.memory_space<vmem>>[vector<16xi32>], vector<16xf32>,
    %add3A_1350 = arith.addf %add3A_1344, %gather3A_1349 : vector<16xf32>
    %mul3A_1351 = arith.constant 2.500000e-01 : f32
    %mul3A_1352 = vector.broadcast %mul3A_1351 : f32 to vector<16xf32>
    %mul3A_1353 = arith.mulf %add3A_1350, %mul3A_1352 : vector<16xf32>
    %swap3A_1354 = arith.constant 752 : index
    %swap3A_1355 = tpu.vector_load %arg7[%swap3A_1354] {strides = array<i32>} : memref<1024xf32, #tpu.memory_space<vmem>>, vector<16xf32>,
    tpu.vector_store %arg7[%swap3A_1354], %mul3A_1353 {strides = array<i32>} : memref<1024xf32, #tpu.memory_space<vmem>>, vector<16xf32>,
    %add3A_1356 = arith.constant 3072 : i32
    %add3A_1357 = vector.broadcast %add3A_1356 : i32 to vector<16xi32>
    %add3A_1358 = arith.addi %mul3A_13, %add3A_1357 : vector<16xi32>
    %gather3A_1359 = tpu.vector_load_idx %arg6[%add3A_1358] : memref<4096xi32, #tpu.memory_space<vmem>>[vector<16xi32>], vector<16xi32>,
    %gather3A_1360 = tpu.vector_load_idx %arg5[%gather3A_1359] : memref<100000xf32, #tpu.memory_space<vmem>>[vector<16xi32>], vector<16xf32>,
    %add3A_1361 = arith.constant 1 : i32
    %add3A_1362 = vector.broadcast %add3A_1361 : i32 to vector<16xi32>
    %add3A_1363 = arith.addi %add3A_1358, %add3A_1362 : vector<16xi32>
    %gather3A_1364 = tpu.vector_load_idx %arg6[%add3A_1363] : memref<4096xi32, #tpu.memory_space<vmem>>[vector<16xi32>], vector<16xi32>,
    %gather3A_1365 = tpu.vector_load_idx %arg5[%gather3A_1364] : memref<100000xf32, #tpu.memory_space<vmem>>[vector<16xi32>], vector<16xf32>,
    %add3A_1366 = arith.addf %gather3A_1360, %gather3A_1365 : vector<16xf32>
    %add3A_1367 = arith.constant 2 : i32
    %add3A_1368 = vector.broadcast %add3A_1367 : i32 to vector<16xi32>
    %add3A_1369 = arith.addi %add3A_1358, %add3A_1368 : vector<16xi32>
    %gather3A_1370 = tpu.vector_load_idx %arg6[%add3A_1369] : memref<4096xi32, #tpu.memory_space<vmem>>[vector<16xi32>], vector<16xi32>,
    %gather3A_1371 = tpu.vector_load_idx %arg5[%gather3A_1370] : memref<100000xf32, #tpu.memory_space<vmem>>[vector<16xi32>], vector<16xf32>,
    %add3A_1372 = arith.addf %add3A_1366, %gather3A_1371 : vector<16xf32>
    %add3A_1373 = arith.constant 3 : i32
    %add3A_1374 = vector.broadcast %add3A_1373 : i32 to vector<16xi32>
    %add3A_1375 = arith.addi %add3A_1358, %add3A_1374 : vector<16xi32>
    %gather3A_1376 = tpu.vector_load_idx %arg6[%add3A_1375] : memref<4096xi32, #tpu.memory_space<vmem>>[vector<16xi32>], vector<16xi32>,
    %gather3A_1377 = tpu.vector_load_idx %arg5[%gather3A_1376] : memref<100000xf32, #tpu.memory_space<vmem>>[vector<16xi32>], vector<16xf32>,
    %add3A_1378 = arith.addf %add3A_1372, %gather3A_1377 : vector<16xf32>
    %mul3A_1379 = arith.constant 2.500000e-01 : f32
    %mul3A_1380 = vector.broadcast %mul3A_1379 : f32 to vector<16xf32>
    %mul3A_1381 = arith.mulf %add3A_1378, %mul3A_1380 : vector<16xf32>
    %swap3A_1382 = arith.constant 768 : index
    %swap3A_1383 = tpu.vector_load %arg7[%swap3A_1382] {strides = array<i32>} : memref<1024xf32, #tpu.memory_space<vmem>>, vector<16xf32>,
    tpu.vector_store %arg7[%swap3A_1382], %mul3A_1381 {strides = array<i32>} : memref<1024xf32, #tpu.memory_space<vmem>>, vector<16xf32>,
    %add3A_1384 = arith.constant 3136 : i32
    %add3A_1385 = vector.broadcast %add3A_1384 : i32 to vector<16xi32>
    %add3A_1386 = arith.addi %mul3A_13, %add3A_1385 : vector<16xi32>
    %gather3A_1387 = tpu.vector_load_idx %arg6[%add3A_1386] : memref<4096xi32, #tpu.memory_space<vmem>>[vector<16xi32>], vector<16xi32>,
    %gather3A_1388 = tpu.vector_load_idx %arg5[%gather3A_1387] : memref<100000xf32, #tpu.memory_space<vmem>>[vector<16xi32>], vector<16xf32>,
    %add3A_1389 = arith.constant 1 : i32
    %add3A_1390 = vector.broadcast %add3A_1389 : i32 to vector<16xi32>
    %add3A_1391 = arith.addi %add3A_1386, %add3A_1390 : vector<16xi32>
    %gather3A_1392 = tpu.vector_load_idx %arg6[%add3A_1391] : memref<4096xi32, #tpu.memory_space<vmem>>[vector<16xi32>], vector<16xi32>,
    %gather3A_1393 = tpu.vector_load_idx %arg5[%gather3A_1392] : memref<100000xf32, #tpu.memory_space<vmem>>[vector<16xi32>], vector<16xf32>,
    %add3A_1394 = arith.addf %gather3A_1388, %gather3A_1393 : vector<16xf32>
    %add3A_1395 = arith.constant 2 : i32
    %add3A_1396 = vector.broadcast %add3A_1395 : i32 to vector<16xi32>
    %add3A_1397 = arith.addi %add3A_1386, %add3A_1396 : vector<16xi32>
    %gather3A_1398 = tpu.vector_load_idx %arg6[%add3A_1397] : memref<4096xi32, #tpu.memory_space<vmem>>[vector<16xi32>], vector<16xi32>,
    %gather3A_1399 = tpu.vector_load_idx %arg5[%gather3A_1398] : memref<100000xf32, #tpu.memory_space<vmem>>[vector<16xi32>], vector<16xf32>,
    %add3A_1400 = arith.addf %add3A_1394, %gather3A_1399 : vector<16xf32>
    %add3A_1401 = arith.constant 3 : i32
    %add3A_1402 = vector.broadcast %add3A_1401 : i32 to vector<16xi32>
    %add3A_1403 = arith.addi %add3A_1386, %add3A_1402 : vector<16xi32>
    %gather3A_1404 = tpu.vector_load_idx %arg6[%add3A_1403] : memref<4096xi32, #tpu.memory_space<vmem>>[vector<16xi32>], vector<16xi32>,
    %gather3A_1405 = tpu.vector_load_idx %arg5[%gather3A_1404] : memref<100000xf32, #tpu.memory_space<vmem>>[vector<16xi32>], vector<16xf32>,
    %add3A_1406 = arith.addf %add3A_1400, %gather3A_1405 : vector<16xf32>
    %mul3A_1407 = arith.constant 2.500000e-01 : f32
    %mul3A_1408 = vector.broadcast %mul3A_1407 : f32 to vector<16xf32>
    %mul3A_1409 = arith.mulf %add3A_1406, %mul3A_1408 : vector<16xf32>
    %swap3A_1410 = arith.constant 784 : index
    %swap3A_1411 = tpu.vector_load %arg7[%swap3A_1410] {strides = array<i32>} : memref<1024xf32, #tpu.memory_space<vmem>>, vector<16xf32>,
    tpu.vector_store %arg7[%swap3A_1410], %mul3A_1409 {strides = array<i32>} : memref<1024xf32, #tpu.memory_space<vmem>>, vector<16xf32>,
    %add3A_1412 = arith.constant 3200 : i32
    %add3A_1413 = vector.broadcast %add3A_1412 : i32 to vector<16xi32>
    %add3A_1414 = arith.addi %mul3A_13, %add3A_1413 : vector<16xi32>
    %gather3A_1415 = tpu.vector_load_idx %arg6[%add3A_1414] : memref<4096xi32, #tpu.memory_space<vmem>>[vector<16xi32>], vector<16xi32>,
    %gather3A_1416 = tpu.vector_load_idx %arg5[%gather3A_1415] : memref<100000xf32, #tpu.memory_space<vmem>>[vector<16xi32>], vector<16xf32>,
    %add3A_1417 = arith.constant 1 : i32
    %add3A_1418 = vector.broadcast %add3A_1417 : i32 to vector<16xi32>
    %add3A_1419 = arith.addi %add3A_1414, %add3A_1418 : vector<16xi32>
    %gather3A_1420 = tpu.vector_load_idx %arg6[%add3A_1419] : memref<4096xi32, #tpu.memory_space<vmem>>[vector<16xi32>], vector<16xi32>,
    %gather3A_1421 = tpu.vector_load_idx %arg5[%gather3A_1420] : memref<100000xf32, #tpu.memory_space<vmem>>[vector<16xi32>], vector<16xf32>,
    %add3A_1422 = arith.addf %gather3A_1416, %gather3A_1421 : vector<16xf32>
    %add3A_1423 = arith.constant 2 : i32
    %add3A_1424 = vector.broadcast %add3A_1423 : i32 to vector<16xi32>
    %add3A_1425 = arith.addi %add3A_1414, %add3A_1424 : vector<16xi32>
    %gather3A_1426 = tpu.vector_load_idx %arg6[%add3A_1425] : memref<4096xi32, #tpu.memory_space<vmem>>[vector<16xi32>], vector<16xi32>,
    %gather3A_1427 = tpu.vector_load_idx %arg5[%gather3A_1426] : memref<100000xf32, #tpu.memory_space<vmem>>[vector<16xi32>], vector<16xf32>,
    %add3A_1428 = arith.addf %add3A_1422, %gather3A_1427 : vector<16xf32>
    %add3A_1429 = arith.constant 3 : i32
    %add3A_1430 = vector.broadcast %add3A_1429 : i32 to vector<16xi32>
    %add3A_1431 = arith.addi %add3A_1414, %add3A_1430 : vector<16xi32>
    %gather3A_1432 = tpu.vector_load_idx %arg6[%add3A_1431] : memref<4096xi32, #tpu.memory_space<vmem>>[vector<16xi32>], vector<16xi32>,
    %gather3A_1433 = tpu.vector_load_idx %arg5[%gather3A_1432] : memref<100000xf32, #tpu.memory_space<vmem>>[vector<16xi32>], vector<16xf32>,
    %add3A_1434 = arith.addf %add3A_1428, %gather3A_1433 : vector<16xf32>
    %mul3A_1435 = arith.constant 2.500000e-01 : f32
    %mul3A_1436 = vector.broadcast %mul3A_1435 : f32 to vector<16xf32>
    %mul3A_1437 = arith.mulf %add3A_1434, %mul3A_1436 : vector<16xf32>
    %swap3A_1438 = arith.constant 800 : index
    %swap3A_1439 = tpu.vector_load %arg7[%swap3A_1438] {strides = array<i32>} : memref<1024xf32, #tpu.memory_space<vmem>>, vector<16xf32>,
    tpu.vector_store %arg7[%swap3A_1438], %mul3A_1437 {strides = array<i32>} : memref<1024xf32, #tpu.memory_space<vmem>>, vector<16xf32>,
    %add3A_1440 = arith.constant 3264 : i32
    %add3A_1441 = vector.broadcast %add3A_1440 : i32 to vector<16xi32>
    %add3A_1442 = arith.addi %mul3A_13, %add3A_1441 : vector<16xi32>
    %gather3A_1443 = tpu.vector_load_idx %arg6[%add3A_1442] : memref<4096xi32, #tpu.memory_space<vmem>>[vector<16xi32>], vector<16xi32>,
    %gather3A_1444 = tpu.vector_load_idx %arg5[%gather3A_1443] : memref<100000xf32, #tpu.memory_space<vmem>>[vector<16xi32>], vector<16xf32>,
    %add3A_1445 = arith.constant 1 : i32
    %add3A_1446 = vector.broadcast %add3A_1445 : i32 to vector<16xi32>
    %add3A_1447 = arith.addi %add3A_1442, %add3A_1446 : vector<16xi32>
    %gather3A_1448 = tpu.vector_load_idx %arg6[%add3A_1447] : memref<4096xi32, #tpu.memory_space<vmem>>[vector<16xi32>], vector<16xi32>,
    %gather3A_1449 = tpu.vector_load_idx %arg5[%gather3A_1448] : memref<100000xf32, #tpu.memory_space<vmem>>[vector<16xi32>], vector<16xf32>,
    %add3A_1450 = arith.addf %gather3A_1444, %gather3A_1449 : vector<16xf32>
    %add3A_1451 = arith.constant 2 : i32
    %add3A_1452 = vector.broadcast %add3A_1451 : i32 to vector<16xi32>
    %add3A_1453 = arith.addi %add3A_1442, %add3A_1452 : vector<16xi32>
    %gather3A_1454 = tpu.vector_load_idx %arg6[%add3A_1453] : memref<4096xi32, #tpu.memory_space<vmem>>[vector<16xi32>], vector<16xi32>,
    %gather3A_1455 = tpu.vector_load_idx %arg5[%gather3A_1454] : memref<100000xf32, #tpu.memory_space<vmem>>[vector<16xi32>], vector<16xf32>,
    %add3A_1456 = arith.addf %add3A_1450, %gather3A_1455 : vector<16xf32>
    %add3A_1457 = arith.constant 3 : i32
    %add3A_1458 = vector.broadcast %add3A_1457 : i32 to vector<16xi32>
    %add3A_1459 = arith.addi %add3A_1442, %add3A_1458 : vector<16xi32>
    %gather3A_1460 = tpu.vector_load_idx %arg6[%add3A_1459] : memref<4096xi32, #tpu.memory_space<vmem>>[vector<16xi32>], vector<16xi32>,
    %gather3A_1461 = tpu.vector_load_idx %arg5[%gather3A_1460] : memref<100000xf32, #tpu.memory_space<vmem>>[vector<16xi32>], vector<16xf32>,
    %add3A_1462 = arith.addf %add3A_1456, %gather3A_1461 : vector<16xf32>
    %mul3A_1463 = arith.constant 2.500000e-01 : f32
    %mul3A_1464 = vector.broadcast %mul3A_1463 : f32 to vector<16xf32>
    %mul3A_1465 = arith.mulf %add3A_1462, %mul3A_1464 : vector<16xf32>
    %swap3A_1466 = arith.constant 816 : index
    %swap3A_1467 = tpu.vector_load %arg7[%swap3A_1466] {strides = array<i32>} : memref<1024xf32, #tpu.memory_space<vmem>>, vector<16xf32>,
    tpu.vector_store %arg7[%swap3A_1466], %mul3A_1465 {strides = array<i32>} : memref<1024xf32, #tpu.memory_space<vmem>>, vector<16xf32>,
    %add3A_1468 = arith.constant 3328 : i32
    %add3A_1469 = vector.broadcast %add3A_1468 : i32 to vector<16xi32>
    %add3A_1470 = arith.addi %mul3A_13, %add3A_1469 : vector<16xi32>
    %gather3A_1471 = tpu.vector_load_idx %arg6[%add3A_1470] : memref<4096xi32, #tpu.memory_space<vmem>>[vector<16xi32>], vector<16xi32>,
    %gather3A_1472 = tpu.vector_load_idx %arg5[%gather3A_1471] : memref<100000xf32, #tpu.memory_space<vmem>>[vector<16xi32>], vector<16xf32>,
    %add3A_1473 = arith.constant 1 : i32
    %add3A_1474 = vector.broadcast %add3A_1473 : i32 to vector<16xi32>
    %add3A_1475 = arith.addi %add3A_1470, %add3A_1474 : vector<16xi32>
    %gather3A_1476 = tpu.vector_load_idx %arg6[%add3A_1475] : memref<4096xi32, #tpu.memory_space<vmem>>[vector<16xi32>], vector<16xi32>,
    %gather3A_1477 = tpu.vector_load_idx %arg5[%gather3A_1476] : memref<100000xf32, #tpu.memory_space<vmem>>[vector<16xi32>], vector<16xf32>,
    %add3A_1478 = arith.addf %gather3A_1472, %gather3A_1477 : vector<16xf32>
    %add3A_1479 = arith.constant 2 : i32
    %add3A_1480 = vector.broadcast %add3A_1479 : i32 to vector<16xi32>
    %add3A_1481 = arith.addi %add3A_1470, %add3A_1480 : vector<16xi32>
    %gather3A_1482 = tpu.vector_load_idx %arg6[%add3A_1481] : memref<4096xi32, #tpu.memory_space<vmem>>[vector<16xi32>], vector<16xi32>,
    %gather3A_1483 = tpu.vector_load_idx %arg5[%gather3A_1482] : memref<100000xf32, #tpu.memory_space<vmem>>[vector<16xi32>], vector<16xf32>,
    %add3A_1484 = arith.addf %add3A_1478, %gather3A_1483 : vector<16xf32>
    %add3A_1485 = arith.constant 3 : i32
    %add3A_1486 = vector.broadcast %add3A_1485 : i32 to vector<16xi32>
    %add3A_1487 = arith.addi %add3A_1470, %add3A_1486 : vector<16xi32>
    %gather3A_1488 = tpu.vector_load_idx %arg6[%add3A_1487] : memref<4096xi32, #tpu.memory_space<vmem>>[vector<16xi32>], vector<16xi32>,
    %gather3A_1489 = tpu.vector_load_idx %arg5[%gather3A_1488] : memref<100000xf32, #tpu.memory_space<vmem>>[vector<16xi32>], vector<16xf32>,
    %add3A_1490 = arith.addf %add3A_1484, %gather3A_1489 : vector<16xf32>
    %mul3A_1491 = arith.constant 2.500000e-01 : f32
    %mul3A_1492 = vector.broadcast %mul3A_1491 : f32 to vector<16xf32>
    %mul3A_1493 = arith.mulf %add3A_1490, %mul3A_1492 : vector<16xf32>
    %swap3A_1494 = arith.constant 832 : index
    %swap3A_1495 = tpu.vector_load %arg7[%swap3A_1494] {strides = array<i32>} : memref<1024xf32, #tpu.memory_space<vmem>>, vector<16xf32>,
    tpu.vector_store %arg7[%swap3A_1494], %mul3A_1493 {strides = array<i32>} : memref<1024xf32, #tpu.memory_space<vmem>>, vector<16xf32>,
    %add3A_1496 = arith.constant 3392 : i32
    %add3A_1497 = vector.broadcast %add3A_1496 : i32 to vector<16xi32>
    %add3A_1498 = arith.addi %mul3A_13, %add3A_1497 : vector<16xi32>
    %gather3A_1499 = tpu.vector_load_idx %arg6[%add3A_1498] : memref<4096xi32, #tpu.memory_space<vmem>>[vector<16xi32>], vector<16xi32>,
    %gather3A_1500 = tpu.vector_load_idx %arg5[%gather3A_1499] : memref<100000xf32, #tpu.memory_space<vmem>>[vector<16xi32>], vector<16xf32>,
    %add3A_1501 = arith.constant 1 : i32
    %add3A_1502 = vector.broadcast %add3A_1501 : i32 to vector<16xi32>
    %add3A_1503 = arith.addi %add3A_1498, %add3A_1502 : vector<16xi32>
    %gather3A_1504 = tpu.vector_load_idx %arg6[%add3A_1503] : memref<4096xi32, #tpu.memory_space<vmem>>[vector<16xi32>], vector<16xi32>,
    %gather3A_1505 = tpu.vector_load_idx %arg5[%gather3A_1504] : memref<100000xf32, #tpu.memory_space<vmem>>[vector<16xi32>], vector<16xf32>,
    %add3A_1506 = arith.addf %gather3A_1500, %gather3A_1505 : vector<16xf32>
    %add3A_1507 = arith.constant 2 : i32
    %add3A_1508 = vector.broadcast %add3A_1507 : i32 to vector<16xi32>
    %add3A_1509 = arith.addi %add3A_1498, %add3A_1508 : vector<16xi32>
    %gather3A_1510 = tpu.vector_load_idx %arg6[%add3A_1509] : memref<4096xi32, #tpu.memory_space<vmem>>[vector<16xi32>], vector<16xi32>,
    %gather3A_1511 = tpu.vector_load_idx %arg5[%gather3A_1510] : memref<100000xf32, #tpu.memory_space<vmem>>[vector<16xi32>], vector<16xf32>,
    %add3A_1512 = arith.addf %add3A_1506, %gather3A_1511 : vector<16xf32>
    %add3A_1513 = arith.constant 3 : i32
    %add3A_1514 = vector.broadcast %add3A_1513 : i32 to vector<16xi32>
    %add3A_1515 = arith.addi %add3A_1498, %add3A_1514 : vector<16xi32>
    %gather3A_1516 = tpu.vector_load_idx %arg6[%add3A_1515] : memref<4096xi32, #tpu.memory_space<vmem>>[vector<16xi32>], vector<16xi32>,
    %gather3A_1517 = tpu.vector_load_idx %arg5[%gather3A_1516] : memref<100000xf32, #tpu.memory_space<vmem>>[vector<16xi32>], vector<16xf32>,
    %add3A_1518 = arith.addf %add3A_1512, %gather3A_1517 : vector<16xf32>
    %mul3A_1519 = arith.constant 2.500000e-01 : f32
    %mul3A_1520 = vector.broadcast %mul3A_1519 : f32 to vector<16xf32>
    %mul3A_1521 = arith.mulf %add3A_1518, %mul3A_1520 : vector<16xf32>
    %swap3A_1522 = arith.constant 848 : index
    %swap3A_1523 = tpu.vector_load %arg7[%swap3A_1522] {strides = array<i32>} : memref<1024xf32, #tpu.memory_space<vmem>>, vector<16xf32>,
    tpu.vector_store %arg7[%swap3A_1522], %mul3A_1521 {strides = array<i32>} : memref<1024xf32, #tpu.memory_space<vmem>>, vector<16xf32>,
    %add3A_1524 = arith.constant 3456 : i32
    %add3A_1525 = vector.broadcast %add3A_1524 : i32 to vector<16xi32>
    %add3A_1526 = arith.addi %mul3A_13, %add3A_1525 : vector<16xi32>
    %gather3A_1527 = tpu.vector_load_idx %arg6[%add3A_1526] : memref<4096xi32, #tpu.memory_space<vmem>>[vector<16xi32>], vector<16xi32>,
    %gather3A_1528 = tpu.vector_load_idx %arg5[%gather3A_1527] : memref<100000xf32, #tpu.memory_space<vmem>>[vector<16xi32>], vector<16xf32>,
    %add3A_1529 = arith.constant 1 : i32
    %add3A_1530 = vector.broadcast %add3A_1529 : i32 to vector<16xi32>
    %add3A_1531 = arith.addi %add3A_1526, %add3A_1530 : vector<16xi32>
    %gather3A_1532 = tpu.vector_load_idx %arg6[%add3A_1531] : memref<4096xi32, #tpu.memory_space<vmem>>[vector<16xi32>], vector<16xi32>,
    %gather3A_1533 = tpu.vector_load_idx %arg5[%gather3A_1532] : memref<100000xf32, #tpu.memory_space<vmem>>[vector<16xi32>], vector<16xf32>,
    %add3A_1534 = arith.addf %gather3A_1528, %gather3A_1533 : vector<16xf32>
    %add3A_1535 = arith.constant 2 : i32
    %add3A_1536 = vector.broadcast %add3A_1535 : i32 to vector<16xi32>
    %add3A_1537 = arith.addi %add3A_1526, %add3A_1536 : vector<16xi32>
    %gather3A_1538 = tpu.vector_load_idx %arg6[%add3A_1537] : memref<4096xi32, #tpu.memory_space<vmem>>[vector<16xi32>], vector<16xi32>,
    %gather3A_1539 = tpu.vector_load_idx %arg5[%gather3A_1538] : memref<100000xf32, #tpu.memory_space<vmem>>[vector<16xi32>], vector<16xf32>,
    %add3A_1540 = arith.addf %add3A_1534, %gather3A_1539 : vector<16xf32>
    %add3A_1541 = arith.constant 3 : i32
    %add3A_1542 = vector.broadcast %add3A_1541 : i32 to vector<16xi32>
    %add3A_1543 = arith.addi %add3A_1526, %add3A_1542 : vector<16xi32>
    %gather3A_1544 = tpu.vector_load_idx %arg6[%add3A_1543] : memref<4096xi32, #tpu.memory_space<vmem>>[vector<16xi32>], vector<16xi32>,
    %gather3A_1545 = tpu.vector_load_idx %arg5[%gather3A_1544] : memref<100000xf32, #tpu.memory_space<vmem>>[vector<16xi32>], vector<16xf32>,
    %add3A_1546 = arith.addf %add3A_1540, %gather3A_1545 : vector<16xf32>
    %mul3A_1547 = arith.constant 2.500000e-01 : f32
    %mul3A_1548 = vector.broadcast %mul3A_1547 : f32 to vector<16xf32>
    %mul3A_1549 = arith.mulf %add3A_1546, %mul3A_1548 : vector<16xf32>
    %swap3A_1550 = arith.constant 864 : index
    %swap3A_1551 = tpu.vector_load %arg7[%swap3A_1550] {strides = array<i32>} : memref<1024xf32, #tpu.memory_space<vmem>>, vector<16xf32>,
    tpu.vector_store %arg7[%swap3A_1550], %mul3A_1549 {strides = array<i32>} : memref<1024xf32, #tpu.memory_space<vmem>>, vector<16xf32>,
    %add3A_1552 = arith.constant 3520 : i32
    %add3A_1553 = vector.broadcast %add3A_1552 : i32 to vector<16xi32>
    %add3A_1554 = arith.addi %mul3A_13, %add3A_1553 : vector<16xi32>
    %gather3A_1555 = tpu.vector_load_idx %arg6[%add3A_1554] : memref<4096xi32, #tpu.memory_space<vmem>>[vector<16xi32>], vector<16xi32>,
    %gather3A_1556 = tpu.vector_load_idx %arg5[%gather3A_1555] : memref<100000xf32, #tpu.memory_space<vmem>>[vector<16xi32>], vector<16xf32>,
    %add3A_1557 = arith.constant 1 : i32
    %add3A_1558 = vector.broadcast %add3A_1557 : i32 to vector<16xi32>
    %add3A_1559 = arith.addi %add3A_1554, %add3A_1558 : vector<16xi32>
    %gather3A_1560 = tpu.vector_load_idx %arg6[%add3A_1559] : memref<4096xi32, #tpu.memory_space<vmem>>[vector<16xi32>], vector<16xi32>,
    %gather3A_1561 = tpu.vector_load_idx %arg5[%gather3A_1560] : memref<100000xf32, #tpu.memory_space<vmem>>[vector<16xi32>], vector<16xf32>,
    %add3A_1562 = arith.addf %gather3A_1556, %gather3A_1561 : vector<16xf32>
    %add3A_1563 = arith.constant 2 : i32
    %add3A_1564 = vector.broadcast %add3A_1563 : i32 to vector<16xi32>
    %add3A_1565 = arith.addi %add3A_1554, %add3A_1564 : vector<16xi32>
    %gather3A_1566 = tpu.vector_load_idx %arg6[%add3A_1565] : memref<4096xi32, #tpu.memory_space<vmem>>[vector<16xi32>], vector<16xi32>,
    %gather3A_1567 = tpu.vector_load_idx %arg5[%gather3A_1566] : memref<100000xf32, #tpu.memory_space<vmem>>[vector<16xi32>], vector<16xf32>,
    %add3A_1568 = arith.addf %add3A_1562, %gather3A_1567 : vector<16xf32>
    %add3A_1569 = arith.constant 3 : i32
    %add3A_1570 = vector.broadcast %add3A_1569 : i32 to vector<16xi32>
    %add3A_1571 = arith.addi %add3A_1554, %add3A_1570 : vector<16xi32>
    %gather3A_1572 = tpu.vector_load_idx %arg6[%add3A_1571] : memref<4096xi32, #tpu.memory_space<vmem>>[vector<16xi32>], vector<16xi32>,
    %gather3A_1573 = tpu.vector_load_idx %arg5[%gather3A_1572] : memref<100000xf32, #tpu.memory_space<vmem>>[vector<16xi32>], vector<16xf32>,
    %add3A_1574 = arith.addf %add3A_1568, %gather3A_1573 : vector<16xf32>
    %mul3A_1575 = arith.constant 2.500000e-01 : f32
    %mul3A_1576 = vector.broadcast %mul3A_1575 : f32 to vector<16xf32>
    %mul3A_1577 = arith.mulf %add3A_1574, %mul3A_1576 : vector<16xf32>
    %swap3A_1578 = arith.constant 880 : index
    %swap3A_1579 = tpu.vector_load %arg7[%swap3A_1578] {strides = array<i32>} : memref<1024xf32, #tpu.memory_space<vmem>>, vector<16xf32>,
    tpu.vector_store %arg7[%swap3A_1578], %mul3A_1577 {strides = array<i32>} : memref<1024xf32, #tpu.memory_space<vmem>>, vector<16xf32>,
    %add3A_1580 = arith.constant 3584 : i32
    %add3A_1581 = vector.broadcast %add3A_1580 : i32 to vector<16xi32>
    %add3A_1582 = arith.addi %mul3A_13, %add3A_1581 : vector<16xi32>
    %gather3A_1583 = tpu.vector_load_idx %arg6[%add3A_1582] : memref<4096xi32, #tpu.memory_space<vmem>>[vector<16xi32>], vector<16xi32>,
    %gather3A_1584 = tpu.vector_load_idx %arg5[%gather3A_1583] : memref<100000xf32, #tpu.memory_space<vmem>>[vector<16xi32>], vector<16xf32>,
    %add3A_1585 = arith.constant 1 : i32
    %add3A_1586 = vector.broadcast %add3A_1585 : i32 to vector<16xi32>
    %add3A_1587 = arith.addi %add3A_1582, %add3A_1586 : vector<16xi32>
    %gather3A_1588 = tpu.vector_load_idx %arg6[%add3A_1587] : memref<4096xi32, #tpu.memory_space<vmem>>[vector<16xi32>], vector<16xi32>,
    %gather3A_1589 = tpu.vector_load_idx %arg5[%gather3A_1588] : memref<100000xf32, #tpu.memory_space<vmem>>[vector<16xi32>], vector<16xf32>,
    %add3A_1590 = arith.addf %gather3A_1584, %gather3A_1589 : vector<16xf32>
    %add3A_1591 = arith.constant 2 : i32
    %add3A_1592 = vector.broadcast %add3A_1591 : i32 to vector<16xi32>
    %add3A_1593 = arith.addi %add3A_1582, %add3A_1592 : vector<16xi32>
    %gather3A_1594 = tpu.vector_load_idx %arg6[%add3A_1593] : memref<4096xi32, #tpu.memory_space<vmem>>[vector<16xi32>], vector<16xi32>,
    %gather3A_1595 = tpu.vector_load_idx %arg5[%gather3A_1594] : memref<100000xf32, #tpu.memory_space<vmem>>[vector<16xi32>], vector<16xf32>,
    %add3A_1596 = arith.addf %add3A_1590, %gather3A_1595 : vector<16xf32>
    %add3A_1597 = arith.constant 3 : i32
    %add3A_1598 = vector.broadcast %add3A_1597 : i32 to vector<16xi32>
    %add3A_1599 = arith.addi %add3A_1582, %add3A_1598 : vector<16xi32>
    %gather3A_1600 = tpu.vector_load_idx %arg6[%add3A_1599] : memref<4096xi32, #tpu.memory_space<vmem>>[vector<16xi32>], vector<16xi32>,
    %gather3A_1601 = tpu.vector_load_idx %arg5[%gather3A_1600] : memref<100000xf32, #tpu.memory_space<vmem>>[vector<16xi32>], vector<16xf32>,
    %add3A_1602 = arith.addf %add3A_1596, %gather3A_1601 : vector<16xf32>
    %mul3A_1603 = arith.constant 2.500000e-01 : f32
    %mul3A_1604 = vector.broadcast %mul3A_1603 : f32 to vector<16xf32>
    %mul3A_1605 = arith.mulf %add3A_1602, %mul3A_1604 : vector<16xf32>
    %swap3A_1606 = arith.constant 896 : index
    %swap3A_1607 = tpu.vector_load %arg7[%swap3A_1606] {strides = array<i32>} : memref<1024xf32, #tpu.memory_space<vmem>>, vector<16xf32>,
    tpu.vector_store %arg7[%swap3A_1606], %mul3A_1605 {strides = array<i32>} : memref<1024xf32, #tpu.memory_space<vmem>>, vector<16xf32>,
    %add3A_1608 = arith.constant 3648 : i32
    %add3A_1609 = vector.broadcast %add3A_1608 : i32 to vector<16xi32>
    %add3A_1610 = arith.addi %mul3A_13, %add3A_1609 : vector<16xi32>
    %gather3A_1611 = tpu.vector_load_idx %arg6[%add3A_1610] : memref<4096xi32, #tpu.memory_space<vmem>>[vector<16xi32>], vector<16xi32>,
    %gather3A_1612 = tpu.vector_load_idx %arg5[%gather3A_1611] : memref<100000xf32, #tpu.memory_space<vmem>>[vector<16xi32>], vector<16xf32>,
    %add3A_1613 = arith.constant 1 : i32
    %add3A_1614 = vector.broadcast %add3A_1613 : i32 to vector<16xi32>
    %add3A_1615 = arith.addi %add3A_1610, %add3A_1614 : vector<16xi32>
    %gather3A_1616 = tpu.vector_load_idx %arg6[%add3A_1615] : memref<4096xi32, #tpu.memory_space<vmem>>[vector<16xi32>], vector<16xi32>,
    %gather3A_1617 = tpu.vector_load_idx %arg5[%gather3A_1616] : memref<100000xf32, #tpu.memory_space<vmem>>[vector<16xi32>], vector<16xf32>,
    %add3A_1618 = arith.addf %gather3A_1612, %gather3A_1617 : vector<16xf32>
    %add3A_1619 = arith.constant 2 : i32
    %add3A_1620 = vector.broadcast %add3A_1619 : i32 to vector<16xi32>
    %add3A_1621 = arith.addi %add3A_1610, %add3A_1620 : vector<16xi32>
    %gather3A_1622 = tpu.vector_load_idx %arg6[%add3A_1621] : memref<4096xi32, #tpu.memory_space<vmem>>[vector<16xi32>], vector<16xi32>,
    %gather3A_1623 = tpu.vector_load_idx %arg5[%gather3A_1622] : memref<100000xf32, #tpu.memory_space<vmem>>[vector<16xi32>], vector<16xf32>,
    %add3A_1624 = arith.addf %add3A_1618, %gather3A_1623 : vector<16xf32>
    %add3A_1625 = arith.constant 3 : i32
    %add3A_1626 = vector.broadcast %add3A_1625 : i32 to vector<16xi32>
    %add3A_1627 = arith.addi %add3A_1610, %add3A_1626 : vector<16xi32>
    %gather3A_1628 = tpu.vector_load_idx %arg6[%add3A_1627] : memref<4096xi32, #tpu.memory_space<vmem>>[vector<16xi32>], vector<16xi32>,
    %gather3A_1629 = tpu.vector_load_idx %arg5[%gather3A_1628] : memref<100000xf32, #tpu.memory_space<vmem>>[vector<16xi32>], vector<16xf32>,
    %add3A_1630 = arith.addf %add3A_1624, %gather3A_1629 : vector<16xf32>
    %mul3A_1631 = arith.constant 2.500000e-01 : f32
    %mul3A_1632 = vector.broadcast %mul3A_1631 : f32 to vector<16xf32>
    %mul3A_1633 = arith.mulf %add3A_1630, %mul3A_1632 : vector<16xf32>
    %swap3A_1634 = arith.constant 912 : index
    %swap3A_1635 = tpu.vector_load %arg7[%swap3A_1634] {strides = array<i32>} : memref<1024xf32, #tpu.memory_space<vmem>>, vector<16xf32>,
    tpu.vector_store %arg7[%swap3A_1634], %mul3A_1633 {strides = array<i32>} : memref<1024xf32, #tpu.memory_space<vmem>>, vector<16xf32>,
    %add3A_1636 = arith.constant 3712 : i32
    %add3A_1637 = vector.broadcast %add3A_1636 : i32 to vector<16xi32>
    %add3A_1638 = arith.addi %mul3A_13, %add3A_1637 : vector<16xi32>
    %gather3A_1639 = tpu.vector_load_idx %arg6[%add3A_1638] : memref<4096xi32, #tpu.memory_space<vmem>>[vector<16xi32>], vector<16xi32>,
    %gather3A_1640 = tpu.vector_load_idx %arg5[%gather3A_1639] : memref<100000xf32, #tpu.memory_space<vmem>>[vector<16xi32>], vector<16xf32>,
    %add3A_1641 = arith.constant 1 : i32
    %add3A_1642 = vector.broadcast %add3A_1641 : i32 to vector<16xi32>
    %add3A_1643 = arith.addi %add3A_1638, %add3A_1642 : vector<16xi32>
    %gather3A_1644 = tpu.vector_load_idx %arg6[%add3A_1643] : memref<4096xi32, #tpu.memory_space<vmem>>[vector<16xi32>], vector<16xi32>,
    %gather3A_1645 = tpu.vector_load_idx %arg5[%gather3A_1644] : memref<100000xf32, #tpu.memory_space<vmem>>[vector<16xi32>], vector<16xf32>,
    %add3A_1646 = arith.addf %gather3A_1640, %gather3A_1645 : vector<16xf32>
    %add3A_1647 = arith.constant 2 : i32
    %add3A_1648 = vector.broadcast %add3A_1647 : i32 to vector<16xi32>
    %add3A_1649 = arith.addi %add3A_1638, %add3A_1648 : vector<16xi32>
    %gather3A_1650 = tpu.vector_load_idx %arg6[%add3A_1649] : memref<4096xi32, #tpu.memory_space<vmem>>[vector<16xi32>], vector<16xi32>,
    %gather3A_1651 = tpu.vector_load_idx %arg5[%gather3A_1650] : memref<100000xf32, #tpu.memory_space<vmem>>[vector<16xi32>], vector<16xf32>,
    %add3A_1652 = arith.addf %add3A_1646, %gather3A_1651 : vector<16xf32>
    %add3A_1653 = arith.constant 3 : i32
    %add3A_1654 = vector.broadcast %add3A_1653 : i32 to vector<16xi32>
    %add3A_1655 = arith.addi %add3A_1638, %add3A_1654 : vector<16xi32>
    %gather3A_1656 = tpu.vector_load_idx %arg6[%add3A_1655] : memref<4096xi32, #tpu.memory_space<vmem>>[vector<16xi32>], vector<16xi32>,
    %gather3A_1657 = tpu.vector_load_idx %arg5[%gather3A_1656] : memref<100000xf32, #tpu.memory_space<vmem>>[vector<16xi32>], vector<16xf32>,
    %add3A_1658 = arith.addf %add3A_1652, %gather3A_1657 : vector<16xf32>
    %mul3A_1659 = arith.constant 2.500000e-01 : f32
    %mul3A_1660 = vector.broadcast %mul3A_1659 : f32 to vector<16xf32>
    %mul3A_1661 = arith.mulf %add3A_1658, %mul3A_1660 : vector<16xf32>
    %swap3A_1662 = arith.constant 928 : index
    %swap3A_1663 = tpu.vector_load %arg7[%swap3A_1662] {strides = array<i32>} : memref<1024xf32, #tpu.memory_space<vmem>>, vector<16xf32>,
    tpu.vector_store %arg7[%swap3A_1662], %mul3A_1661 {strides = array<i32>} : memref<1024xf32, #tpu.memory_space<vmem>>, vector<16xf32>,
    %add3A_1664 = arith.constant 3776 : i32
    %add3A_1665 = vector.broadcast %add3A_1664 : i32 to vector<16xi32>
    %add3A_1666 = arith.addi %mul3A_13, %add3A_1665 : vector<16xi32>
    %gather3A_1667 = tpu.vector_load_idx %arg6[%add3A_1666] : memref<4096xi32, #tpu.memory_space<vmem>>[vector<16xi32>], vector<16xi32>,
    %gather3A_1668 = tpu.vector_load_idx %arg5[%gather3A_1667] : memref<100000xf32, #tpu.memory_space<vmem>>[vector<16xi32>], vector<16xf32>,
    %add3A_1669 = arith.constant 1 : i32
    %add3A_1670 = vector.broadcast %add3A_1669 : i32 to vector<16xi32>
    %add3A_1671 = arith.addi %add3A_1666, %add3A_1670 : vector<16xi32>
    %gather3A_1672 = tpu.vector_load_idx %arg6[%add3A_1671] : memref<4096xi32, #tpu.memory_space<vmem>>[vector<16xi32>], vector<16xi32>,
    %gather3A_1673 = tpu.vector_load_idx %arg5[%gather3A_1672] : memref<100000xf32, #tpu.memory_space<vmem>>[vector<16xi32>], vector<16xf32>,
    %add3A_1674 = arith.addf %gather3A_1668, %gather3A_1673 : vector<16xf32>
    %add3A_1675 = arith.constant 2 : i32
    %add3A_1676 = vector.broadcast %add3A_1675 : i32 to vector<16xi32>
    %add3A_1677 = arith.addi %add3A_1666, %add3A_1676 : vector<16xi32>
    %gather3A_1678 = tpu.vector_load_idx %arg6[%add3A_1677] : memref<4096xi32, #tpu.memory_space<vmem>>[vector<16xi32>], vector<16xi32>,
    %gather3A_1679 = tpu.vector_load_idx %arg5[%gather3A_1678] : memref<100000xf32, #tpu.memory_space<vmem>>[vector<16xi32>], vector<16xf32>,
    %add3A_1680 = arith.addf %add3A_1674, %gather3A_1679 : vector<16xf32>
    %add3A_1681 = arith.constant 3 : i32
    %add3A_1682 = vector.broadcast %add3A_1681 : i32 to vector<16xi32>
    %add3A_1683 = arith.addi %add3A_1666, %add3A_1682 : vector<16xi32>
    %gather3A_1684 = tpu.vector_load_idx %arg6[%add3A_1683] : memref<4096xi32, #tpu.memory_space<vmem>>[vector<16xi32>], vector<16xi32>,
    %gather3A_1685 = tpu.vector_load_idx %arg5[%gather3A_1684] : memref<100000xf32, #tpu.memory_space<vmem>>[vector<16xi32>], vector<16xf32>,
    %add3A_1686 = arith.addf %add3A_1680, %gather3A_1685 : vector<16xf32>
    %mul3A_1687 = arith.constant 2.500000e-01 : f32
    %mul3A_1688 = vector.broadcast %mul3A_1687 : f32 to vector<16xf32>
    %mul3A_1689 = arith.mulf %add3A_1686, %mul3A_1688 : vector<16xf32>
    %swap3A_1690 = arith.constant 944 : index
    %swap3A_1691 = tpu.vector_load %arg7[%swap3A_1690] {strides = array<i32>} : memref<1024xf32, #tpu.memory_space<vmem>>, vector<16xf32>,
    tpu.vector_store %arg7[%swap3A_1690], %mul3A_1689 {strides = array<i32>} : memref<1024xf32, #tpu.memory_space<vmem>>, vector<16xf32>,
    %add3A_1692 = arith.constant 3840 : i32
    %add3A_1693 = vector.broadcast %add3A_1692 : i32 to vector<16xi32>
    %add3A_1694 = arith.addi %mul3A_13, %add3A_1693 : vector<16xi32>
    %gather3A_1695 = tpu.vector_load_idx %arg6[%add3A_1694] : memref<4096xi32, #tpu.memory_space<vmem>>[vector<16xi32>], vector<16xi32>,
    %gather3A_1696 = tpu.vector_load_idx %arg5[%gather3A_1695] : memref<100000xf32, #tpu.memory_space<vmem>>[vector<16xi32>], vector<16xf32>,
    %add3A_1697 = arith.constant 1 : i32
    %add3A_1698 = vector.broadcast %add3A_1697 : i32 to vector<16xi32>
    %add3A_1699 = arith.addi %add3A_1694, %add3A_1698 : vector<16xi32>
    %gather3A_1700 = tpu.vector_load_idx %arg6[%add3A_1699] : memref<4096xi32, #tpu.memory_space<vmem>>[vector<16xi32>], vector<16xi32>,
    %gather3A_1701 = tpu.vector_load_idx %arg5[%gather3A_1700] : memref<100000xf32, #tpu.memory_space<vmem>>[vector<16xi32>], vector<16xf32>,
    %add3A_1702 = arith.addf %gather3A_1696, %gather3A_1701 : vector<16xf32>
    %add3A_1703 = arith.constant 2 : i32
    %add3A_1704 = vector.broadcast %add3A_1703 : i32 to vector<16xi32>
    %add3A_1705 = arith.addi %add3A_1694, %add3A_1704 : vector<16xi32>
    %gather3A_1706 = tpu.vector_load_idx %arg6[%add3A_1705] : memref<4096xi32, #tpu.memory_space<vmem>>[vector<16xi32>], vector<16xi32>,
    %gather3A_1707 = tpu.vector_load_idx %arg5[%gather3A_1706] : memref<100000xf32, #tpu.memory_space<vmem>>[vector<16xi32>], vector<16xf32>,
    %add3A_1708 = arith.addf %add3A_1702, %gather3A_1707 : vector<16xf32>
    %add3A_1709 = arith.constant 3 : i32
    %add3A_1710 = vector.broadcast %add3A_1709 : i32 to vector<16xi32>
    %add3A_1711 = arith.addi %add3A_1694, %add3A_1710 : vector<16xi32>
    %gather3A_1712 = tpu.vector_load_idx %arg6[%add3A_1711] : memref<4096xi32, #tpu.memory_space<vmem>>[vector<16xi32>], vector<16xi32>,
    %gather3A_1713 = tpu.vector_load_idx %arg5[%gather3A_1712] : memref<100000xf32, #tpu.memory_space<vmem>>[vector<16xi32>], vector<16xf32>,
    %add3A_1714 = arith.addf %add3A_1708, %gather3A_1713 : vector<16xf32>
    %mul3A_1715 = arith.constant 2.500000e-01 : f32
    %mul3A_1716 = vector.broadcast %mul3A_1715 : f32 to vector<16xf32>
    %mul3A_1717 = arith.mulf %add3A_1714, %mul3A_1716 : vector<16xf32>
    %swap3A_1718 = arith.constant 960 : index
    %swap3A_1719 = tpu.vector_load %arg7[%swap3A_1718] {strides = array<i32>} : memref<1024xf32, #tpu.memory_space<vmem>>, vector<16xf32>,
    tpu.vector_store %arg7[%swap3A_1718], %mul3A_1717 {strides = array<i32>} : memref<1024xf32, #tpu.memory_space<vmem>>, vector<16xf32>,
    %add3A_1720 = arith.constant 3904 : i32
    %add3A_1721 = vector.broadcast %add3A_1720 : i32 to vector<16xi32>
    %add3A_1722 = arith.addi %mul3A_13, %add3A_1721 : vector<16xi32>
    %gather3A_1723 = tpu.vector_load_idx %arg6[%add3A_1722] : memref<4096xi32, #tpu.memory_space<vmem>>[vector<16xi32>], vector<16xi32>,
    %gather3A_1724 = tpu.vector_load_idx %arg5[%gather3A_1723] : memref<100000xf32, #tpu.memory_space<vmem>>[vector<16xi32>], vector<16xf32>,
    %add3A_1725 = arith.constant 1 : i32
    %add3A_1726 = vector.broadcast %add3A_1725 : i32 to vector<16xi32>
    %add3A_1727 = arith.addi %add3A_1722, %add3A_1726 : vector<16xi32>
    %gather3A_1728 = tpu.vector_load_idx %arg6[%add3A_1727] : memref<4096xi32, #tpu.memory_space<vmem>>[vector<16xi32>], vector<16xi32>,
    %gather3A_1729 = tpu.vector_load_idx %arg5[%gather3A_1728] : memref<100000xf32, #tpu.memory_space<vmem>>[vector<16xi32>], vector<16xf32>,
    %add3A_1730 = arith.addf %gather3A_1724, %gather3A_1729 : vector<16xf32>
    %add3A_1731 = arith.constant 2 : i32
    %add3A_1732 = vector.broadcast %add3A_1731 : i32 to vector<16xi32>
    %add3A_1733 = arith.addi %add3A_1722, %add3A_1732 : vector<16xi32>
    %gather3A_1734 = tpu.vector_load_idx %arg6[%add3A_1733] : memref<4096xi32, #tpu.memory_space<vmem>>[vector<16xi32>], vector<16xi32>,
    %gather3A_1735 = tpu.vector_load_idx %arg5[%gather3A_1734] : memref<100000xf32, #tpu.memory_space<vmem>>[vector<16xi32>], vector<16xf32>,
    %add3A_1736 = arith.addf %add3A_1730, %gather3A_1735 : vector<16xf32>
    %add3A_1737 = arith.constant 3 : i32
    %add3A_1738 = vector.broadcast %add3A_1737 : i32 to vector<16xi32>
    %add3A_1739 = arith.addi %add3A_1722, %add3A_1738 : vector<16xi32>
    %gather3A_1740 = tpu.vector_load_idx %arg6[%add3A_1739] : memref<4096xi32, #tpu.memory_space<vmem>>[vector<16xi32>], vector<16xi32>,
    %gather3A_1741 = tpu.vector_load_idx %arg5[%gather3A_1740] : memref<100000xf32, #tpu.memory_space<vmem>>[vector<16xi32>], vector<16xf32>,
    %add3A_1742 = arith.addf %add3A_1736, %gather3A_1741 : vector<16xf32>
    %mul3A_1743 = arith.constant 2.500000e-01 : f32
    %mul3A_1744 = vector.broadcast %mul3A_1743 : f32 to vector<16xf32>
    %mul3A_1745 = arith.mulf %add3A_1742, %mul3A_1744 : vector<16xf32>
    %swap3A_1746 = arith.constant 976 : index
    %swap3A_1747 = tpu.vector_load %arg7[%swap3A_1746] {strides = array<i32>} : memref<1024xf32, #tpu.memory_space<vmem>>, vector<16xf32>,
    tpu.vector_store %arg7[%swap3A_1746], %mul3A_1745 {strides = array<i32>} : memref<1024xf32, #tpu.memory_space<vmem>>, vector<16xf32>,
    %add3A_1748 = arith.constant 3968 : i32
    %add3A_1749 = vector.broadcast %add3A_1748 : i32 to vector<16xi32>
    %add3A_1750 = arith.addi %mul3A_13, %add3A_1749 : vector<16xi32>
    %gather3A_1751 = tpu.vector_load_idx %arg6[%add3A_1750] : memref<4096xi32, #tpu.memory_space<vmem>>[vector<16xi32>], vector<16xi32>,
    %gather3A_1752 = tpu.vector_load_idx %arg5[%gather3A_1751] : memref<100000xf32, #tpu.memory_space<vmem>>[vector<16xi32>], vector<16xf32>,
    %add3A_1753 = arith.constant 1 : i32
    %add3A_1754 = vector.broadcast %add3A_1753 : i32 to vector<16xi32>
    %add3A_1755 = arith.addi %add3A_1750, %add3A_1754 : vector<16xi32>
    %gather3A_1756 = tpu.vector_load_idx %arg6[%add3A_1755] : memref<4096xi32, #tpu.memory_space<vmem>>[vector<16xi32>], vector<16xi32>,
    %gather3A_1757 = tpu.vector_load_idx %arg5[%gather3A_1756] : memref<100000xf32, #tpu.memory_space<vmem>>[vector<16xi32>], vector<16xf32>,
    %add3A_1758 = arith.addf %gather3A_1752, %gather3A_1757 : vector<16xf32>
    %add3A_1759 = arith.constant 2 : i32
    %add3A_1760 = vector.broadcast %add3A_1759 : i32 to vector<16xi32>
    %add3A_1761 = arith.addi %add3A_1750, %add3A_1760 : vector<16xi32>
    %gather3A_1762 = tpu.vector_load_idx %arg6[%add3A_1761] : memref<4096xi32, #tpu.memory_space<vmem>>[vector<16xi32>], vector<16xi32>,
    %gather3A_1763 = tpu.vector_load_idx %arg5[%gather3A_1762] : memref<100000xf32, #tpu.memory_space<vmem>>[vector<16xi32>], vector<16xf32>,
    %add3A_1764 = arith.addf %add3A_1758, %gather3A_1763 : vector<16xf32>
    %add3A_1765 = arith.constant 3 : i32
    %add3A_1766 = vector.broadcast %add3A_1765 : i32 to vector<16xi32>
    %add3A_1767 = arith.addi %add3A_1750, %add3A_1766 : vector<16xi32>
    %gather3A_1768 = tpu.vector_load_idx %arg6[%add3A_1767] : memref<4096xi32, #tpu.memory_space<vmem>>[vector<16xi32>], vector<16xi32>,
    %gather3A_1769 = tpu.vector_load_idx %arg5[%gather3A_1768] : memref<100000xf32, #tpu.memory_space<vmem>>[vector<16xi32>], vector<16xf32>,
    %add3A_1770 = arith.addf %add3A_1764, %gather3A_1769 : vector<16xf32>
    %mul3A_1771 = arith.constant 2.500000e-01 : f32
    %mul3A_1772 = vector.broadcast %mul3A_1771 : f32 to vector<16xf32>
    %mul3A_1773 = arith.mulf %add3A_1770, %mul3A_1772 : vector<16xf32>
    %swap3A_1774 = arith.constant 992 : index
    %swap3A_1775 = tpu.vector_load %arg7[%swap3A_1774] {strides = array<i32>} : memref<1024xf32, #tpu.memory_space<vmem>>, vector<16xf32>,
    tpu.vector_store %arg7[%swap3A_1774], %mul3A_1773 {strides = array<i32>} : memref<1024xf32, #tpu.memory_space<vmem>>, vector<16xf32>,
    %add3A_1776 = arith.constant 4032 : i32
    %add3A_1777 = vector.broadcast %add3A_1776 : i32 to vector<16xi32>
    %add3A_1778 = arith.addi %mul3A_13, %add3A_1777 : vector<16xi32>
    %gather3A_1779 = tpu.vector_load_idx %arg6[%add3A_1778] : memref<4096xi32, #tpu.memory_space<vmem>>[vector<16xi32>], vector<16xi32>,
    %gather3A_1780 = tpu.vector_load_idx %arg5[%gather3A_1779] : memref<100000xf32, #tpu.memory_space<vmem>>[vector<16xi32>], vector<16xf32>,
    %add3A_1781 = arith.constant 1 : i32
    %add3A_1782 = vector.broadcast %add3A_1781 : i32 to vector<16xi32>
    %add3A_1783 = arith.addi %add3A_1778, %add3A_1782 : vector<16xi32>
    %gather3A_1784 = tpu.vector_load_idx %arg6[%add3A_1783] : memref<4096xi32, #tpu.memory_space<vmem>>[vector<16xi32>], vector<16xi32>,
    %gather3A_1785 = tpu.vector_load_idx %arg5[%gather3A_1784] : memref<100000xf32, #tpu.memory_space<vmem>>[vector<16xi32>], vector<16xf32>,
    %add3A_1786 = arith.addf %gather3A_1780, %gather3A_1785 : vector<16xf32>
    %add3A_1787 = arith.constant 2 : i32
    %add3A_1788 = vector.broadcast %add3A_1787 : i32 to vector<16xi32>
    %add3A_1789 = arith.addi %add3A_1778, %add3A_1788 : vector<16xi32>
    %gather3A_1790 = tpu.vector_load_idx %arg6[%add3A_1789] : memref<4096xi32, #tpu.memory_space<vmem>>[vector<16xi32>], vector<16xi32>,
    %gather3A_1791 = tpu.vector_load_idx %arg5[%gather3A_1790] : memref<100000xf32, #tpu.memory_space<vmem>>[vector<16xi32>], vector<16xf32>,
    %add3A_1792 = arith.addf %add3A_1786, %gather3A_1791 : vector<16xf32>
    %add3A_1793 = arith.constant 3 : i32
    %add3A_1794 = vector.broadcast %add3A_1793 : i32 to vector<16xi32>
    %add3A_1795 = arith.addi %add3A_1778, %add3A_1794 : vector<16xi32>
    %gather3A_1796 = tpu.vector_load_idx %arg6[%add3A_1795] : memref<4096xi32, #tpu.memory_space<vmem>>[vector<16xi32>], vector<16xi32>,
    %gather3A_1797 = tpu.vector_load_idx %arg5[%gather3A_1796] : memref<100000xf32, #tpu.memory_space<vmem>>[vector<16xi32>], vector<16xf32>,
    %add3A_1798 = arith.addf %add3A_1792, %gather3A_1797 : vector<16xf32>
    %mul3A_1799 = arith.constant 2.500000e-01 : f32
    %mul3A_1800 = vector.broadcast %mul3A_1799 : f32 to vector<16xf32>
    %mul3A_1801 = arith.mulf %add3A_1798, %mul3A_1800 : vector<16xf32>
    %swap3A_1802 = arith.constant 1008 : index
    %swap3A_1803 = tpu.vector_load %arg7[%swap3A_1802] {strides = array<i32>} : memref<1024xf32, #tpu.memory_space<vmem>>, vector<16xf32>,
    tpu.vector_store %arg7[%swap3A_1802], %mul3A_1801 {strides = array<i32>} : memref<1024xf32, #tpu.memory_space<vmem>>, vector<16xf32>,
    %mul3A_1804 = arith.constant 1024 : i32
    %mul3A_1805 = arith.muli %add3A, %mul3A_1804 : i32
    "tpu.region"() ({
      %run_scoped3A = tpu.sem_alloc : memref<!tpu.dma_semaphore, #tpu.memory_space<semaphore_mem>>
      %dma_start3A_1806 = tpu.memref_slice %arg4[%mul3A_1805] : memref<32768xf32, #tpu.memory_space<hbm>> -> memref<1024xf32, #tpu.memory_space<hbm>>
      %dma_start3A_1807 = tpu.memref_slice %arg4[%mul3A_1805] : memref<32768xf32, #tpu.memory_space<hbm>> -> memref<1024xf32, #tpu.memory_space<hbm>>
      tpu.enqueue_dma source(%arg7 : memref<1024xf32, #tpu.memory_space<vmem>>) target(%dma_start3A_1807 : memref<1024xf32, #tpu.memory_space<hbm>>) target_semaphore(%run_scoped3A : memref<!tpu.dma_semaphore, #tpu.memory_space<semaphore_mem>>)
      %dma_wait3A_1808 = tpu.memref_slice %arg4[%mul3A_1805] : memref<32768xf32, #tpu.memory_space<hbm>> -> memref<1024xf32, #tpu.memory_space<hbm>>
      %dma_wait3A_1809 = tpu.memref_slice %arg4[%mul3A_1805] : memref<32768xf32, #tpu.memory_space<hbm>> -> memref<1024xf32, #tpu.memory_space<hbm>>
      tpu.wait_dma2 semaphore(%run_scoped3A : memref<!tpu.dma_semaphore, #tpu.memory_space<semaphore_mem>>) src(%arg7 : memref<1024xf32, #tpu.memory_space<vmem>>) dst(%dma_wait3A_1809 : memref<1024xf32, #tpu.memory_space<hbm>>)
      tpu.yield
    }) : () -> ()
    return
  }
}

module attributes {stable_mosaic.version = 14 : i64} {
  func.func @_out_body(%arg0: i32, %arg1: memref<33x4096xbf16, #tpu.memory_space<vmem>>, %arg2: memref<33x1024xbf16, #tpu.memory_space<vmem>>, %arg3: memref<1x1024xf32, #tpu.memory_space<vmem>>, %arg4: memref<4096x1024xf32, #tpu.memory_space<vmem>>) attributes {dimension_semantics = [#tpu.dimension_semantics<arbitrary>], iteration_bounds = array<i64: 25>, scalar_prefetch = 0 : i64, scratch_operands = 0 : i64, tpu.core_type = #tpu.core_type<tc>, window_params = [{transform_indices = @transform_0, window_bounds = array<i64: 33, 4096>}, {pipeline_mode = #tpu.pipeline_mode<synchronous>, transform_indices = @transform_1, window_bounds = array<i64: 33, 1024>}, {pipeline_mode = #tpu.pipeline_mode<synchronous>, transform_indices = @transform_2, window_bounds = array<i64: 1, 1024>}, {transform_indices = @transform_3, window_bounds = array<i64: 4096, 1024>}]} {
    %get3A = arith.constant 0 : index
    %get3A_0 = arith.constant 0 : index
    %get3A_1 = vector.load %arg1[%get3A, %get3A_0] : memref<33x4096xbf16, #tpu.memory_space<vmem>>, vector<33x4096xbf16>
    %get3A_2 = arith.constant 0 : index
    %get3A_3 = arith.constant 0 : index
    %get3A_4 = vector.load %arg2[%get3A_2, %get3A_3] : memref<33x1024xbf16, #tpu.memory_space<vmem>>, vector<33x1024xbf16>
    %dot_general3A = arith.constant dense<0.000000e+00> : vector<4096x1024xf32>
    %dot_general3A_5 = tpu.matmul %get3A_1, %get3A_4, %dot_general3A {dimension_numbers = #tpu.dot_dimension_numbers<[0], [0], [1], [1], [0, 1, 1, 1], [], []>, transpose_lhs_hint = false} : vector<33x4096xbf16>, vector<33x1024xbf16>, vector<4096x1024xf32> -> vector<4096x1024xf32>
    %mul3A = arith.constant 0.693147182 : f32
    %mul3A_6 = vector.broadcast %mul3A : f32 to vector<4096x1024xf32>
    %mul3A_7 = arith.mulf %dot_general3A_5, %mul3A_6 : vector<4096x1024xf32>
    %get3A_8 = arith.constant 0 : index
    %get3A_9 = arith.constant 0 : index
    %get3A_10 = vector.load %arg3[%get3A_8, %get3A_9] : memref<1x1024xf32, #tpu.memory_space<vmem>>, vector<1x1024xf32>
    %sub3A = vector.broadcast %get3A_10 : vector<1x1024xf32> to vector<4096x1024xf32>
    %sub3A_11 = arith.subf %mul3A_7, %sub3A : vector<4096x1024xf32>
    %swap3A = arith.constant 0 : index
    %swap3A_12 = arith.constant 0 : index
    %swap3A_13 = vector.load %arg4[%swap3A, %swap3A_12] : memref<4096x1024xf32, #tpu.memory_space<vmem>>, vector<4096x1024xf32>
    tpu.vector_store %arg4[%swap3A, %swap3A_12], %sub3A_11 {strides = array<i32>} : memref<4096x1024xf32, #tpu.memory_space<vmem>>, vector<4096x1024xf32>,
    return
  }
  func.func @transform_0(%arg0: i32) -> (i32, i32) {
    %c0_i32 = arith.constant 0 : i32
    %c0_i32_0 = arith.constant 0 : i32
    return %c0_i32, %arg0 : i32, i32
  }
  func.func @transform_1(%arg0: i32) -> (i32, i32) {
    %c0_i32 = arith.constant 0 : i32
    %c0_i32_0 = arith.constant 0 : i32
    %c0_i32_1 = arith.constant 0 : i32
    return %c0_i32, %c0_i32_0 : i32, i32
  }
  func.func @transform_2(%arg0: i32) -> (i32, i32) {
    %c0_i32 = arith.constant 0 : i32
    %c0_i32_0 = arith.constant 0 : i32
    %c0_i32_1 = arith.constant 0 : i32
    return %c0_i32, %c0_i32_0 : i32, i32
  }
  func.func @transform_3(%arg0: i32) -> (i32, i32) {
    %c0_i32 = arith.constant 0 : i32
    %c0_i32_0 = arith.constant 0 : i32
    return %arg0, %c0_i32 : i32, i32
  }
}

module attributes {stable_mosaic.version = 14 : i64} {
  func.func @_stats_body(%arg0: i32, %arg1: memref<33x4096xbf16, #tpu.memory_space<vmem>>, %arg2: memref<33x1024xbf16, #tpu.memory_space<vmem>>, %arg3: memref<1x1024xf32, #tpu.memory_space<vmem>>, %arg4: memref<1x1024xf32, #tpu.memory_space<vmem>>) attributes {dimension_semantics = [#tpu.dimension_semantics<arbitrary>], iteration_bounds = array<i64: 25>, scalar_prefetch = 0 : i64, scratch_operands = 1 : i64, tpu.core_type = #tpu.core_type<tc>, window_params = [{transform_indices = @transform_0, window_bounds = array<i64: 33, 4096>}, {pipeline_mode = #tpu.pipeline_mode<synchronous>, transform_indices = @transform_1, window_bounds = array<i64: 33, 1024>}, {pipeline_mode = #tpu.pipeline_mode<synchronous>, transform_indices = @transform_2, window_bounds = array<i64: 1, 1024>}]} {
    %eq3A = arith.constant 0 : i32
    %eq3A_0 = arith.cmpi eq, %arg0, %eq3A : i32
    %convert_element_type3A = arith.extui %eq3A_0 : i1 to i32
    %cond3A = arith.constant 0 : i32
    %cond3A_1 = arith.cmpi ne, %convert_element_type3A, %cond3A : i32
    scf.if %cond3A_1 {
      %broadcast_in_dim3A_19 = arith.constant 0.000000e+00 : f32
      %broadcast_in_dim3A_20 = vector.broadcast %broadcast_in_dim3A_19 : f32 to vector<1x1024xf32>
      %swap3A_21 = arith.constant 0 : index
      %swap3A_22 = arith.constant 0 : index
      %swap3A_23 = vector.load %arg4[%swap3A_21, %swap3A_22] : memref<1x1024xf32, #tpu.memory_space<vmem>>, vector<1x1024xf32>
      tpu.vector_store %arg4[%swap3A_21, %swap3A_22], %broadcast_in_dim3A_20 {strides = array<i32>} : memref<1x1024xf32, #tpu.memory_space<vmem>>, vector<1x1024xf32>,
    } else {
    }
    %get3A = arith.constant 0 : index
    %get3A_2 = arith.constant 0 : index
    %get3A_3 = vector.load %arg4[%get3A, %get3A_2] : memref<1x1024xf32, #tpu.memory_space<vmem>>, vector<1x1024xf32>
    %get3A_4 = arith.constant 0 : index
    %get3A_5 = arith.constant 0 : index
    %get3A_6 = vector.load %arg1[%get3A_4, %get3A_5] : memref<33x4096xbf16, #tpu.memory_space<vmem>>, vector<33x4096xbf16>
    %get3A_7 = arith.constant 0 : index
    %get3A_8 = arith.constant 0 : index
    %get3A_9 = vector.load %arg2[%get3A_7, %get3A_8] : memref<33x1024xbf16, #tpu.memory_space<vmem>>, vector<33x1024xbf16>
    %dot_general3A = arith.constant dense<0.000000e+00> : vector<4096x1024xf32>
    %dot_general3A_10 = tpu.matmul %get3A_6, %get3A_9, %dot_general3A {dimension_numbers = #tpu.dot_dimension_numbers<[0], [0], [1], [1], [0, 1, 1, 1], [], []>, transpose_lhs_hint = false} : vector<33x4096xbf16>, vector<33x1024xbf16>, vector<4096x1024xf32> -> vector<4096x1024xf32>
    %exp23A = math.exp2 %dot_general3A_10 : vector<4096x1024xf32>
    %reduce_sum3A = arith.constant dense<0.000000e+00> : vector<1024xf32>
    %reduce_sum3A_11 = vector.multi_reduction <add>, %exp23A, %reduce_sum3A [0] : vector<4096x1024xf32> to vector<1024xf32>
    %broadcast_in_dim3A = vector.shape_cast %reduce_sum3A_11 : vector<1024xf32> to vector<1x1024xf32>
    %add3A = arith.addf %get3A_3, %broadcast_in_dim3A : vector<1x1024xf32>
    %swap3A = arith.constant 0 : index
    %swap3A_12 = arith.constant 0 : index
    %swap3A_13 = vector.load %arg4[%swap3A, %swap3A_12] : memref<1x1024xf32, #tpu.memory_space<vmem>>, vector<1x1024xf32>
    tpu.vector_store %arg4[%swap3A, %swap3A_12], %add3A {strides = array<i32>} : memref<1x1024xf32, #tpu.memory_space<vmem>>, vector<1x1024xf32>,
    %eq3A_14 = arith.constant 24 : i32
    %eq3A_15 = arith.cmpi eq, %arg0, %eq3A_14 : i32
    %convert_element_type3A_16 = arith.extui %eq3A_15 : i1 to i32
    %cond3A_17 = arith.constant 0 : i32
    %cond3A_18 = arith.cmpi ne, %convert_element_type3A_16, %cond3A_17 : i32
    scf.if %cond3A_18 {
      %get3A_19 = arith.constant 0 : index
      %get3A_20 = arith.constant 0 : index
      %get3A_21 = vector.load %arg4[%get3A_19, %get3A_20] : memref<1x1024xf32, #tpu.memory_space<vmem>>, vector<1x1024xf32>
      %log3A = math.log %get3A_21 : vector<1x1024xf32>
      %swap3A_22 = arith.constant 0 : index
      %swap3A_23 = arith.constant 0 : index
      %swap3A_24 = vector.load %arg3[%swap3A_22, %swap3A_23] : memref<1x1024xf32, #tpu.memory_space<vmem>>, vector<1x1024xf32>
      tpu.vector_store %arg3[%swap3A_22, %swap3A_23], %log3A {strides = array<i32>} : memref<1x1024xf32, #tpu.memory_space<vmem>>, vector<1x1024xf32>,
    } else {
    }
    return
  }
  func.func @transform_0(%arg0: i32) -> (i32, i32) {
    %c0_i32 = arith.constant 0 : i32
    %c0_i32_0 = arith.constant 0 : i32
    return %c0_i32, %arg0 : i32, i32
  }
  func.func @transform_1(%arg0: i32) -> (i32, i32) {
    %c0_i32 = arith.constant 0 : i32
    %c0_i32_0 = arith.constant 0 : i32
    %c0_i32_1 = arith.constant 0 : i32
    return %c0_i32, %c0_i32_0 : i32, i32
  }
  func.func @transform_2(%arg0: i32) -> (i32, i32) {
    %c0_i32 = arith.constant 0 : i32
    %c0_i32_0 = arith.constant 0 : i32
    %c0_i32_1 = arith.constant 0 : i32
    return %c0_i32, %c0_i32_0 : i32, i32
  }
}

</mosaic_0001>

<sc_bundles>
// kernel: kernel.5.cloned.1.call-start
scs
__scs_entry_jumppad:
0x0: {  	(pc) =	sbr.rel $0x88, $3  }
0x1: {  	(tag) =	ssettag $0x0;
	lr =	simm.s32 $0x1  }
0x2: {  	[smem:$0x3F9D] =	sst lr;
	_ =	strace $0xD0000000  }
0x3: {  	_ = 	snop  }
0x4: {  	_ = 	snop  }
0x5: {  	_ = 	snop  }
0x6: {  	_ = 	snop  }
0x7: {  	_ = 	snop  }
__scs_overlays_trampoline_lowered:
0x8: {  	[smem:$0x3FAC] =	sst s0  }
0x9: {  	[smem:$0x3FAD] =	sst s1  }
0xa: {  	[smem:$0x3FAE] =	sst s2  }
0xb: {  	[smem:$0x3FAF] =	sst s3  }
0xc: {  	[smem:$0x3FB0] =	sst s4  }
0xd: {  	[smem:$0x3FB1] =	sst s5  }
0xe: {  	[smem:$0x3FB2] =	sst s6  }
0xf: {  	[smem:$0x3FB3] =	sst s7  }
0x10: {  	[smem:$0x3FB4] =	sst s8  }
0x11: {  	[smem:$0x3FB5] =	sst s9;
	s0 =	simm.s32 @!p0 $0x0  }
0x12: {  	s1 =	sld [smem:$0x3F9B];
	s0 =	simm.s32 @p0 $0x1  }
0x13: {  	[smem:$0x3FB6] =	sst s0;
	s0 =	simm.s32 @!p1 $0x0  }
0x14: {  	s2 =	sld [smem:$0x3F9A];
	s0 =	simm.s32 @p1 $0x1  }
0x15: {  	[smem:$0x3FB7] =	sst s0;
	s0 =	simm.s32 @!p2 $0x0  }
0x16: {  	s3 =	sld [smem:$0x3FDB];
	s0 =	simm.s32 @p2 $0x1  }
0x17: {  	s4 =	simm.s32 $0x1BF5;
	[smem:$0x3FB9] =	sst s0  }
0x18: {  	s0 =	sld [smem:$0x3F9C];
	_ =	swait.ge [sflag:s4], $0x0  }
0x19: {  	s7 =	sld [smem:$0x3F9D]  }
0x1a: {  	s8 =	sadd.s32 $0xFFFFE003, lr  }
0x1b: {  	s9 =	sadd.s32 $0xFFFFFEF7, lr;
	s5 =	simm.s32 $0xFFFFFFFF;
	p2 =	slt.u32 s8, $0xFFFFF086  }
0x1c: {  	p1 =	slt.u32 s9, $0xF7A;
	s5 =	simm.s32 @!p2 $0x0  }
0x1d: {  	s5 =	simm.s32 @p1 $0x1;
	p0 =	seq.s32 s7, s2  }
0x1e: {  	s7 =	smul.u32 @!p0 $0xF7A, s2;
	p2 =	seq.s32 @!p0 s5, $0x0  }
0x1f: {  	s9 =	smul.u32 $0xF7A, s1;
	s8 =	simm.s32 @!p0 $0x1BF5;
	p2 =	por !p2, p0  }
0x20: {  	[sflag:s8] =	ssyncset.s32 @!p0 $0xFFFFF086;
	s6 =	sadd.s32 @!p0 s3, s7;
	s7 =	simm.s32 @!p0 $0x108  }
0x21: {  	s3 =	sadd.s32 s3, s9;
	s6 =	sadd.s32 @!p0 $0x88, s6;
	s7 =	simm.s32 @p2 $0x1082  }
0x22: {  	[simem:s7], [sflag:s8] =	dma.local @!p0 [hbm:s6], $0xF7A  }
0x23: {  	s9 =	sor.u32 $0xD0000000, s2;
	s6 =	simm.s32 $0x108;
	_ =	swait.ge @!p0 [sflag:s8], $0x0  }
0x24: {  	s3 =	sadd.s32 $0x88, s3;
	s6 =	simm.s32 @!p1 $0x1082;
	[sflag:s4] =	ssyncset.s32 $0xFFFFF086  }
0x25: {  	[simem:s6], [sflag:s4] =	dma.local [hbm:s3], $0xF7A  }
0x26: {  	[smem:$0x3F9D] =	sst s1;
	(tag) =	ssettag s2;
	_ =	strace s9  }
0x27: {  	s1 =	sld [smem:$0x3FAD]  }
0x28: {  	s2 =	sld [smem:$0x3FAE]  }
0x29: {  	s4 =	sld [smem:$0x3FB0]  }
0x2a: {  	p0 =	seq.s32 s5, $0x0;
	s5 =	sld [smem:$0x3FB1]  }
0x2b: {  	s6 =	sld [smem:$0x3FB2]  }
0x2c: {  	s7 =	sld [smem:$0x3FB3]  }
0x2d: {  	s3 =	simm.s32 $0x108;
	s8 =	sld [smem:$0x3FB4]  }
0x2e: {  	s3 =	simm.s32 @!p0 $0x1082;
	s9 =	sld [smem:$0x3FB5]  }
0x2f: {  	lr =	sadd.s32 s0, s3;
	s0 =	sld [smem:$0x3FAC]  }
0x30: {  	s3 =	sld [smem:$0x3FAF]  }
0x31: {  	[smem:$0x3FB8] =	sst s10  }
0x32: {  	s10 =	sld [smem:$0x3FB6];
	_ =	sdelay $0x3  }
0x33: {  	p0 =	seq.s32 s10, $0x1;
	s10 =	sld [smem:$0x3FB8];
	_ =	sdelay $0x3  }
0x34: {  	[smem:$0x3FB8] =	sst s10  }
0x35: {  	s10 =	sld [smem:$0x3FB7];
	_ =	sdelay $0x3  }
0x36: {  	p1 =	seq.s32 s10, $0x1;
	s10 =	sld [smem:$0x3FB8];
	_ =	sdelay $0x3  }
0x37: {  	[smem:$0x3FB8] =	sst s10  }
0x38: {  	s10 =	sld [smem:$0x3FB9]  }
0x39: {  	_ = 	snop;
	(pc) =	sbr.ind lr, $3  }
0x3a: {  	_ = 	snop  }
0x3b: {  	_ = 	snop  }
0x3c: {  	p2 =	seq.s32 s10, $0x1;
	s10 =	sld [smem:$0x3FB8]  }
0x3d: {  	_ =	shalt  }
0x3e: {  	_ =	shalt  }
0x3f: {  	_ =	shalt  }
0x40: {  	_ =	shalt  }
0x41: {  	_ =	shalt  }
0x42: {  	_ =	shalt  }
0x43: {  	_ =	shalt  }
0x44: {  	_ =	shalt  }
0x45: {  	_ =	shalt  }
0x46: {  	_ =	shalt  }
0x47: {  	_ =	shalt  }
0x48: {  	_ =	shalt  }
0x49: {  	_ =	shalt  }
0x4a: {  	_ =	shalt  }
0x4b: {  	_ =	shalt  }
0x4c: {  	_ =	shalt  }
0x4d: {  	_ =	shalt  }
0x4e: {  	_ =	shalt  }
0x4f: {  	_ =	shalt  }
0x50: {  	_ =	shalt  }
0x51: {  	_ =	shalt  }
0x52: {  	_ =	shalt  }
0x53: {  	_ =	shalt  }
0x54: {  	_ =	shalt  }
0x55: {  	_ =	shalt  }
0x56: {  	_ =	shalt  }
0x57: {  	_ =	shalt  }
0x58: {  	_ =	shalt  }
0x59: {  	_ =	shalt  }
0x5a: {  	_ =	shalt  }
0x5b: {  	_ =	shalt  }
0x5c: {  	_ =	shalt  }
0x5d: {  	_ =	shalt  }
0x5e: {  	_ =	shalt  }
0x5f: {  	_ =	shalt  }
0x60: {  	_ =	shalt  }
0x61: {  	_ =	shalt  }
0x62: {  	_ =	shalt  }
0x63: {  	_ =	shalt  }
0x64: {  	_ =	shalt  }
0x65: {  	_ =	shalt  }
0x66: {  	_ =	shalt  }
0x67: {  	_ =	shalt  }
0x68: {  	_ =	shalt  }
0x69: {  	_ =	shalt  }
0x6a: {  	_ =	shalt  }
0x6b: {  	_ =	shalt  }
0x6c: {  	_ =	shalt  }
0x6d: {  	_ =	shalt  }
0x6e: {  	_ =	shalt  }
0x6f: {  	_ =	shalt  }
0x70: {  	_ =	shalt  }
0x71: {  	_ =	shalt  }
0x72: {  	_ =	shalt  }
0x73: {  	_ =	shalt  }
0x74: {  	_ =	shalt  }
0x75: {  	_ =	shalt  }
0x76: {  	_ =	shalt  }
0x77: {  	_ =	shalt  }
0x78: {  	_ =	shalt  }
0x79: {  	_ =	shalt  }
0x7a: {  	_ =	shalt  }
0x7b: {  	_ =	shalt  }
0x7c: {  	_ =	shalt  }
0x7d: {  	_ =	shalt  }
0x7e: {  	_ =	shalt  }
0x7f: {  	_ =	shalt  }
0x80: {  	_ =	shalt  }
0x81: {  	_ =	shalt  }
0x82: {  	_ =	shalt  }
0x83: {  	_ =	shalt  }
0x84: {  	_ =	shalt  }
0x85: {  	_ =	shalt  }
0x86: {  	_ =	shalt  }
0x87: {  	_ =	shalt  }
.Lfunc_end0:
.L_simem_size_0:
called_computation_lowered:
.L_overlay_start_0:
0x88: {  	s2 =	sld [smem:$0x3FD9]  }
0x89: {  	s3 =	sld [smem:$0x3FFE];
	_ =	sdelay $0x1  }
0x8a: {  	s1 =	srdreg.scid  }
0x8b: {  	s0 =	sand.u32 $0x1, s1  }
0x8c: {  	s17 =	sshll.u32 s0, $0xA;
	s2 =	sadd.s32 s3, s2  }
0x8d: {  	s2 =	sadd.s32 s2, s17  }
0x8e: {  	[smem:$0x3FC4] =	sst s2  }
0x8f: {  	_ = 	snop  }
0x90: {  	s2 =	sld [smem:$0x3FC8]  }
0x91: {  	s18 =	sld [smem:$0x3FD0];
	(tm) =	ssettm $0x1  }
0x92: {  	s4 =	sld [smem:$0x3FFB];
	_ =	sdelay $0x3  }
0x93: {  	_ =	strace s4  }
0x94: {  	s4 =	sld [smem:$0x3FFC];
	_ =	sdelay $0x3  }
0x95: {  	_ =	strace s4  }
0x96: {  	s4 =	sld [smem:$0x3FFD];
	_ =	sdelay $0x3  }
0x97: {  	_ =	strace s4  }
0x98: {  	_ =	strace $0x8FFFFFFF  }
0x99: {  	s19 =	sld [smem:$0x3FDB];
	_ =	sdelay $0x1  }
0x9a: {  	s5 =	simm.s32 $_scs_section_size  }
0x9b: {  	s6 =	simm.s32 $_size__tile_overlayer_lowered;
	s7 =	simm.s32 $_tile_overlayer_lowered  }
0x9c: {  	s22 =	simm.s32 $0x1BFF;
	s21 =	sshll.u32 s7, $0x1;
	s4 =	sadd.s32 s5, s19  }
0x9d: {  	s8 =	simm.s32 $0x0;
	s20 =	sshll.u32 s6, $0x1;
	s6 =	sadd.s32 s21, s4  }
0x9e: {  	[timem:s8], [sflag:s22] =	dma.local [hbm:s6], s20  }
0x9f: {  	_ =	swait.ge [sflag:s22], s20  }
0xa0: {  	s5 =	ssub.s32 $0x0, s20;
	[sflag:s22] =	ssyncset.done $0x0  }
0xa1: {  	[sflag:s22] =	ssyncadd.s32 s5;
	_ =	sdelay $0x1  }
0xa2: {  	s23 =	simm.s32 $0x1B8B  }
0xa3: {  	_ =	swait.ge [sflag:s23], $0x1  }
0xa4: {  	[sflag:s23] =	ssyncset.done $0x0  }
0xa5: {  	s25 =	simm.s32 $0x1B8E;
	s24 =	sld [smem:$0x3FFE];
	[sflag:s23] =	ssyncadd.s32 $0xFFFFFFFF  }
0xa6: {  	s26 =	simm.s32 $execute0_lowered;
	[smem:$0x3FD2] =	sst s25  }
0xa7: {  	s6 =	sshll.u32 s26, $0x1;
	_ =	strace $0x80000046;
	[dreg:$0x1] =	wrdreg $0xFFFFFFFF  }
0xa8: {  	s28 =	simm.s32 $_size_execute0_lowered;
	s4 =	sadd.s32 s4, s6;
	[dreg:$0x0] =	wrdreg $0x0  }
0xa9: {  	s6 =	sshll.u32 s28, $0x1;
	[dreg:$0x2] =	wrdreg s4  }
0xaa: {  	[dreg:$0x3] =	wrdreg s6  }
0xab: {  	[dreg:$0x4] =	wrdreg $0xC0  }
0xac: {  	_ =	task [dreg:s8], $0x5FFFF  }
0xad: {  	[dreg:$0x1] =	wrdreg $0xFFFFFFFF  }
0xae: {  	[dreg:$0x0] =	wrdreg $0x60  }
0xaf: {  	[dreg:$0x2] =	wrdreg s2  }
0xb0: {  	[dreg:$0x3] =	wrdreg s24  }
0xb1: {  	[dreg:$0x4] =	wrdreg s18  }
0xb2: {  	[dreg:$0x5] =	wrdreg $0x9  }
0xb3: {  	_ =	task.clear_ibuf [dreg:s8], $0x6FFFF;
	_ =	strace $0x90000046  }
0xb4: {  	s29 =	simm.s32 $0x9;
	_ =	strace $0x80000048  }
0xb5: {  	_ =	swait.ge [sflag:s29], $0x1  }
0xb6: {  	[sflag:s29] =	ssyncadd.s32 $0xFFFFFFFF  }
0xb7: {  	_ =	strace $0x90000048  }
0xb8: {  	_ =	sfence  }
0xb9: {  	s30 =	sld [smem:$0x0];
	_ =	sdelay $0x2  }
0xba: {  	s31 =	sshll.u32 s1, $0xD;
	s1 =	sshrl.u32 s1, $0x2  }
0xbb: {  	s3 =	sand.u32 $0x4000, s31;
	s1 =	sadd.s32 s1, s30  }
0xbc: {  	s0 =	sor.u32 s3, s0;
	s1 =	sshll.u32 s1, $0x11  }
0xbd: {  	s0 =	sor.u32 s1, s0  }
0xbe: {  	s0 =	sadd.s32 $0x8F2B, s0  }
0xbf: {  	[sflag:s0] =	ssyncadd.remote.s32 $0x1  }
0xc0: {  	_ =	sfence.sel $0xFFFF  }
0xc1: {  	[dreg:$0x0] =	wrdreg $0xFFFFFFFF;
	(pc) =	sbr.abs _section_cstart, $3  }
0xc2: {  	[dreg:$0x1] =	wrdreg $0xFFFFFFFF  }
0xc3: {  	_ =	task.clear_ibuf [dreg:s8], $0x2FFFF;
	_ =	strace $0x9FFFFFFF  }
0xc4: {  	(tm) =	ssettm $0x7FFFFFFF  }
0xc5: {  	_ =	shalt  }
tec
execute0_lowered:
.L_overlay_start_1:
0x0: {  	(tag) =	ssettag $0x1  }
0x1: {  	v0 =	vlaneseq.u32  }
0x2: {  	v0 =	vmul.u32 $0x4, v0;
	_ =	sdelay $0x1  }
0x3: {  	v1 =	vor.u32 $0x1, v0;
	v5 =	vor.u32 $0x41, v0;
	v6 =	vor.u32 $0x42, v0  }
0x4: {  	v7 =	vor.u32 $0x43, v0;
	v8 =	vor.u32 $0x80, v0;
	v9 =	vor.u32 $0x81, v0  }
0x5: {  	v10 =	vor.u32 $0x82, v0;
	v11 =	vor.u32 $0x83, v0;
	v12 =	vor.u32 $0xC0, v0  }
0x6: {  	v13 =	vor.u32 $0xC1, v0;
	v14 =	vor.u32 $0xC2, v0;
	v15 =	vor.u32 $0xC3, v0  }
0x7: {  	v16 =	vor.u32 $0x100, v0;
	v17 =	vor.u32 $0x101, v0;
	v18 =	vor.u32 $0x102, v0  }
0x8: {  	v19 =	vor.u32 $0x103, v0;
	v20 =	vor.u32 $0x140, v0;
	v21 =	vor.u32 $0x141, v0  }
0x9: {  	v22 =	vor.u32 $0x142, v0;
	v23 =	vor.u32 $0x143, v0;
	v24 =	vor.u32 $0x180, v0  }
0xa: {  	v25 =	vor.u32 $0x181, v0;
	v26 =	vor.u32 $0x182, v0;
	v27 =	vor.u32 $0x183, v0  }
0xb: {  	v28 =	vor.u32 $0x1C0, v0;
	v29 =	vor.u32 $0x1C1, v0;
	v30 =	vor.u32 $0x1C2, v0  }
0xc: {  	s4 =	rddreg [dreg:$0x0];
	v31 =	vor.u32 $0x1C3, v0;
	v32 =	vor.u32 $0x200, v0;
	v33 =	vor.u32 $0x201, v0  }
0xd: {  	s5 =	rddreg [dreg:$0x1];
	v34 =	vor.u32 $0x202, v0;
	v35 =	vor.u32 $0x203, v0;
	v36 =	vor.u32 $0x240, v0  }
0xe: {  	s0 =	srdreg.scid;
	s6 =	rddreg [dreg:$0x2];
	s2 =	simm.s32 $0x0;
	v37 =	vor.u32 $0x241, v0;
	v38 =	vor.u32 $0x242, v0;
	v39 =	vor.u32 $0x243, v0  }
0xf: {  	s11 =	simm.s32 $0x1;
	s12 =	simm.s32 $0x19700;
	s3 =	sand.u32 $0x1, s0;
	v40 =	vor.u32 $0x280, v0;
	v41 =	vor.u32 $0x281, v0;
	v42 =	vor.u32 $0x282, v0  }
0x10: {  	s0 =	stileid.u32;
	[smem:$0x7FF] =	sst s2;
	s1 =	sshll.u32 s3, $0x4;
	v43 =	vor.u32 $0x283, v0;
	v44 =	vor.u32 $0x2C0, v0;
	v45 =	vor.u32 $0x2C1, v0  }
0x11: {  	s9 =	sshll.u32 s0, $0x7;
	s10 =	ssub.s32 $0x2, s3;
	s7 =	sor.u32 s0, s1;
	v46 =	vor.u32 $0x2C2, v0;
	v47 =	vor.u32 $0x2C3, v0;
	v48 =	vor.u32 $0x300, v0  }
0x12: {  	s3 =	sadd.s32 $0x1600, s5;
	s1 =	rddreg [dreg:$0x3];
	v49 =	vor.u32 $0x301, v0;
	v50 =	vor.u32 $0x302, v0;
	v51 =	vor.u32 $0x303, v0;
	s8 =	sshrl.u32 s7, $0x3  }
0x13: {  	s9 =	sand.u32 $0x380, s9;
	s29 =	sshrl.u32 s10, $0x1;
	v52 =	vor.u32 $0x340, v0;
	v53 =	vor.u32 $0x341, v0;
	[tilespmem:$0x1FFC0] =	vst v1;
	v1 =	vor.u32 $0x2, v0;
	s8 =	smul.u32 $0xC3800, s8  }
0x14: {  	v54 =	vor.u32 $0x342, v0;
	v55 =	vor.u32 $0x343, v0;
	s30 =	ssub.s32 s10, s29;
	s7 =	sshll.u32 s7, $0x7;
	s10 =	simm.s32 $0x2;
	[tilespmem:$0x1FFD0] =	vst v1;
	v1 =	vor.u32 $0x3, v0  }
0x15: {  	v56 =	vor.u32 $0x380, v0;
	v57 =	vor.u32 $0x381, v0;
	s5 =	sadd.s32 s6, s7;
	s6 =	smax.u32 s30, $0x1;
	[tilespmem:$0x1FFE0] =	vst v1;
	v1 =	vor.u32 $0x40, v0;
	s8 =	sor.u32 s9, s8  }
0x16: {  	v58 =	vor.u32 $0x382, v0;
	v59 =	vor.u32 $0x383, v0;
	v60 =	vor.u32 $0x3C0, v0;
	s7 =	simm.s32 $0x80;
	[tilespmem:$0x1FFF0] =	vst v1;
	s9 =	simm.s32 $0x18700;
	s31 =	sshrl.u32 s8, $0x3  }
0x17: {  	v61 =	vor.u32 $0x3C1, v0;
	v62 =	vor.u32 $0x3C2, v0;
	v63 =	vor.u32 $0x3C3, v0;
	_ =	strace $0x80000047;
	s8 =	simm.s32 $0x400;
	s4 =	sadd.s32 s4, s31  }
.LBB2_1:
0x18: {  	[tilespmem:s2], [sflag:$0x1] =	stream.strided.gather [hbm4b:s4+s7], $0x18700, s8, s7, $0x38;
	[tilespmem:$0x19B00] =	vst v63  }
0x19: {  	_ = 	snop  }
0x1a: {  	[tilespmem:s9], [sflag:$0x2] =	stream.linear.gather [hbm4b:s3+s2], $0x1000, $0x38;
	[tilespmem:$0x19B00] =	vst v63  }
0x1b: {  	_ =	swait.ge [sflag:s10], $0x1000  }
0x1c: {  	[sflag:s10] =	ssyncset.done $0x0  }
0x1d: {  	[sflag:s10] =	ssyncadd.s32 $0xFFFFF000  }
0x1e: {  	_ =	swait.ge [sflag:s11], $0x18700  }
0x1f: {  	v2 =	vld [tilespmem:$0x1FFC0];
	_ =	sdelay $0x1  }
0x20: {  	v3 =	vld [tilespmem:$0x1FFD0];
	_ =	sdelay $0x1  }
0x21: {  	v4 =	vld [tilespmem:$0x1FFE0]  }
0x22: {  	[sflag:s11] =	ssyncset.done $0x0  }
0x23: {  	[sflag:s11] =	ssyncadd.s32 $0xFFFE7900  }
0x24: {  	v1 =	vld.idx.msk [tilespmem:v0+s9+$0x0], $0xffff  }
0x25: {  	v2 =	vld.idx.msk [tilespmem:v2+s9+$0x0], $0xffff;
	_ =	sdelay $0x1  }
0x26: {  	v3 =	vld.idx.msk [tilespmem:v3+s9+$0x0], $0xffff;
	_ =	sdelay $0x1  }
0x27: {  	v4 =	vld.idx.msk [tilespmem:v4+s9+$0x0], $0xffff;
	_ =	sdelay $0x2  }
0x28: {  	v1 =	vld.idx.msk [tilespmem:v1+s2+$0x0], $0xffff  }
0x29: {  	v2 =	vld.idx.msk [tilespmem:v2+s2+$0x0], $0xffff;
	_ =	sdelay $0x1  }
0x2a: {  	v3 =	vld.idx.msk [tilespmem:v3+s2+$0x0], $0xffff;
	_ =	sdelay $0x1  }
0x2b: {  	v4 =	vld.idx.msk [tilespmem:v4+s2+$0x0], $0xffff  }
0x2c: {  	v1 =	vadd.f32 v2, v1;
	_ =	sdelay $0x1  }
0x2d: {  	v1 =	vadd.f32 v3, v1;
	_ =	sdelay $0x1  }
0x2e: {  	v1 =	vadd.f32 v4, v1;
	_ =	sdelay $0x1  }
0x2f: {  	v1 =	vmul.f32 $2.500000000e-01, v1;
	_ =	sdelay $0x1  }
0x30: {  	[tilespmem:$0x19700] =	vst v1;
	v1 =	vld [tilespmem:$0x1FFF0];
	_ =	sdelay $0x6  }
0x31: {  	v2 =	vld.idx.msk [tilespmem:v5+s9+$0x0], $0xffff  }
0x32: {  	v1 =	vld.idx.msk [tilespmem:v1+s9+$0x0], $0xffff;
	_ =	sdelay $0x1  }
0x33: {  	v3 =	vld.idx.msk [tilespmem:v6+s9+$0x0], $0xffff;
	_ =	sdelay $0x1  }
0x34: {  	v4 =	vld.idx.msk [tilespmem:v7+s9+$0x0], $0xffff;
	_ =	sdelay $0x2  }
0x35: {  	v2 =	vld.idx.msk [tilespmem:v2+s2+$0x0], $0xffff  }
0x36: {  	v1 =	vld.idx.msk [tilespmem:v1+s2+$0x0], $0xffff;
	_ =	sdelay $0x1  }
0x37: {  	v3 =	vld.idx.msk [tilespmem:v3+s2+$0x0], $0xffff;
	_ =	sdelay $0x1  }
0x38: {  	v4 =	vld.idx.msk [tilespmem:v4+s2+$0x0], $0xffff  }
0x39: {  	v1 =	vadd.f32 v2, v1;
	_ =	sdelay $0x1  }
0x3a: {  	v1 =	vadd.f32 v3, v1;
	_ =	sdelay $0x1  }
0x3b: {  	v1 =	vadd.f32 v4, v1;
	_ =	sdelay $0x1  }
0x3c: {  	v1 =	vmul.f32 $2.500000000e-01, v1;
	_ =	sdelay $0x1  }
0x3d: {  	[tilespmem:$0x19710] =	vst v1  }
0x3e: {  	v1 =	vld.idx.msk [tilespmem:v8+s9+$0x0], $0xffff  }
0x3f: {  	v2 =	vld.idx.msk [tilespmem:v9+s9+$0x0], $0xffff;
	_ =	sdelay $0x1  }
0x40: {  	v3 =	vld.idx.msk [tilespmem:v10+s9+$0x0], $0xffff;
	_ =	sdelay $0x1  }
0x41: {  	v4 =	vld.idx.msk [tilespmem:v11+s9+$0x0], $0xffff;
	_ =	sdelay $0x2  }
0x42: {  	v1 =	vld.idx.msk [tilespmem:v1+s2+$0x0], $0xffff  }
0x43: {  	v2 =	vld.idx.msk [tilespmem:v2+s2+$0x0], $0xffff;
	_ =	sdelay $0x1  }
0x44: {  	v3 =	vld.idx.msk [tilespmem:v3+s2+$0x0], $0xffff;
	_ =	sdelay $0x1  }
0x45: {  	v4 =	vld.idx.msk [tilespmem:v4+s2+$0x0], $0xffff  }
0x46: {  	v1 =	vadd.f32 v2, v1;
	_ =	sdelay $0x1  }
0x47: {  	v1 =	vadd.f32 v3, v1;
	_ =	sdelay $0x1  }
0x48: {  	v1 =	vadd.f32 v4, v1;
	_ =	sdelay $0x1  }
0x49: {  	v1 =	vmul.f32 $2.500000000e-01, v1;
	_ =	sdelay $0x1  }
0x4a: {  	[tilespmem:$0x19720] =	vst v1  }
0x4b: {  	v1 =	vld.idx.msk [tilespmem:v12+s9+$0x0], $0xffff  }
0x4c: {  	v2 =	vld.idx.msk [tilespmem:v13+s9+$0x0], $0xffff;
	_ =	sdelay $0x1  }
0x4d: {  	v3 =	vld.idx.msk [tilespmem:v14+s9+$0x0], $0xffff;
	_ =	sdelay $0x1  }
0x4e: {  	v4 =	vld.idx.msk [tilespmem:v15+s9+$0x0], $0xffff;
	_ =	sdelay $0x2  }
0x4f: {  	v1 =	vld.idx.msk [tilespmem:v1+s2+$0x0], $0xffff  }
0x50: {  	v2 =	vld.idx.msk [tilespmem:v2+s2+$0x0], $0xffff;
	_ =	sdelay $0x1  }
0x51: {  	v3 =	vld.idx.msk [tilespmem:v3+s2+$0x0], $0xffff;
	_ =	sdelay $0x1  }
0x52: {  	v4 =	vld.idx.msk [tilespmem:v4+s2+$0x0], $0xffff  }
0x53: {  	v1 =	vadd.f32 v2, v1;
	_ =	sdelay $0x1  }
0x54: {  	v1 =	vadd.f32 v3, v1;
	_ =	sdelay $0x1  }
0x55: {  	v1 =	vadd.f32 v4, v1;
	_ =	sdelay $0x1  }
0x56: {  	v1 =	vmul.f32 $2.500000000e-01, v1;
	_ =	sdelay $0x1  }
0x57: {  	[tilespmem:$0x19730] =	vst v1  }
0x58: {  	v1 =	vld.idx.msk [tilespmem:v16+s9+$0x0], $0xffff  }
0x59: {  	v2 =	vld.idx.msk [tilespmem:v17+s9+$0x0], $0xffff;
	_ =	sdelay $0x1  }
0x5a: {  	v3 =	vld.idx.msk [tilespmem:v18+s9+$0x0], $0xffff;
	_ =	sdelay $0x1  }
0x5b: {  	v4 =	vld.idx.msk [tilespmem:v19+s9+$0x0], $0xffff;
	_ =	sdelay $0x2  }
0x5c: {  	v1 =	vld.idx.msk [tilespmem:v1+s2+$0x0], $0xffff  }
0x5d: {  	v2 =	vld.idx.msk [tilespmem:v2+s2+$0x0], $0xffff;
	_ =	sdelay $0x1  }
0x5e: {  	v3 =	vld.idx.msk [tilespmem:v3+s2+$0x0], $0xffff;
	_ =	sdelay $0x1  }
0x5f: {  	v4 =	vld.idx.msk [tilespmem:v4+s2+$0x0], $0xffff  }
0x60: {  	v1 =	vadd.f32 v2, v1;
	_ =	sdelay $0x1  }
0x61: {  	v1 =	vadd.f32 v3, v1;
	_ =	sdelay $0x1  }
0x62: {  	v1 =	vadd.f32 v4, v1;
	_ =	sdelay $0x1  }
0x63: {  	v1 =	vmul.f32 $2.500000000e-01, v1;
	_ =	sdelay $0x1  }
0x64: {  	[tilespmem:$0x19740] =	vst v1  }
0x65: {  	v1 =	vld.idx.msk [tilespmem:v20+s9+$0x0], $0xffff  }
0x66: {  	v2 =	vld.idx.msk [tilespmem:v21+s9+$0x0], $0xffff;
	_ =	sdelay $0x1  }
0x67: {  	v3 =	vld.idx.msk [tilespmem:v22+s9+$0x0], $0xffff;
	_ =	sdelay $0x1  }
0x68: {  	v4 =	vld.idx.msk [tilespmem:v23+s9+$0x0], $0xffff;
	_ =	sdelay $0x2  }
0x69: {  	v1 =	vld.idx.msk [tilespmem:v1+s2+$0x0], $0xffff  }
0x6a: {  	v2 =	vld.idx.msk [tilespmem:v2+s2+$0x0], $0xffff;
	_ =	sdelay $0x1  }
0x6b: {  	v3 =	vld.idx.msk [tilespmem:v3+s2+$0x0], $0xffff;
	_ =	sdelay $0x1  }
0x6c: {  	v4 =	vld.idx.msk [tilespmem:v4+s2+$0x0], $0xffff  }
0x6d: {  	v1 =	vadd.f32 v2, v1;
	_ =	sdelay $0x1  }
0x6e: {  	v1 =	vadd.f32 v3, v1;
	_ =	sdelay $0x1  }
0x6f: {  	v1 =	vadd.f32 v4, v1;
	_ =	sdelay $0x1  }
0x70: {  	v1 =	vmul.f32 $2.500000000e-01, v1;
	_ =	sdelay $0x1  }
0x71: {  	[tilespmem:$0x19750] =	vst v1  }
0x72: {  	v1 =	vld.idx.msk [tilespmem:v24+s9+$0x0], $0xffff  }
0x73: {  	v2 =	vld.idx.msk [tilespmem:v25+s9+$0x0], $0xffff;
	_ =	sdelay $0x1  }
0x74: {  	v3 =	vld.idx.msk [tilespmem:v26+s9+$0x0], $0xffff;
	_ =	sdelay $0x1  }
0x75: {  	v4 =	vld.idx.msk [tilespmem:v27+s9+$0x0], $0xffff;
	_ =	sdelay $0x2  }
0x76: {  	v1 =	vld.idx.msk [tilespmem:v1+s2+$0x0], $0xffff  }
0x77: {  	v2 =	vld.idx.msk [tilespmem:v2+s2+$0x0], $0xffff;
	_ =	sdelay $0x1  }
0x78: {  	v3 =	vld.idx.msk [tilespmem:v3+s2+$0x0], $0xffff;
	_ =	sdelay $0x1  }
0x79: {  	v4 =	vld.idx.msk [tilespmem:v4+s2+$0x0], $0xffff  }
0x7a: {  	v1 =	vadd.f32 v2, v1;
	_ =	sdelay $0x1  }
0x7b: {  	v1 =	vadd.f32 v3, v1;
	_ =	sdelay $0x1  }
0x7c: {  	v1 =	vadd.f32 v4, v1;
	_ =	sdelay $0x1  }
0x7d: {  	v1 =	vmul.f32 $2.500000000e-01, v1;
	_ =	sdelay $0x1  }
0x7e: {  	[tilespmem:$0x19760] =	vst v1  }
0x7f: {  	v1 =	vld.idx.msk [tilespmem:v28+s9+$0x0], $0xffff  }
0x80: {  	v2 =	vld.idx.msk [tilespmem:v29+s9+$0x0], $0xffff;
	_ =	sdelay $0x1  }
0x81: {  	v3 =	vld.idx.msk [tilespmem:v30+s9+$0x0], $0xffff;
	_ =	sdelay $0x1  }
0x82: {  	v4 =	vld.idx.msk [tilespmem:v31+s9+$0x0], $0xffff;
	_ =	sdelay $0x2  }
0x83: {  	v1 =	vld.idx.msk [tilespmem:v1+s2+$0x0], $0xffff  }
0x84: {  	v2 =	vld.idx.msk [tilespmem:v2+s2+$0x0], $0xffff;
	_ =	sdelay $0x1  }
0x85: {  	v3 =	vld.idx.msk [tilespmem:v3+s2+$0x0], $0xffff;
	_ =	sdelay $0x1  }
0x86: {  	v4 =	vld.idx.msk [tilespmem:v4+s2+$0x0], $0xffff  }
0x87: {  	v1 =	vadd.f32 v2, v1;
	_ =	sdelay $0x1  }
0x88: {  	v1 =	vadd.f32 v3, v1;
	_ =	sdelay $0x1  }
0x89: {  	v1 =	vadd.f32 v4, v1;
	_ =	sdelay $0x1  }
0x8a: {  	v1 =	vmul.f32 $2.500000000e-01, v1;
	_ =	sdelay $0x1  }
0x8b: {  	[tilespmem:$0x19770] =	vst v1  }
0x8c: {  	v1 =	vld.idx.msk [tilespmem:v32+s9+$0x0], $0xffff  }
0x8d: {  	v2 =	vld.idx.msk [tilespmem:v33+s9+$0x0], $0xffff;
	_ =	sdelay $0x1  }
0x8e: {  	v3 =	vld.idx.msk [tilespmem:v34+s9+$0x0], $0xffff;
	_ =	sdelay $0x1  }
0x8f: {  	v4 =	vld.idx.msk [tilespmem:v35+s9+$0x0], $0xffff;
	_ =	sdelay $0x2  }
0x90: {  	v1 =	vld.idx.msk [tilespmem:v1+s2+$0x0], $0xffff  }
0x91: {  	v2 =	vld.idx.msk [tilespmem:v2+s2+$0x0], $0xffff;
	_ =	sdelay $0x1  }
0x92: {  	v3 =	vld.idx.msk [tilespmem:v3+s2+$0x0], $0xffff;
	_ =	sdelay $0x1  }
0x93: {  	v4 =	vld.idx.msk [tilespmem:v4+s2+$0x0], $0xffff  }
0x94: {  	v1 =	vadd.f32 v2, v1;
	_ =	sdelay $0x1  }
0x95: {  	v1 =	vadd.f32 v3, v1;
	_ =	sdelay $0x1  }
0x96: {  	v1 =	vadd.f32 v4, v1;
	_ =	sdelay $0x1  }
0x97: {  	v1 =	vmul.f32 $2.500000000e-01, v1;
	_ =	sdelay $0x1  }
0x98: {  	[tilespmem:$0x19780] =	vst v1  }
0x99: {  	v1 =	vld.idx.msk [tilespmem:v36+s9+$0x0], $0xffff  }
0x9a: {  	v2 =	vld.idx.msk [tilespmem:v37+s9+$0x0], $0xffff;
	_ =	sdelay $0x1  }
0x9b: {  	v3 =	vld.idx.msk [tilespmem:v38+s9+$0x0], $0xffff;
	_ =	sdelay $0x1  }
0x9c: {  	v4 =	vld.idx.msk [tilespmem:v39+s9+$0x0], $0xffff;
	_ =	sdelay $0x2  }
0x9d: {  	v1 =	vld.idx.msk [tilespmem:v1+s2+$0x0], $0xffff  }
0x9e: {  	v2 =	vld.idx.msk [tilespmem:v2+s2+$0x0], $0xffff;
	_ =	sdelay $0x1  }
0x9f: {  	v3 =	vld.idx.msk [tilespmem:v3+s2+$0x0], $0xffff;
	_ =	sdelay $0x1  }
0xa0: {  	v4 =	vld.idx.msk [tilespmem:v4+s2+$0x0], $0xffff  }
0xa1: {  	v1 =	vadd.f32 v2, v1;
	_ =	sdelay $0x1  }
0xa2: {  	v1 =	vadd.f32 v3, v1;
	_ =	sdelay $0x1  }
0xa3: {  	v1 =	vadd.f32 v4, v1;
	_ =	sdelay $0x1  }
0xa4: {  	v1 =	vmul.f32 $2.500000000e-01, v1;
	_ =	sdelay $0x1  }
0xa5: {  	[tilespmem:$0x19790] =	vst v1  }
0xa6: {  	v1 =	vld.idx.msk [tilespmem:v40+s9+$0x0], $0xffff  }
0xa7: {  	v2 =	vld.idx.msk [tilespmem:v41+s9+$0x0], $0xffff;
	_ =	sdelay $0x1  }
0xa8: {  	v3 =	vld.idx.msk [tilespmem:v42+s9+$0x0], $0xffff;
	_ =	sdelay $0x1  }
0xa9: {  	v4 =	vld.idx.msk [tilespmem:v43+s9+$0x0], $0xffff;
	_ =	sdelay $0x2  }
0xaa: {  	v1 =	vld.idx.msk [tilespmem:v1+s2+$0x0], $0xffff  }
0xab: {  	v2 =	vld.idx.msk [tilespmem:v2+s2+$0x0], $0xffff;
	_ =	sdelay $0x1  }
0xac: {  	v3 =	vld.idx.msk [tilespmem:v3+s2+$0x0], $0xffff;
	_ =	sdelay $0x1  }
0xad: {  	v4 =	vld.idx.msk [tilespmem:v4+s2+$0x0], $0xffff  }
0xae: {  	v1 =	vadd.f32 v2, v1;
	_ =	sdelay $0x1  }
0xaf: {  	v1 =	vadd.f32 v3, v1;
	_ =	sdelay $0x1  }
0xb0: {  	v1 =	vadd.f32 v4, v1;
	_ =	sdelay $0x1  }
0xb1: {  	v1 =	vmul.f32 $2.500000000e-01, v1;
	_ =	sdelay $0x1  }
0xb2: {  	[tilespmem:$0x197A0] =	vst v1  }
0xb3: {  	v1 =	vld.idx.msk [tilespmem:v44+s9+$0x0], $0xffff  }
0xb4: {  	v2 =	vld.idx.msk [tilespmem:v45+s9+$0x0], $0xffff;
	_ =	sdelay $0x1  }
0xb5: {  	v3 =	vld.idx.msk [tilespmem:v46+s9+$0x0], $0xffff;
	_ =	sdelay $0x1  }
0xb6: {  	v4 =	vld.idx.msk [tilespmem:v47+s9+$0x0], $0xffff;
	_ =	sdelay $0x2  }
0xb7: {  	v1 =	vld.idx.msk [tilespmem:v1+s2+$0x0], $0xffff  }
0xb8: {  	v2 =	vld.idx.msk [tilespmem:v2+s2+$0x0], $0xffff;
	_ =	sdelay $0x1  }
0xb9: {  	v3 =	vld.idx.msk [tilespmem:v3+s2+$0x0], $0xffff;
	_ =	sdelay $0x1  }
0xba: {  	v4 =	vld.idx.msk [tilespmem:v4+s2+$0x0], $0xffff  }
0xbb: {  	v1 =	vadd.f32 v2, v1;
	_ =	sdelay $0x1  }
0xbc: {  	v1 =	vadd.f32 v3, v1;
	_ =	sdelay $0x1  }
0xbd: {  	v1 =	vadd.f32 v4, v1;
	_ =	sdelay $0x1  }
0xbe: {  	v1 =	vmul.f32 $2.500000000e-01, v1;
	_ =	sdelay $0x1  }
0xbf: {  	[tilespmem:$0x197B0] =	vst v1  }
0xc0: {  	v1 =	vld.idx.msk [tilespmem:v48+s9+$0x0], $0xffff  }
0xc1: {  	v2 =	vld.idx.msk [tilespmem:v49+s9+$0x0], $0xffff;
	_ =	sdelay $0x1  }
0xc2: {  	v3 =	vld.idx.msk [tilespmem:v50+s9+$0x0], $0xffff;
	_ =	sdelay $0x1  }
0xc3: {  	v4 =	vld.idx.msk [tilespmem:v51+s9+$0x0], $0xffff;
	_ =	sdelay $0x2  }
0xc4: {  	v1 =	vld.idx.msk [tilespmem:v1+s2+$0x0], $0xffff  }
0xc5: {  	v2 =	vld.idx.msk [tilespmem:v2+s2+$0x0], $0xffff;
	_ =	sdelay $0x1  }
0xc6: {  	v3 =	vld.idx.msk [tilespmem:v3+s2+$0x0], $0xffff;
	_ =	sdelay $0x1  }
0xc7: {  	v4 =	vld.idx.msk [tilespmem:v4+s2+$0x0], $0xffff  }
0xc8: {  	v1 =	vadd.f32 v2, v1;
	_ =	sdelay $0x1  }
0xc9: {  	v1 =	vadd.f32 v3, v1;
	_ =	sdelay $0x1  }
0xca: {  	v1 =	vadd.f32 v4, v1;
	_ =	sdelay $0x1  }
0xcb: {  	v1 =	vmul.f32 $2.500000000e-01, v1;
	_ =	sdelay $0x1  }
0xcc: {  	[tilespmem:$0x197C0] =	vst v1  }
0xcd: {  	v1 =	vld.idx.msk [tilespmem:v52+s9+$0x0], $0xffff  }
0xce: {  	v2 =	vld.idx.msk [tilespmem:v53+s9+$0x0], $0xffff;
	_ =	sdelay $0x1  }
0xcf: {  	v3 =	vld.idx.msk [tilespmem:v54+s9+$0x0], $0xffff;
	_ =	sdelay $0x1  }
0xd0: {  	v4 =	vld.idx.msk [tilespmem:v55+s9+$0x0], $0xffff;
	_ =	sdelay $0x2  }
0xd1: {  	v1 =	vld.idx.msk [tilespmem:v1+s2+$0x0], $0xffff  }
0xd2: {  	v2 =	vld.idx.msk [tilespmem:v2+s2+$0x0], $0xffff;
	_ =	sdelay $0x1  }
0xd3: {  	v3 =	vld.idx.msk [tilespmem:v3+s2+$0x0], $0xffff;
	_ =	sdelay $0x1  }
0xd4: {  	v4 =	vld.idx.msk [tilespmem:v4+s2+$0x0], $0xffff  }
0xd5: {  	v1 =	vadd.f32 v2, v1;
	_ =	sdelay $0x1  }
0xd6: {  	v1 =	vadd.f32 v3, v1;
	_ =	sdelay $0x1  }
0xd7: {  	v1 =	vadd.f32 v4, v1;
	_ =	sdelay $0x1  }
0xd8: {  	v1 =	vmul.f32 $2.500000000e-01, v1;
	_ =	sdelay $0x1  }
0xd9: {  	[tilespmem:$0x197D0] =	vst v1  }
0xda: {  	v1 =	vld.idx.msk [tilespmem:v56+s9+$0x0], $0xffff  }
0xdb: {  	v2 =	vld.idx.msk [tilespmem:v57+s9+$0x0], $0xffff;
	_ =	sdelay $0x1  }
0xdc: {  	v3 =	vld.idx.msk [tilespmem:v58+s9+$0x0], $0xffff;
	_ =	sdelay $0x1  }
0xdd: {  	v4 =	vld.idx.msk [tilespmem:v59+s9+$0x0], $0xffff;
	_ =	sdelay $0x2  }
0xde: {  	v1 =	vld.idx.msk [tilespmem:v1+s2+$0x0], $0xffff  }
0xdf: {  	v2 =	vld.idx.msk [tilespmem:v2+s2+$0x0], $0xffff;
	_ =	sdelay $0x1  }
0xe0: {  	v3 =	vld.idx.msk [tilespmem:v3+s2+$0x0], $0xffff;
	_ =	sdelay $0x1  }
0xe1: {  	v4 =	vld.idx.msk [tilespmem:v4+s2+$0x0], $0xffff  }
0xe2: {  	v1 =	vadd.f32 v2, v1;
	_ =	sdelay $0x1  }
0xe3: {  	v1 =	vadd.f32 v3, v1;
	_ =	sdelay $0x1  }
0xe4: {  	v1 =	vadd.f32 v4, v1;
	_ =	sdelay $0x1  }
0xe5: {  	v1 =	vmul.f32 $2.500000000e-01, v1;
	_ =	sdelay $0x1  }
0xe6: {  	[tilespmem:$0x197E0] =	vst v1  }
0xe7: {  	v1 =	vld.idx.msk [tilespmem:v60+s9+$0x0], $0xffff  }
0xe8: {  	v2 =	vld.idx.msk [tilespmem:v61+s9+$0x0], $0xffff;
	_ =	sdelay $0x1  }
0xe9: {  	v3 =	vld.idx.msk [tilespmem:v62+s9+$0x0], $0xffff;
	_ =	sdelay $0x1  }
0xea: {  	v4 =	vld.idx.msk [tilespmem:v63+s9+$0x0], $0xffff;
	_ =	sdelay $0x2  }
0xeb: {  	v1 =	vld.idx.msk [tilespmem:v1+s2+$0x0], $0xffff  }
0xec: {  	v2 =	vld.idx.msk [tilespmem:v2+s2+$0x0], $0xffff;
	_ =	sdelay $0x1  }
0xed: {  	v3 =	vld.idx.msk [tilespmem:v3+s2+$0x0], $0xffff;
	_ =	sdelay $0x1  }
0xee: {  	v4 =	vld.idx.msk [tilespmem:v4+s2+$0x0], $0xffff  }
0xef: {  	v1 =	vadd.f32 v2, v1;
	_ =	sdelay $0x1  }
0xf0: {  	v1 =	vadd.f32 v3, v1;
	_ =	sdelay $0x1  }
0xf1: {  	v2 =	vor.u32 $0x400, v0;
	v1 =	vadd.f32 v4, v1  }
0xf2: {  	v3 =	vor.u32 $0x401, v0  }
0xf3: {  	v1 =	vmul.f32 $2.500000000e-01, v1  }
0xf4: {  	v4 =	vor.u32 $0x402, v0  }
0xf5: {  	[tilespmem:$0x197F0] =	vst v1  }
0xf6: {  	v1 =	vld.idx.msk [tilespmem:v2+s9+$0x0], $0xffff;
	v2 =	vor.u32 $0x403, v0  }
0xf7: {  	v3 =	vld.idx.msk [tilespmem:v3+s9+$0x0], $0xffff;
	_ =	sdelay $0x1  }
0xf8: {  	v4 =	vld.idx.msk [tilespmem:v4+s9+$0x0], $0xffff;
	_ =	sdelay $0x1  }
0xf9: {  	v2 =	vld.idx.msk [tilespmem:v2+s9+$0x0], $0xffff;
	_ =	sdelay $0x2  }
0xfa: {  	v1 =	vld.idx.msk [tilespmem:v1+s2+$0x0], $0xffff  }
0xfb: {  	v3 =	vld.idx.msk [tilespmem:v3+s2+$0x0], $0xffff;
	_ =	sdelay $0x1  }
0xfc: {  	v4 =	vld.idx.msk [tilespmem:v4+s2+$0x0], $0xffff;
	_ =	sdelay $0x1  }
0xfd: {  	v2 =	vld.idx.msk [tilespmem:v2+s2+$0x0], $0xffff  }
0xfe: {  	v1 =	vadd.f32 v3, v1;
	_ =	sdelay $0x1  }
0xff: {  	v1 =	vadd.f32 v4, v1;
	_ =	sdelay $0x1  }
0x100: {  	v1 =	vadd.f32 v2, v1;
	v2 =	vor.u32 $0x440, v0  }
0x101: {  	v3 =	vor.u32 $0x441, v0  }
0x102: {  	v1 =	vmul.f32 $2.500000000e-01, v1  }
0x103: {  	v4 =	vor.u32 $0x442, v0  }
0x104: {  	[tilespmem:$0x19800] =	vst v1  }
0x105: {  	v1 =	vld.idx.msk [tilespmem:v2+s9+$0x0], $0xffff;
	v2 =	vor.u32 $0x443, v0  }
0x106: {  	v3 =	vld.idx.msk [tilespmem:v3+s9+$0x0], $0xffff;
	_ =	sdelay $0x1  }
0x107: {  	v4 =	vld.idx.msk [tilespmem:v4+s9+$0x0], $0xffff;
	_ =	sdelay $0x1  }
0x108: {  	v2 =	vld.idx.msk [tilespmem:v2+s9+$0x0], $0xffff;
	_ =	sdelay $0x2  }
0x109: {  	v1 =	vld.idx.msk [tilespmem:v1+s2+$0x0], $0xffff  }
0x10a: {  	v3 =	vld.idx.msk [tilespmem:v3+s2+$0x0], $0xffff;
	_ =	sdelay $0x1  }
0x10b: {  	v4 =	vld.idx.msk [tilespmem:v4+s2+$0x0], $0xffff;
	_ =	sdelay $0x1  }
0x10c: {  	v2 =	vld.idx.msk [tilespmem:v2+s2+$0x0], $0xffff  }
0x10d: {  	v1 =	vadd.f32 v3, v1;
	_ =	sdelay $0x1  }
0x10e: {  	v1 =	vadd.f32 v4, v1;
	_ =	sdelay $0x1  }
0x10f: {  	v1 =	vadd.f32 v2, v1;
	v2 =	vor.u32 $0x480, v0  }
0x110: {  	v3 =	vor.u32 $0x481, v0  }
0x111: {  	v1 =	vmul.f32 $2.500000000e-01, v1  }
0x112: {  	v4 =	vor.u32 $0x482, v0  }
0x113: {  	[tilespmem:$0x19810] =	vst v1  }
0x114: {  	v1 =	vld.idx.msk [tilespmem:v2+s9+$0x0], $0xffff;
	v2 =	vor.u32 $0x483, v0  }
0x115: {  	v3 =	vld.idx.msk [tilespmem:v3+s9+$0x0], $0xffff;
	_ =	sdelay $0x1  }
0x116: {  	v4 =	vld.idx.msk [tilespmem:v4+s9+$0x0], $0xffff;
	_ =	sdelay $0x1  }
0x117: {  	v2 =	vld.idx.msk [tilespmem:v2+s9+$0x0], $0xffff;
	_ =	sdelay $0x2  }
0x118: {  	v1 =	vld.idx.msk [tilespmem:v1+s2+$0x0], $0xffff  }
0x119: {  	v3 =	vld.idx.msk [tilespmem:v3+s2+$0x0], $0xffff;
	_ =	sdelay $0x1  }
0x11a: {  	v4 =	vld.idx.msk [tilespmem:v4+s2+$0x0], $0xffff;
	_ =	sdelay $0x1  }
0x11b: {  	v2 =	vld.idx.msk [tilespmem:v2+s2+$0x0], $0xffff  }
0x11c: {  	v1 =	vadd.f32 v3, v1;
	_ =	sdelay $0x1  }
0x11d: {  	v1 =	vadd.f32 v4, v1;
	_ =	sdelay $0x1  }
0x11e: {  	v1 =	vadd.f32 v2, v1;
	v2 =	vor.u32 $0x4C0, v0  }
0x11f: {  	v3 =	vor.u32 $0x4C1, v0  }
0x120: {  	v1 =	vmul.f32 $2.500000000e-01, v1  }
0x121: {  	v4 =	vor.u32 $0x4C2, v0  }
0x122: {  	[tilespmem:$0x19820] =	vst v1  }
0x123: {  	v1 =	vld.idx.msk [tilespmem:v2+s9+$0x0], $0xffff;
	v2 =	vor.u32 $0x4C3, v0  }
0x124: {  	v3 =	vld.idx.msk [tilespmem:v3+s9+$0x0], $0xffff;
	_ =	sdelay $0x1  }
0x125: {  	v4 =	vld.idx.msk [tilespmem:v4+s9+$0x0], $0xffff;
	_ =	sdelay $0x1  }
0x126: {  	v2 =	vld.idx.msk [tilespmem:v2+s9+$0x0], $0xffff;
	_ =	sdelay $0x2  }
0x127: {  	v1 =	vld.idx.msk [tilespmem:v1+s2+$0x0], $0xffff  }
0x128: {  	v3 =	vld.idx.msk [tilespmem:v3+s2+$0x0], $0xffff;
	_ =	sdelay $0x1  }
0x129: {  	v4 =	vld.idx.msk [tilespmem:v4+s2+$0x0], $0xffff;
	_ =	sdelay $0x1  }
0x12a: {  	v2 =	vld.idx.msk [tilespmem:v2+s2+$0x0], $0xffff  }
0x12b: {  	v1 =	vadd.f32 v3, v1;
	_ =	sdelay $0x1  }
0x12c: {  	v1 =	vadd.f32 v4, v1;
	_ =	sdelay $0x1  }
0x12d: {  	v1 =	vadd.f32 v2, v1;
	v2 =	vor.u32 $0x500, v0  }
0x12e: {  	v3 =	vor.u32 $0x501, v0  }
0x12f: {  	v1 =	vmul.f32 $2.500000000e-01, v1  }
0x130: {  	v4 =	vor.u32 $0x502, v0  }
0x131: {  	[tilespmem:$0x19830] =	vst v1  }
0x132: {  	v1 =	vld.idx.msk [tilespmem:v2+s9+$0x0], $0xffff;
	v2 =	vor.u32 $0x503, v0  }
0x133: {  	v3 =	vld.idx.msk [tilespmem:v3+s9+$0x0], $0xffff;
	_ =	sdelay $0x1  }
0x134: {  	v4 =	vld.idx.msk [tilespmem:v4+s9+$0x0], $0xffff;
	_ =	sdelay $0x1  }
0x135: {  	v2 =	vld.idx.msk [tilespmem:v2+s9+$0x0], $0xffff;
	_ =	sdelay $0x2  }
0x136: {  	v1 =	vld.idx.msk [tilespmem:v1+s2+$0x0], $0xffff  }
0x137: {  	v3 =	vld.idx.msk [tilespmem:v3+s2+$0x0], $0xffff;
	_ =	sdelay $0x1  }
0x138: {  	v4 =	vld.idx.msk [tilespmem:v4+s2+$0x0], $0xffff;
	_ =	sdelay $0x1  }
0x139: {  	v2 =	vld.idx.msk [tilespmem:v2+s2+$0x0], $0xffff  }
0x13a: {  	v1 =	vadd.f32 v3, v1;
	_ =	sdelay $0x1  }
0x13b: {  	v1 =	vadd.f32 v4, v1;
	_ =	sdelay $0x1  }
0x13c: {  	v1 =	vadd.f32 v2, v1;
	v2 =	vor.u32 $0x540, v0  }
0x13d: {  	v3 =	vor.u32 $0x541, v0  }
0x13e: {  	v1 =	vmul.f32 $2.500000000e-01, v1  }
0x13f: {  	v4 =	vor.u32 $0x542, v0  }
0x140: {  	[tilespmem:$0x19840] =	vst v1  }
0x141: {  	v1 =	vld.idx.msk [tilespmem:v2+s9+$0x0], $0xffff;
	v2 =	vor.u32 $0x543, v0  }
0x142: {  	v3 =	vld.idx.msk [tilespmem:v3+s9+$0x0], $0xffff;
	_ =	sdelay $0x1  }
0x143: {  	v4 =	vld.idx.msk [tilespmem:v4+s9+$0x0], $0xffff;
	_ =	sdelay $0x1  }
0x144: {  	v2 =	vld.idx.msk [tilespmem:v2+s9+$0x0], $0xffff;
	_ =	sdelay $0x2  }
0x145: {  	v1 =	vld.idx.msk [tilespmem:v1+s2+$0x0], $0xffff  }
0x146: {  	v3 =	vld.idx.msk [tilespmem:v3+s2+$0x0], $0xffff;
	_ =	sdelay $0x1  }
0x147: {  	v4 =	vld.idx.msk [tilespmem:v4+s2+$0x0], $0xffff;
	_ =	sdelay $0x1  }
0x148: {  	v2 =	vld.idx.msk [tilespmem:v2+s2+$0x0], $0xffff  }
0x149: {  	v1 =	vadd.f32 v3, v1;
	_ =	sdelay $0x1  }
0x14a: {  	v1 =	vadd.f32 v4, v1;
	_ =	sdelay $0x1  }
0x14b: {  	v1 =	vadd.f32 v2, v1;
	v2 =	vor.u32 $0x580, v0  }
0x14c: {  	v3 =	vor.u32 $0x581, v0  }
0x14d: {  	v1 =	vmul.f32 $2.500000000e-01, v1  }
0x14e: {  	v4 =	vor.u32 $0x582, v0  }
0x14f: {  	[tilespmem:$0x19850] =	vst v1  }
0x150: {  	v1 =	vld.idx.msk [tilespmem:v2+s9+$0x0], $0xffff;
	v2 =	vor.u32 $0x583, v0  }
0x151: {  	v3 =	vld.idx.msk [tilespmem:v3+s9+$0x0], $0xffff;
	_ =	sdelay $0x1  }
0x152: {  	v4 =	vld.idx.msk [tilespmem:v4+s9+$0x0], $0xffff;
	_ =	sdelay $0x1  }
0x153: {  	v2 =	vld.idx.msk [tilespmem:v2+s9+$0x0], $0xffff;
	_ =	sdelay $0x2  }
0x154: {  	v1 =	vld.idx.msk [tilespmem:v1+s2+$0x0], $0xffff  }
0x155: {  	v3 =	vld.idx.msk [tilespmem:v3+s2+$0x0], $0xffff;
	_ =	sdelay $0x1  }
0x156: {  	v4 =	vld.idx.msk [tilespmem:v4+s2+$0x0], $0xffff;
	_ =	sdelay $0x1  }
0x157: {  	v2 =	vld.idx.msk [tilespmem:v2+s2+$0x0], $0xffff  }
0x158: {  	v1 =	vadd.f32 v3, v1;
	_ =	sdelay $0x1  }
0x159: {  	v1 =	vadd.f32 v4, v1;
	_ =	sdelay $0x1  }
0x15a: {  	v1 =	vadd.f32 v2, v1;
	v2 =	vor.u32 $0x5C0, v0  }
0x15b: {  	v3 =	vor.u32 $0x5C1, v0  }
0x15c: {  	v1 =	vmul.f32 $2.500000000e-01, v1  }
0x15d: {  	v4 =	vor.u32 $0x5C2, v0  }
0x15e: {  	[tilespmem:$0x19860] =	vst v1  }
0x15f: {  	v1 =	vld.idx.msk [tilespmem:v2+s9+$0x0], $0xffff;
	v2 =	vor.u32 $0x5C3, v0  }
0x160: {  	v3 =	vld.idx.msk [tilespmem:v3+s9+$0x0], $0xffff;
	_ =	sdelay $0x1  }
0x161: {  	v4 =	vld.idx.msk [tilespmem:v4+s9+$0x0], $0xffff;
	_ =	sdelay $0x1  }
0x162: {  	v2 =	vld.idx.msk [tilespmem:v2+s9+$0x0], $0xffff;
	_ =	sdelay $0x2  }
0x163: {  	v1 =	vld.idx.msk [tilespmem:v1+s2+$0x0], $0xffff  }
0x164: {  	v3 =	vld.idx.msk [tilespmem:v3+s2+$0x0], $0xffff;
	_ =	sdelay $0x1  }
0x165: {  	v4 =	vld.idx.msk [tilespmem:v4+s2+$0x0], $0xffff;
	_ =	sdelay $0x1  }
0x166: {  	v2 =	vld.idx.msk [tilespmem:v2+s2+$0x0], $0xffff  }
0x167: {  	v1 =	vadd.f32 v3, v1;
	_ =	sdelay $0x1  }
0x168: {  	v1 =	vadd.f32 v4, v1;
	_ =	sdelay $0x1  }
0x169: {  	v1 =	vadd.f32 v2, v1;
	v2 =	vor.u32 $0x600, v0  }
0x16a: {  	v3 =	vor.u32 $0x601, v0  }
0x16b: {  	v1 =	vmul.f32 $2.500000000e-01, v1  }
0x16c: {  	v4 =	vor.u32 $0x602, v0  }
0x16d: {  	[tilespmem:$0x19870] =	vst v1  }
0x16e: {  	v1 =	vld.idx.msk [tilespmem:v2+s9+$0x0], $0xffff;
	v2 =	vor.u32 $0x603, v0  }
0x16f: {  	v3 =	vld.idx.msk [tilespmem:v3+s9+$0x0], $0xffff;
	_ =	sdelay $0x1  }
0x170: {  	v4 =	vld.idx.msk [tilespmem:v4+s9+$0x0], $0xffff;
	_ =	sdelay $0x1  }
0x171: {  	v2 =	vld.idx.msk [tilespmem:v2+s9+$0x0], $0xffff;
	_ =	sdelay $0x2  }
0x172: {  	v1 =	vld.idx.msk [tilespmem:v1+s2+$0x0], $0xffff  }
0x173: {  	v3 =	vld.idx.msk [tilespmem:v3+s2+$0x0], $0xffff;
	_ =	sdelay $0x1  }
0x174: {  	v4 =	vld.idx.msk [tilespmem:v4+s2+$0x0], $0xffff;
	_ =	sdelay $0x1  }
0x175: {  	v2 =	vld.idx.msk [tilespmem:v2+s2+$0x0], $0xffff  }
0x176: {  	v1 =	vadd.f32 v3, v1;
	_ =	sdelay $0x1  }
0x177: {  	v1 =	vadd.f32 v4, v1;
	_ =	sdelay $0x1  }
0x178: {  	v1 =	vadd.f32 v2, v1;
	v2 =	vor.u32 $0x640, v0  }
0x179: {  	v3 =	vor.u32 $0x641, v0  }
0x17a: {  	v1 =	vmul.f32 $2.500000000e-01, v1  }
0x17b: {  	v4 =	vor.u32 $0x642, v0  }
0x17c: {  	[tilespmem:$0x19880] =	vst v1  }
0x17d: {  	v1 =	vld.idx.msk [tilespmem:v2+s9+$0x0], $0xffff;
	v2 =	vor.u32 $0x643, v0  }
0x17e: {  	v3 =	vld.idx.msk [tilespmem:v3+s9+$0x0], $0xffff;
	_ =	sdelay $0x1  }
0x17f: {  	v4 =	vld.idx.msk [tilespmem:v4+s9+$0x0], $0xffff;
	_ =	sdelay $0x1  }
0x180: {  	v2 =	vld.idx.msk [tilespmem:v2+s9+$0x0], $0xffff;
	_ =	sdelay $0x2  }
0x181: {  	v1 =	vld.idx.msk [tilespmem:v1+s2+$0x0], $0xffff  }
0x182: {  	v3 =	vld.idx.msk [tilespmem:v3+s2+$0x0], $0xffff;
	_ =	sdelay $0x1  }
0x183: {  	v4 =	vld.idx.msk [tilespmem:v4+s2+$0x0], $0xffff;
	_ =	sdelay $0x1  }
0x184: {  	v2 =	vld.idx.msk [tilespmem:v2+s2+$0x0], $0xffff  }
0x185: {  	v1 =	vadd.f32 v3, v1;
	_ =	sdelay $0x1  }
0x186: {  	v1 =	vadd.f32 v4, v1;
	_ =	sdelay $0x1  }
0x187: {  	v1 =	vadd.f32 v2, v1;
	v2 =	vor.u32 $0x680, v0  }
0x188: {  	v3 =	vor.u32 $0x681, v0  }
0x189: {  	v1 =	vmul.f32 $2.500000000e-01, v1  }
0x18a: {  	v4 =	vor.u32 $0x682, v0  }
0x18b: {  	[tilespmem:$0x19890] =	vst v1  }
0x18c: {  	v1 =	vld.idx.msk [tilespmem:v2+s9+$0x0], $0xffff;
	v2 =	vor.u32 $0x683, v0  }
0x18d: {  	v3 =	vld.idx.msk [tilespmem:v3+s9+$0x0], $0xffff;
	_ =	sdelay $0x1  }
0x18e: {  	v4 =	vld.idx.msk [tilespmem:v4+s9+$0x0], $0xffff;
	_ =	sdelay $0x1  }
0x18f: {  	v2 =	vld.idx.msk [tilespmem:v2+s9+$0x0], $0xffff;
	_ =	sdelay $0x2  }
0x190: {  	v1 =	vld.idx.msk [tilespmem:v1+s2+$0x0], $0xffff  }
0x191: {  	v3 =	vld.idx.msk [tilespmem:v3+s2+$0x0], $0xffff;
	_ =	sdelay $0x1  }
0x192: {  	v4 =	vld.idx.msk [tilespmem:v4+s2+$0x0], $0xffff;
	_ =	sdelay $0x1  }
0x193: {  	v2 =	vld.idx.msk [tilespmem:v2+s2+$0x0], $0xffff  }
0x194: {  	v1 =	vadd.f32 v3, v1;
	_ =	sdelay $0x1  }
0x195: {  	v1 =	vadd.f32 v4, v1;
	_ =	sdelay $0x1  }
0x196: {  	v1 =	vadd.f32 v2, v1;
	v2 =	vor.u32 $0x6C0, v0  }
0x197: {  	v3 =	vor.u32 $0x6C1, v0  }
0x198: {  	v1 =	vmul.f32 $2.500000000e-01, v1  }
0x199: {  	v4 =	vor.u32 $0x6C2, v0  }
0x19a: {  	[tilespmem:$0x198A0] =	vst v1  }
0x19b: {  	v1 =	vld.idx.msk [tilespmem:v2+s9+$0x0], $0xffff;
	v2 =	vor.u32 $0x6C3, v0  }
0x19c: {  	v3 =	vld.idx.msk [tilespmem:v3+s9+$0x0], $0xffff;
	_ =	sdelay $0x1  }
0x19d: {  	v4 =	vld.idx.msk [tilespmem:v4+s9+$0x0], $0xffff;
	_ =	sdelay $0x1  }
0x19e: {  	v2 =	vld.idx.msk [tilespmem:v2+s9+$0x0], $0xffff;
	_ =	sdelay $0x2  }
0x19f: {  	v1 =	vld.idx.msk [tilespmem:v1+s2+$0x0], $0xffff  }
0x1a0: {  	v3 =	vld.idx.msk [tilespmem:v3+s2+$0x0], $0xffff;
	_ =	sdelay $0x1  }
0x1a1: {  	v4 =	vld.idx.msk [tilespmem:v4+s2+$0x0], $0xffff;
	_ =	sdelay $0x1  }
0x1a2: {  	v2 =	vld.idx.msk [tilespmem:v2+s2+$0x0], $0xffff  }
0x1a3: {  	v1 =	vadd.f32 v3, v1;
	_ =	sdelay $0x1  }
0x1a4: {  	v1 =	vadd.f32 v4, v1;
	_ =	sdelay $0x1  }
0x1a5: {  	v1 =	vadd.f32 v2, v1;
	v2 =	vor.u32 $0x700, v0  }
0x1a6: {  	v3 =	vor.u32 $0x701, v0  }
0x1a7: {  	v1 =	vmul.f32 $2.500000000e-01, v1  }
0x1a8: {  	v4 =	vor.u32 $0x702, v0  }
0x1a9: {  	[tilespmem:$0x198B0] =	vst v1  }
0x1aa: {  	v1 =	vld.idx.msk [tilespmem:v2+s9+$0x0], $0xffff;
	v2 =	vor.u32 $0x703, v0  }
0x1ab: {  	v3 =	vld.idx.msk [tilespmem:v3+s9+$0x0], $0xffff;
	_ =	sdelay $0x1  }
0x1ac: {  	v4 =	vld.idx.msk [tilespmem:v4+s9+$0x0], $0xffff;
	_ =	sdelay $0x1  }
0x1ad: {  	v2 =	vld.idx.msk [tilespmem:v2+s9+$0x0], $0xffff;
	_ =	sdelay $0x2  }
0x1ae: {  	v1 =	vld.idx.msk [tilespmem:v1+s2+$0x0], $0xffff  }
0x1af: {  	v3 =	vld.idx.msk [tilespmem:v3+s2+$0x0], $0xffff;
	_ =	sdelay $0x1  }
0x1b0: {  	v4 =	vld.idx.msk [tilespmem:v4+s2+$0x0], $0xffff;
	_ =	sdelay $0x1  }
0x1b1: {  	v2 =	vld.idx.msk [tilespmem:v2+s2+$0x0], $0xffff  }
0x1b2: {  	v1 =	vadd.f32 v3, v1;
	_ =	sdelay $0x1  }
0x1b3: {  	v1 =	vadd.f32 v4, v1;
	_ =	sdelay $0x1  }
0x1b4: {  	v1 =	vadd.f32 v2, v1;
	v2 =	vor.u32 $0x740, v0  }
0x1b5: {  	v3 =	vor.u32 $0x741, v0  }
0x1b6: {  	v1 =	vmul.f32 $2.500000000e-01, v1  }
0x1b7: {  	v4 =	vor.u32 $0x742, v0  }
0x1b8: {  	[tilespmem:$0x198C0] =	vst v1  }
0x1b9: {  	v1 =	vld.idx.msk [tilespmem:v2+s9+$0x0], $0xffff;
	v2 =	vor.u32 $0x743, v0  }
0x1ba: {  	v3 =	vld.idx.msk [tilespmem:v3+s9+$0x0], $0xffff;
	_ =	sdelay $0x1  }
0x1bb: {  	v4 =	vld.idx.msk [tilespmem:v4+s9+$0x0], $0xffff;
	_ =	sdelay $0x1  }
0x1bc: {  	v2 =	vld.idx.msk [tilespmem:v2+s9+$0x0], $0xffff;
	_ =	sdelay $0x2  }
0x1bd: {  	v1 =	vld.idx.msk [tilespmem:v1+s2+$0x0], $0xffff  }
0x1be: {  	v3 =	vld.idx.msk [tilespmem:v3+s2+$0x0], $0xffff;
	_ =	sdelay $0x1  }
0x1bf: {  	v4 =	vld.idx.msk [tilespmem:v4+s2+$0x0], $0xffff;
	_ =	sdelay $0x1  }
0x1c0: {  	v2 =	vld.idx.msk [tilespmem:v2+s2+$0x0], $0xffff  }
0x1c1: {  	v1 =	vadd.f32 v3, v1;
	_ =	sdelay $0x1  }
0x1c2: {  	v1 =	vadd.f32 v4, v1;
	_ =	sdelay $0x1  }
0x1c3: {  	v1 =	vadd.f32 v2, v1;
	v2 =	vor.u32 $0x780, v0  }
0x1c4: {  	v3 =	vor.u32 $0x781, v0  }
0x1c5: {  	v1 =	vmul.f32 $2.500000000e-01, v1  }
0x1c6: {  	v4 =	vor.u32 $0x782, v0  }
0x1c7: {  	[tilespmem:$0x198D0] =	vst v1  }
0x1c8: {  	v1 =	vld.idx.msk [tilespmem:v2+s9+$0x0], $0xffff;
	v2 =	vor.u32 $0x783, v0  }
0x1c9: {  	v3 =	vld.idx.msk [tilespmem:v3+s9+$0x0], $0xffff;
	_ =	sdelay $0x1  }
0x1ca: {  	v4 =	vld.idx.msk [tilespmem:v4+s9+$0x0], $0xffff;
	_ =	sdelay $0x1  }
0x1cb: {  	v2 =	vld.idx.msk [tilespmem:v2+s9+$0x0], $0xffff;
	_ =	sdelay $0x2  }
0x1cc: {  	v1 =	vld.idx.msk [tilespmem:v1+s2+$0x0], $0xffff  }
0x1cd: {  	v3 =	vld.idx.msk [tilespmem:v3+s2+$0x0], $0xffff;
	_ =	sdelay $0x1  }
0x1ce: {  	v4 =	vld.idx.msk [tilespmem:v4+s2+$0x0], $0xffff;
	_ =	sdelay $0x1  }
0x1cf: {  	v2 =	vld.idx.msk [tilespmem:v2+s2+$0x0], $0xffff  }
0x1d0: {  	v1 =	vadd.f32 v3, v1;
	_ =	sdelay $0x1  }
0x1d1: {  	v1 =	vadd.f32 v4, v1;
	_ =	sdelay $0x1  }
0x1d2: {  	v1 =	vadd.f32 v2, v1;
	v2 =	vor.u32 $0x7C0, v0  }
0x1d3: {  	v3 =	vor.u32 $0x7C1, v0  }
0x1d4: {  	v1 =	vmul.f32 $2.500000000e-01, v1  }
0x1d5: {  	v4 =	vor.u32 $0x7C2, v0  }
0x1d6: {  	[tilespmem:$0x198E0] =	vst v1  }
0x1d7: {  	v1 =	vld.idx.msk [tilespmem:v2+s9+$0x0], $0xffff;
	v2 =	vor.u32 $0x7C3, v0  }
0x1d8: {  	v3 =	vld.idx.msk [tilespmem:v3+s9+$0x0], $0xffff;
	_ =	sdelay $0x1  }
0x1d9: {  	v4 =	vld.idx.msk [tilespmem:v4+s9+$0x0], $0xffff;
	_ =	sdelay $0x1  }
0x1da: {  	v2 =	vld.idx.msk [tilespmem:v2+s9+$0x0], $0xffff;
	_ =	sdelay $0x2  }
0x1db: {  	v1 =	vld.idx.msk [tilespmem:v1+s2+$0x0], $0xffff  }
0x1dc: {  	v3 =	vld.idx.msk [tilespmem:v3+s2+$0x0], $0xffff;
	_ =	sdelay $0x1  }
0x1dd: {  	v4 =	vld.idx.msk [tilespmem:v4+s2+$0x0], $0xffff;
	_ =	sdelay $0x1  }
0x1de: {  	v2 =	vld.idx.msk [tilespmem:v2+s2+$0x0], $0xffff  }
0x1df: {  	v1 =	vadd.f32 v3, v1;
	_ =	sdelay $0x1  }
0x1e0: {  	v1 =	vadd.f32 v4, v1;
	_ =	sdelay $0x1  }
0x1e1: {  	v1 =	vadd.f32 v2, v1;
	v2 =	vor.u32 $0x800, v0  }
0x1e2: {  	v3 =	vor.u32 $0x801, v0  }
0x1e3: {  	v1 =	vmul.f32 $2.500000000e-01, v1  }
0x1e4: {  	v4 =	vor.u32 $0x802, v0  }
0x1e5: {  	[tilespmem:$0x198F0] =	vst v1  }
0x1e6: {  	v1 =	vld.idx.msk [tilespmem:v2+s9+$0x0], $0xffff;
	v2 =	vor.u32 $0x803, v0  }
0x1e7: {  	v3 =	vld.idx.msk [tilespmem:v3+s9+$0x0], $0xffff;
	_ =	sdelay $0x1  }
0x1e8: {  	v4 =	vld.idx.msk [tilespmem:v4+s9+$0x0], $0xffff;
	_ =	sdelay $0x1  }
0x1e9: {  	v2 =	vld.idx.msk [tilespmem:v2+s9+$0x0], $0xffff;
	_ =	sdelay $0x2  }
0x1ea: {  	v1 =	vld.idx.msk [tilespmem:v1+s2+$0x0], $0xffff  }
0x1eb: {  	v3 =	vld.idx.msk [tilespmem:v3+s2+$0x0], $0xffff;
	_ =	sdelay $0x1  }
0x1ec: {  	v4 =	vld.idx.msk [tilespmem:v4+s2+$0x0], $0xffff;
	_ =	sdelay $0x1  }
0x1ed: {  	v2 =	vld.idx.msk [tilespmem:v2+s2+$0x0], $0xffff  }
0x1ee: {  	v1 =	vadd.f32 v3, v1;
	_ =	sdelay $0x1  }
0x1ef: {  	v1 =	vadd.f32 v4, v1;
	_ =	sdelay $0x1  }
0x1f0: {  	v1 =	vadd.f32 v2, v1;
	v2 =	vor.u32 $0x840, v0  }
0x1f1: {  	v3 =	vor.u32 $0x841, v0  }
0x1f2: {  	v1 =	vmul.f32 $2.500000000e-01, v1  }
0x1f3: {  	v4 =	vor.u32 $0x842, v0  }
0x1f4: {  	[tilespmem:$0x19900] =	vst v1  }
0x1f5: {  	v1 =	vld.idx.msk [tilespmem:v2+s9+$0x0], $0xffff;
	v2 =	vor.u32 $0x843, v0  }
0x1f6: {  	v3 =	vld.idx.msk [tilespmem:v3+s9+$0x0], $0xffff;
	_ =	sdelay $0x1  }
0x1f7: {  	v4 =	vld.idx.msk [tilespmem:v4+s9+$0x0], $0xffff;
	_ =	sdelay $0x1  }
0x1f8: {  	v2 =	vld.idx.msk [tilespmem:v2+s9+$0x0], $0xffff;
	_ =	sdelay $0x2  }
0x1f9: {  	v1 =	vld.idx.msk [tilespmem:v1+s2+$0x0], $0xffff  }
0x1fa: {  	v3 =	vld.idx.msk [tilespmem:v3+s2+$0x0], $0xffff;
	_ =	sdelay $0x1  }
0x1fb: {  	v4 =	vld.idx.msk [tilespmem:v4+s2+$0x0], $0xffff;
	_ =	sdelay $0x1  }
0x1fc: {  	v2 =	vld.idx.msk [tilespmem:v2+s2+$0x0], $0xffff  }
0x1fd: {  	v1 =	vadd.f32 v3, v1;
	_ =	sdelay $0x1  }
0x1fe: {  	v1 =	vadd.f32 v4, v1;
	_ =	sdelay $0x1  }
0x1ff: {  	v1 =	vadd.f32 v2, v1;
	v2 =	vor.u32 $0x880, v0  }
0x200: {  	v3 =	vor.u32 $0x881, v0  }
0x201: {  	v1 =	vmul.f32 $2.500000000e-01, v1  }
0x202: {  	v4 =	vor.u32 $0x882, v0  }
0x203: {  	[tilespmem:$0x19910] =	vst v1  }
0x204: {  	v1 =	vld.idx.msk [tilespmem:v2+s9+$0x0], $0xffff;
	v2 =	vor.u32 $0x883, v0  }
0x205: {  	v3 =	vld.idx.msk [tilespmem:v3+s9+$0x0], $0xffff;
	_ =	sdelay $0x1  }
0x206: {  	v4 =	vld.idx.msk [tilespmem:v4+s9+$0x0], $0xffff;
	_ =	sdelay $0x1  }
0x207: {  	v2 =	vld.idx.msk [tilespmem:v2+s9+$0x0], $0xffff;
	_ =	sdelay $0x2  }
0x208: {  	v1 =	vld.idx.msk [tilespmem:v1+s2+$0x0], $0xffff  }
0x209: {  	v3 =	vld.idx.msk [tilespmem:v3+s2+$0x0], $0xffff;
	_ =	sdelay $0x1  }
0x20a: {  	v4 =	vld.idx.msk [tilespmem:v4+s2+$0x0], $0xffff;
	_ =	sdelay $0x1  }
0x20b: {  	v2 =	vld.idx.msk [tilespmem:v2+s2+$0x0], $0xffff  }
0x20c: {  	v1 =	vadd.f32 v3, v1;
	_ =	sdelay $0x1  }
0x20d: {  	v1 =	vadd.f32 v4, v1;
	_ =	sdelay $0x1  }
0x20e: {  	v1 =	vadd.f32 v2, v1;
	v2 =	vor.u32 $0x8C0, v0  }
0x20f: {  	v3 =	vor.u32 $0x8C1, v0  }
0x210: {  	v1 =	vmul.f32 $2.500000000e-01, v1  }
0x211: {  	v4 =	vor.u32 $0x8C2, v0  }
0x212: {  	[tilespmem:$0x19920] =	vst v1  }
0x213: {  	v1 =	vld.idx.msk [tilespmem:v2+s9+$0x0], $0xffff;
	v2 =	vor.u32 $0x8C3, v0  }
0x214: {  	v3 =	vld.idx.msk [tilespmem:v3+s9+$0x0], $0xffff;
	_ =	sdelay $0x1  }
0x215: {  	v4 =	vld.idx.msk [tilespmem:v4+s9+$0x0], $0xffff;
	_ =	sdelay $0x1  }
0x216: {  	v2 =	vld.idx.msk [tilespmem:v2+s9+$0x0], $0xffff;
	_ =	sdelay $0x2  }
0x217: {  	v1 =	vld.idx.msk [tilespmem:v1+s2+$0x0], $0xffff  }
0x218: {  	v3 =	vld.idx.msk [tilespmem:v3+s2+$0x0], $0xffff;
	_ =	sdelay $0x1  }
0x219: {  	v4 =	vld.idx.msk [tilespmem:v4+s2+$0x0], $0xffff;
	_ =	sdelay $0x1  }
0x21a: {  	v2 =	vld.idx.msk [tilespmem:v2+s2+$0x0], $0xffff  }
0x21b: {  	v1 =	vadd.f32 v3, v1;
	_ =	sdelay $0x1  }
0x21c: {  	v1 =	vadd.f32 v4, v1;
	_ =	sdelay $0x1  }
0x21d: {  	v1 =	vadd.f32 v2, v1;
	v2 =	vor.u32 $0x900, v0  }
0x21e: {  	v3 =	vor.u32 $0x901, v0  }
0x21f: {  	v1 =	vmul.f32 $2.500000000e-01, v1  }
0x220: {  	v4 =	vor.u32 $0x902, v0  }
0x221: {  	[tilespmem:$0x19930] =	vst v1  }
0x222: {  	v1 =	vld.idx.msk [tilespmem:v2+s9+$0x0], $0xffff;
	v2 =	vor.u32 $0x903, v0  }
0x223: {  	v3 =	vld.idx.msk [tilespmem:v3+s9+$0x0], $0xffff;
	_ =	sdelay $0x1  }
0x224: {  	v4 =	vld.idx.msk [tilespmem:v4+s9+$0x0], $0xffff;
	_ =	sdelay $0x1  }
0x225: {  	v2 =	vld.idx.msk [tilespmem:v2+s9+$0x0], $0xffff;
	_ =	sdelay $0x2  }
0x226: {  	v1 =	vld.idx.msk [tilespmem:v1+s2+$0x0], $0xffff  }
0x227: {  	v3 =	vld.idx.msk [tilespmem:v3+s2+$0x0], $0xffff;
	_ =	sdelay $0x1  }
0x228: {  	v4 =	vld.idx.msk [tilespmem:v4+s2+$0x0], $0xffff;
	_ =	sdelay $0x1  }
0x229: {  	v2 =	vld.idx.msk [tilespmem:v2+s2+$0x0], $0xffff  }
0x22a: {  	v1 =	vadd.f32 v3, v1;
	_ =	sdelay $0x1  }
0x22b: {  	v1 =	vadd.f32 v4, v1;
	_ =	sdelay $0x1  }
0x22c: {  	v1 =	vadd.f32 v2, v1;
	v2 =	vor.u32 $0x940, v0  }
0x22d: {  	v3 =	vor.u32 $0x941, v0  }
0x22e: {  	v1 =	vmul.f32 $2.500000000e-01, v1  }
0x22f: {  	v4 =	vor.u32 $0x942, v0  }
0x230: {  	[tilespmem:$0x19940] =	vst v1  }
0x231: {  	v1 =	vld.idx.msk [tilespmem:v2+s9+$0x0], $0xffff;
	v2 =	vor.u32 $0x943, v0  }
0x232: {  	v3 =	vld.idx.msk [tilespmem:v3+s9+$0x0], $0xffff;
	_ =	sdelay $0x1  }
0x233: {  	v4 =	vld.idx.msk [tilespmem:v4+s9+$0x0], $0xffff;
	_ =	sdelay $0x1  }
0x234: {  	v2 =	vld.idx.msk [tilespmem:v2+s9+$0x0], $0xffff;
	_ =	sdelay $0x2  }
0x235: {  	v1 =	vld.idx.msk [tilespmem:v1+s2+$0x0], $0xffff  }
0x236: {  	v3 =	vld.idx.msk [tilespmem:v3+s2+$0x0], $0xffff;
	_ =	sdelay $0x1  }
0x237: {  	v4 =	vld.idx.msk [tilespmem:v4+s2+$0x0], $0xffff;
	_ =	sdelay $0x1  }
0x238: {  	v2 =	vld.idx.msk [tilespmem:v2+s2+$0x0], $0xffff  }
0x239: {  	v1 =	vadd.f32 v3, v1;
	_ =	sdelay $0x1  }
0x23a: {  	v1 =	vadd.f32 v4, v1;
	_ =	sdelay $0x1  }
0x23b: {  	v1 =	vadd.f32 v2, v1;
	v2 =	vor.u32 $0x980, v0  }
0x23c: {  	v3 =	vor.u32 $0x981, v0  }
0x23d: {  	v1 =	vmul.f32 $2.500000000e-01, v1  }
0x23e: {  	v4 =	vor.u32 $0x982, v0  }
0x23f: {  	[tilespmem:$0x19950] =	vst v1  }
0x240: {  	v1 =	vld.idx.msk [tilespmem:v2+s9+$0x0], $0xffff;
	v2 =	vor.u32 $0x983, v0  }
0x241: {  	v3 =	vld.idx.msk [tilespmem:v3+s9+$0x0], $0xffff;
	_ =	sdelay $0x1  }
0x242: {  	v4 =	vld.idx.msk [tilespmem:v4+s9+$0x0], $0xffff;
	_ =	sdelay $0x1  }
0x243: {  	v2 =	vld.idx.msk [tilespmem:v2+s9+$0x0], $0xffff;
	_ =	sdelay $0x2  }
0x244: {  	v1 =	vld.idx.msk [tilespmem:v1+s2+$0x0], $0xffff  }
0x245: {  	v3 =	vld.idx.msk [tilespmem:v3+s2+$0x0], $0xffff;
	_ =	sdelay $0x1  }
0x246: {  	v4 =	vld.idx.msk [tilespmem:v4+s2+$0x0], $0xffff;
	_ =	sdelay $0x1  }
0x247: {  	v2 =	vld.idx.msk [tilespmem:v2+s2+$0x0], $0xffff  }
0x248: {  	v1 =	vadd.f32 v3, v1;
	_ =	sdelay $0x1  }
0x249: {  	v1 =	vadd.f32 v4, v1;
	_ =	sdelay $0x1  }
0x24a: {  	v1 =	vadd.f32 v2, v1;
	v2 =	vor.u32 $0x9C0, v0  }
0x24b: {  	v3 =	vor.u32 $0x9C1, v0  }
0x24c: {  	v1 =	vmul.f32 $2.500000000e-01, v1  }
0x24d: {  	v4 =	vor.u32 $0x9C2, v0  }
0x24e: {  	[tilespmem:$0x19960] =	vst v1  }
0x24f: {  	v1 =	vld.idx.msk [tilespmem:v2+s9+$0x0], $0xffff;
	v2 =	vor.u32 $0x9C3, v0  }
0x250: {  	v3 =	vld.idx.msk [tilespmem:v3+s9+$0x0], $0xffff;
	_ =	sdelay $0x1  }
0x251: {  	v4 =	vld.idx.msk [tilespmem:v4+s9+$0x0], $0xffff;
	_ =	sdelay $0x1  }
0x252: {  	v2 =	vld.idx.msk [tilespmem:v2+s9+$0x0], $0xffff;
	_ =	sdelay $0x2  }
0x253: {  	v1 =	vld.idx.msk [tilespmem:v1+s2+$0x0], $0xffff  }
0x254: {  	v3 =	vld.idx.msk [tilespmem:v3+s2+$0x0], $0xffff;
	_ =	sdelay $0x1  }
0x255: {  	v4 =	vld.idx.msk [tilespmem:v4+s2+$0x0], $0xffff;
	_ =	sdelay $0x1  }
0x256: {  	v2 =	vld.idx.msk [tilespmem:v2+s2+$0x0], $0xffff  }
0x257: {  	v1 =	vadd.f32 v3, v1;
	_ =	sdelay $0x1  }
0x258: {  	v1 =	vadd.f32 v4, v1;
	_ =	sdelay $0x1  }
0x259: {  	v1 =	vadd.f32 v2, v1;
	v2 =	vor.u32 $0xA00, v0  }
0x25a: {  	v3 =	vor.u32 $0xA01, v0  }
0x25b: {  	v1 =	vmul.f32 $2.500000000e-01, v1  }
0x25c: {  	v4 =	vor.u32 $0xA02, v0  }
0x25d: {  	[tilespmem:$0x19970] =	vst v1  }
0x25e: {  	v1 =	vld.idx.msk [tilespmem:v2+s9+$0x0], $0xffff;
	v2 =	vor.u32 $0xA03, v0  }
0x25f: {  	v3 =	vld.idx.msk [tilespmem:v3+s9+$0x0], $0xffff;
	_ =	sdelay $0x1  }
0x260: {  	v4 =	vld.idx.msk [tilespmem:v4+s9+$0x0], $0xffff;
	_ =	sdelay $0x1  }
0x261: {  	v2 =	vld.idx.msk [tilespmem:v2+s9+$0x0], $0xffff;
	_ =	sdelay $0x2  }
0x262: {  	v1 =	vld.idx.msk [tilespmem:v1+s2+$0x0], $0xffff  }
0x263: {  	v3 =	vld.idx.msk [tilespmem:v3+s2+$0x0], $0xffff;
	_ =	sdelay $0x1  }
0x264: {  	v4 =	vld.idx.msk [tilespmem:v4+s2+$0x0], $0xffff;
	_ =	sdelay $0x1  }
0x265: {  	v2 =	vld.idx.msk [tilespmem:v2+s2+$0x0], $0xffff  }
0x266: {  	v1 =	vadd.f32 v3, v1;
	_ =	sdelay $0x1  }
0x267: {  	v1 =	vadd.f32 v4, v1;
	_ =	sdelay $0x1  }
0x268: {  	v1 =	vadd.f32 v2, v1;
	v2 =	vor.u32 $0xA40, v0  }
0x269: {  	v3 =	vor.u32 $0xA41, v0  }
0x26a: {  	v1 =	vmul.f32 $2.500000000e-01, v1  }
0x26b: {  	v4 =	vor.u32 $0xA42, v0  }
0x26c: {  	[tilespmem:$0x19980] =	vst v1  }
0x26d: {  	v1 =	vld.idx.msk [tilespmem:v2+s9+$0x0], $0xffff;
	v2 =	vor.u32 $0xA43, v0  }
0x26e: {  	v3 =	vld.idx.msk [tilespmem:v3+s9+$0x0], $0xffff;
	_ =	sdelay $0x1  }
0x26f: {  	v4 =	vld.idx.msk [tilespmem:v4+s9+$0x0], $0xffff;
	_ =	sdelay $0x1  }
0x270: {  	v2 =	vld.idx.msk [tilespmem:v2+s9+$0x0], $0xffff;
	_ =	sdelay $0x2  }
0x271: {  	v1 =	vld.idx.msk [tilespmem:v1+s2+$0x0], $0xffff  }
0x272: {  	v3 =	vld.idx.msk [tilespmem:v3+s2+$0x0], $0xffff;
	_ =	sdelay $0x1  }
0x273: {  	v4 =	vld.idx.msk [tilespmem:v4+s2+$0x0], $0xffff;
	_ =	sdelay $0x1  }
0x274: {  	v2 =	vld.idx.msk [tilespmem:v2+s2+$0x0], $0xffff  }
0x275: {  	v1 =	vadd.f32 v3, v1;
	_ =	sdelay $0x1  }
0x276: {  	v1 =	vadd.f32 v4, v1;
	_ =	sdelay $0x1  }
0x277: {  	v1 =	vadd.f32 v2, v1;
	v2 =	vor.u32 $0xA80, v0  }
0x278: {  	v3 =	vor.u32 $0xA81, v0  }
0x279: {  	v1 =	vmul.f32 $2.500000000e-01, v1  }
0x27a: {  	v4 =	vor.u32 $0xA82, v0  }
0x27b: {  	[tilespmem:$0x19990] =	vst v1  }
0x27c: {  	v1 =	vld.idx.msk [tilespmem:v2+s9+$0x0], $0xffff;
	v2 =	vor.u32 $0xA83, v0  }
0x27d: {  	v3 =	vld.idx.msk [tilespmem:v3+s9+$0x0], $0xffff;
	_ =	sdelay $0x1  }
0x27e: {  	v4 =	vld.idx.msk [tilespmem:v4+s9+$0x0], $0xffff;
	_ =	sdelay $0x1  }
0x27f: {  	v2 =	vld.idx.msk [tilespmem:v2+s9+$0x0], $0xffff;
	_ =	sdelay $0x2  }
0x280: {  	v1 =	vld.idx.msk [tilespmem:v1+s2+$0x0], $0xffff  }
0x281: {  	v3 =	vld.idx.msk [tilespmem:v3+s2+$0x0], $0xffff;
	_ =	sdelay $0x1  }
0x282: {  	v4 =	vld.idx.msk [tilespmem:v4+s2+$0x0], $0xffff;
	_ =	sdelay $0x1  }
0x283: {  	v2 =	vld.idx.msk [tilespmem:v2+s2+$0x0], $0xffff  }
0x284: {  	v1 =	vadd.f32 v3, v1;
	_ =	sdelay $0x1  }
0x285: {  	v1 =	vadd.f32 v4, v1;
	_ =	sdelay $0x1  }
0x286: {  	v1 =	vadd.f32 v2, v1;
	v2 =	vor.u32 $0xAC0, v0  }
0x287: {  	v3 =	vor.u32 $0xAC1, v0  }
0x288: {  	v1 =	vmul.f32 $2.500000000e-01, v1  }
0x289: {  	v4 =	vor.u32 $0xAC2, v0  }
0x28a: {  	[tilespmem:$0x199A0] =	vst v1  }
0x28b: {  	v1 =	vld.idx.msk [tilespmem:v2+s9+$0x0], $0xffff;
	v2 =	vor.u32 $0xAC3, v0  }
0x28c: {  	v3 =	vld.idx.msk [tilespmem:v3+s9+$0x0], $0xffff;
	_ =	sdelay $0x1  }
0x28d: {  	v4 =	vld.idx.msk [tilespmem:v4+s9+$0x0], $0xffff;
	_ =	sdelay $0x1  }
0x28e: {  	v2 =	vld.idx.msk [tilespmem:v2+s9+$0x0], $0xffff;
	_ =	sdelay $0x2  }
0x28f: {  	v1 =	vld.idx.msk [tilespmem:v1+s2+$0x0], $0xffff  }
0x290: {  	v3 =	vld.idx.msk [tilespmem:v3+s2+$0x0], $0xffff;
	_ =	sdelay $0x1  }
0x291: {  	v4 =	vld.idx.msk [tilespmem:v4+s2+$0x0], $0xffff;
	_ =	sdelay $0x1  }
0x292: {  	v2 =	vld.idx.msk [tilespmem:v2+s2+$0x0], $0xffff  }
0x293: {  	v1 =	vadd.f32 v3, v1;
	_ =	sdelay $0x1  }
0x294: {  	v1 =	vadd.f32 v4, v1;
	_ =	sdelay $0x1  }
0x295: {  	v1 =	vadd.f32 v2, v1;
	v2 =	vor.u32 $0xB00, v0  }
0x296: {  	v3 =	vor.u32 $0xB01, v0  }
0x297: {  	v1 =	vmul.f32 $2.500000000e-01, v1  }
0x298: {  	v4 =	vor.u32 $0xB02, v0  }
0x299: {  	[tilespmem:$0x199B0] =	vst v1  }
0x29a: {  	v1 =	vld.idx.msk [tilespmem:v2+s9+$0x0], $0xffff;
	v2 =	vor.u32 $0xB03, v0  }
0x29b: {  	v3 =	vld.idx.msk [tilespmem:v3+s9+$0x0], $0xffff;
	_ =	sdelay $0x1  }
0x29c: {  	v4 =	vld.idx.msk [tilespmem:v4+s9+$0x0], $0xffff;
	_ =	sdelay $0x1  }
0x29d: {  	v2 =	vld.idx.msk [tilespmem:v2+s9+$0x0], $0xffff;
	_ =	sdelay $0x2  }
0x29e: {  	v1 =	vld.idx.msk [tilespmem:v1+s2+$0x0], $0xffff  }
0x29f: {  	v3 =	vld.idx.msk [tilespmem:v3+s2+$0x0], $0xffff;
	_ =	sdelay $0x1  }
0x2a0: {  	v4 =	vld.idx.msk [tilespmem:v4+s2+$0x0], $0xffff;
	_ =	sdelay $0x1  }
0x2a1: {  	v2 =	vld.idx.msk [tilespmem:v2+s2+$0x0], $0xffff  }
0x2a2: {  	v1 =	vadd.f32 v3, v1;
	_ =	sdelay $0x1  }
0x2a3: {  	v1 =	vadd.f32 v4, v1;
	_ =	sdelay $0x1  }
0x2a4: {  	v1 =	vadd.f32 v2, v1;
	v2 =	vor.u32 $0xB40, v0  }
0x2a5: {  	v3 =	vor.u32 $0xB41, v0  }
0x2a6: {  	v1 =	vmul.f32 $2.500000000e-01, v1  }
0x2a7: {  	v4 =	vor.u32 $0xB42, v0  }
0x2a8: {  	[tilespmem:$0x199C0] =	vst v1  }
0x2a9: {  	v1 =	vld.idx.msk [tilespmem:v2+s9+$0x0], $0xffff;
	v2 =	vor.u32 $0xB43, v0  }
0x2aa: {  	v3 =	vld.idx.msk [tilespmem:v3+s9+$0x0], $0xffff;
	_ =	sdelay $0x1  }
0x2ab: {  	v4 =	vld.idx.msk [tilespmem:v4+s9+$0x0], $0xffff;
	_ =	sdelay $0x1  }
0x2ac: {  	v2 =	vld.idx.msk [tilespmem:v2+s9+$0x0], $0xffff;
	_ =	sdelay $0x2  }
0x2ad: {  	v1 =	vld.idx.msk [tilespmem:v1+s2+$0x0], $0xffff  }
0x2ae: {  	v3 =	vld.idx.msk [tilespmem:v3+s2+$0x0], $0xffff;
	_ =	sdelay $0x1  }
0x2af: {  	v4 =	vld.idx.msk [tilespmem:v4+s2+$0x0], $0xffff;
	_ =	sdelay $0x1  }
0x2b0: {  	v2 =	vld.idx.msk [tilespmem:v2+s2+$0x0], $0xffff  }
0x2b1: {  	v1 =	vadd.f32 v3, v1;
	_ =	sdelay $0x1  }
0x2b2: {  	v1 =	vadd.f32 v4, v1;
	_ =	sdelay $0x1  }
0x2b3: {  	v1 =	vadd.f32 v2, v1;
	v2 =	vor.u32 $0xB80, v0  }
0x2b4: {  	v3 =	vor.u32 $0xB81, v0  }
0x2b5: {  	v1 =	vmul.f32 $2.500000000e-01, v1  }
0x2b6: {  	v4 =	vor.u32 $0xB82, v0  }
0x2b7: {  	[tilespmem:$0x199D0] =	vst v1  }
0x2b8: {  	v1 =	vld.idx.msk [tilespmem:v2+s9+$0x0], $0xffff;
	v2 =	vor.u32 $0xB83, v0  }
0x2b9: {  	v3 =	vld.idx.msk [tilespmem:v3+s9+$0x0], $0xffff;
	_ =	sdelay $0x1  }
0x2ba: {  	v4 =	vld.idx.msk [tilespmem:v4+s9+$0x0], $0xffff;
	_ =	sdelay $0x1  }
0x2bb: {  	v2 =	vld.idx.msk [tilespmem:v2+s9+$0x0], $0xffff;
	_ =	sdelay $0x2  }
0x2bc: {  	v1 =	vld.idx.msk [tilespmem:v1+s2+$0x0], $0xffff  }
0x2bd: {  	v3 =	vld.idx.msk [tilespmem:v3+s2+$0x0], $0xffff;
	_ =	sdelay $0x1  }
0x2be: {  	v4 =	vld.idx.msk [tilespmem:v4+s2+$0x0], $0xffff;
	_ =	sdelay $0x1  }
0x2bf: {  	v2 =	vld.idx.msk [tilespmem:v2+s2+$0x0], $0xffff  }
0x2c0: {  	v1 =	vadd.f32 v3, v1;
	_ =	sdelay $0x1  }
0x2c1: {  	v1 =	vadd.f32 v4, v1;
	_ =	sdelay $0x1  }
0x2c2: {  	v1 =	vadd.f32 v2, v1;
	v2 =	vor.u32 $0xBC0, v0  }
0x2c3: {  	v3 =	vor.u32 $0xBC1, v0  }
0x2c4: {  	v1 =	vmul.f32 $2.500000000e-01, v1  }
0x2c5: {  	v4 =	vor.u32 $0xBC2, v0  }
0x2c6: {  	[tilespmem:$0x199E0] =	vst v1  }
0x2c7: {  	v1 =	vld.idx.msk [tilespmem:v2+s9+$0x0], $0xffff;
	v2 =	vor.u32 $0xBC3, v0  }
0x2c8: {  	v3 =	vld.idx.msk [tilespmem:v3+s9+$0x0], $0xffff;
	_ =	sdelay $0x1  }
0x2c9: {  	v4 =	vld.idx.msk [tilespmem:v4+s9+$0x0], $0xffff;
	_ =	sdelay $0x1  }
0x2ca: {  	v2 =	vld.idx.msk [tilespmem:v2+s9+$0x0], $0xffff;
	_ =	sdelay $0x2  }
0x2cb: {  	v1 =	vld.idx.msk [tilespmem:v1+s2+$0x0], $0xffff  }
0x2cc: {  	v3 =	vld.idx.msk [tilespmem:v3+s2+$0x0], $0xffff;
	_ =	sdelay $0x1  }
0x2cd: {  	v4 =	vld.idx.msk [tilespmem:v4+s2+$0x0], $0xffff;
	_ =	sdelay $0x1  }
0x2ce: {  	v2 =	vld.idx.msk [tilespmem:v2+s2+$0x0], $0xffff  }
0x2cf: {  	v1 =	vadd.f32 v3, v1;
	_ =	sdelay $0x1  }
0x2d0: {  	v1 =	vadd.f32 v4, v1;
	_ =	sdelay $0x1  }
0x2d1: {  	v1 =	vadd.f32 v2, v1;
	v2 =	vor.u32 $0xC00, v0  }
0x2d2: {  	v3 =	vor.u32 $0xC01, v0  }
0x2d3: {  	v1 =	vmul.f32 $2.500000000e-01, v1  }
0x2d4: {  	v4 =	vor.u32 $0xC02, v0  }
0x2d5: {  	[tilespmem:$0x199F0] =	vst v1  }
0x2d6: {  	v1 =	vld.idx.msk [tilespmem:v2+s9+$0x0], $0xffff;
	v2 =	vor.u32 $0xC03, v0  }
0x2d7: {  	v3 =	vld.idx.msk [tilespmem:v3+s9+$0x0], $0xffff;
	_ =	sdelay $0x1  }
0x2d8: {  	v4 =	vld.idx.msk [tilespmem:v4+s9+$0x0], $0xffff;
	_ =	sdelay $0x1  }
0x2d9: {  	v2 =	vld.idx.msk [tilespmem:v2+s9+$0x0], $0xffff;
	_ =	sdelay $0x2  }
0x2da: {  	v1 =	vld.idx.msk [tilespmem:v1+s2+$0x0], $0xffff  }
0x2db: {  	v3 =	vld.idx.msk [tilespmem:v3+s2+$0x0], $0xffff;
	_ =	sdelay $0x1  }
0x2dc: {  	v4 =	vld.idx.msk [tilespmem:v4+s2+$0x0], $0xffff;
	_ =	sdelay $0x1  }
0x2dd: {  	v2 =	vld.idx.msk [tilespmem:v2+s2+$0x0], $0xffff  }
0x2de: {  	v1 =	vadd.f32 v3, v1;
	_ =	sdelay $0x1  }
0x2df: {  	v1 =	vadd.f32 v4, v1;
	_ =	sdelay $0x1  }
0x2e0: {  	v1 =	vadd.f32 v2, v1;
	v2 =	vor.u32 $0xC40, v0  }
0x2e1: {  	v3 =	vor.u32 $0xC41, v0  }
0x2e2: {  	v1 =	vmul.f32 $2.500000000e-01, v1  }
0x2e3: {  	v4 =	vor.u32 $0xC42, v0  }
0x2e4: {  	[tilespmem:$0x19A00] =	vst v1  }
0x2e5: {  	v1 =	vld.idx.msk [tilespmem:v2+s9+$0x0], $0xffff;
	v2 =	vor.u32 $0xC43, v0  }
0x2e6: {  	v3 =	vld.idx.msk [tilespmem:v3+s9+$0x0], $0xffff;
	_ =	sdelay $0x1  }
0x2e7: {  	v4 =	vld.idx.msk [tilespmem:v4+s9+$0x0], $0xffff;
	_ =	sdelay $0x1  }
0x2e8: {  	v2 =	vld.idx.msk [tilespmem:v2+s9+$0x0], $0xffff;
	_ =	sdelay $0x2  }
0x2e9: {  	v1 =	vld.idx.msk [tilespmem:v1+s2+$0x0], $0xffff  }
0x2ea: {  	v3 =	vld.idx.msk [tilespmem:v3+s2+$0x0], $0xffff;
	_ =	sdelay $0x1  }
0x2eb: {  	v4 =	vld.idx.msk [tilespmem:v4+s2+$0x0], $0xffff;
	_ =	sdelay $0x1  }
0x2ec: {  	v2 =	vld.idx.msk [tilespmem:v2+s2+$0x0], $0xffff  }
0x2ed: {  	v1 =	vadd.f32 v3, v1;
	_ =	sdelay $0x1  }
0x2ee: {  	v1 =	vadd.f32 v4, v1;
	_ =	sdelay $0x1  }
0x2ef: {  	v1 =	vadd.f32 v2, v1;
	v2 =	vor.u32 $0xC80, v0  }
0x2f0: {  	v3 =	vor.u32 $0xC81, v0  }
0x2f1: {  	v1 =	vmul.f32 $2.500000000e-01, v1  }
0x2f2: {  	v4 =	vor.u32 $0xC82, v0  }
0x2f3: {  	[tilespmem:$0x19A10] =	vst v1  }
0x2f4: {  	v1 =	vld.idx.msk [tilespmem:v2+s9+$0x0], $0xffff;
	v2 =	vor.u32 $0xC83, v0  }
0x2f5: {  	v3 =	vld.idx.msk [tilespmem:v3+s9+$0x0], $0xffff;
	_ =	sdelay $0x1  }
0x2f6: {  	v4 =	vld.idx.msk [tilespmem:v4+s9+$0x0], $0xffff;
	_ =	sdelay $0x1  }
0x2f7: {  	v2 =	vld.idx.msk [tilespmem:v2+s9+$0x0], $0xffff;
	_ =	sdelay $0x2  }
0x2f8: {  	v1 =	vld.idx.msk [tilespmem:v1+s2+$0x0], $0xffff  }
0x2f9: {  	v3 =	vld.idx.msk [tilespmem:v3+s2+$0x0], $0xffff;
	_ =	sdelay $0x1  }
0x2fa: {  	v4 =	vld.idx.msk [tilespmem:v4+s2+$0x0], $0xffff;
	_ =	sdelay $0x1  }
0x2fb: {  	v2 =	vld.idx.msk [tilespmem:v2+s2+$0x0], $0xffff  }
0x2fc: {  	v1 =	vadd.f32 v3, v1;
	_ =	sdelay $0x1  }
0x2fd: {  	v1 =	vadd.f32 v4, v1;
	_ =	sdelay $0x1  }
0x2fe: {  	v1 =	vadd.f32 v2, v1;
	v2 =	vor.u32 $0xCC0, v0  }
0x2ff: {  	v3 =	vor.u32 $0xCC1, v0  }
0x300: {  	v1 =	vmul.f32 $2.500000000e-01, v1  }
0x301: {  	v4 =	vor.u32 $0xCC2, v0  }
0x302: {  	[tilespmem:$0x19A20] =	vst v1  }
0x303: {  	v1 =	vld.idx.msk [tilespmem:v2+s9+$0x0], $0xffff;
	v2 =	vor.u32 $0xCC3, v0  }
0x304: {  	v3 =	vld.idx.msk [tilespmem:v3+s9+$0x0], $0xffff;
	_ =	sdelay $0x1  }
0x305: {  	v4 =	vld.idx.msk [tilespmem:v4+s9+$0x0], $0xffff;
	_ =	sdelay $0x1  }
0x306: {  	v2 =	vld.idx.msk [tilespmem:v2+s9+$0x0], $0xffff;
	_ =	sdelay $0x2  }
0x307: {  	v1 =	vld.idx.msk [tilespmem:v1+s2+$0x0], $0xffff  }
0x308: {  	v3 =	vld.idx.msk [tilespmem:v3+s2+$0x0], $0xffff;
	_ =	sdelay $0x1  }
0x309: {  	v4 =	vld.idx.msk [tilespmem:v4+s2+$0x0], $0xffff;
	_ =	sdelay $0x1  }
0x30a: {  	v2 =	vld.idx.msk [tilespmem:v2+s2+$0x0], $0xffff  }
0x30b: {  	v1 =	vadd.f32 v3, v1;
	_ =	sdelay $0x1  }
0x30c: {  	v1 =	vadd.f32 v4, v1;
	_ =	sdelay $0x1  }
0x30d: {  	v1 =	vadd.f32 v2, v1;
	v2 =	vor.u32 $0xD00, v0  }
0x30e: {  	v3 =	vor.u32 $0xD01, v0  }
0x30f: {  	v1 =	vmul.f32 $2.500000000e-01, v1  }
0x310: {  	v4 =	vor.u32 $0xD02, v0  }
0x311: {  	[tilespmem:$0x19A30] =	vst v1  }
0x312: {  	v1 =	vld.idx.msk [tilespmem:v2+s9+$0x0], $0xffff;
	v2 =	vor.u32 $0xD03, v0  }
0x313: {  	v3 =	vld.idx.msk [tilespmem:v3+s9+$0x0], $0xffff;
	_ =	sdelay $0x1  }
0x314: {  	v4 =	vld.idx.msk [tilespmem:v4+s9+$0x0], $0xffff;
	_ =	sdelay $0x1  }
0x315: {  	v2 =	vld.idx.msk [tilespmem:v2+s9+$0x0], $0xffff;
	_ =	sdelay $0x2  }
0x316: {  	v1 =	vld.idx.msk [tilespmem:v1+s2+$0x0], $0xffff  }
0x317: {  	v3 =	vld.idx.msk [tilespmem:v3+s2+$0x0], $0xffff;
	_ =	sdelay $0x1  }
0x318: {  	v4 =	vld.idx.msk [tilespmem:v4+s2+$0x0], $0xffff;
	_ =	sdelay $0x1  }
0x319: {  	v2 =	vld.idx.msk [tilespmem:v2+s2+$0x0], $0xffff  }
0x31a: {  	v1 =	vadd.f32 v3, v1;
	_ =	sdelay $0x1  }
0x31b: {  	v1 =	vadd.f32 v4, v1;
	_ =	sdelay $0x1  }
0x31c: {  	v1 =	vadd.f32 v2, v1;
	v2 =	vor.u32 $0xD40, v0  }
0x31d: {  	v3 =	vor.u32 $0xD41, v0  }
0x31e: {  	v1 =	vmul.f32 $2.500000000e-01, v1  }
0x31f: {  	v4 =	vor.u32 $0xD42, v0  }
0x320: {  	[tilespmem:$0x19A40] =	vst v1  }
0x321: {  	v1 =	vld.idx.msk [tilespmem:v2+s9+$0x0], $0xffff;
	v2 =	vor.u32 $0xD43, v0  }
0x322: {  	v3 =	vld.idx.msk [tilespmem:v3+s9+$0x0], $0xffff;
	_ =	sdelay $0x1  }
0x323: {  	v4 =	vld.idx.msk [tilespmem:v4+s9+$0x0], $0xffff;
	_ =	sdelay $0x1  }
0x324: {  	v2 =	vld.idx.msk [tilespmem:v2+s9+$0x0], $0xffff;
	_ =	sdelay $0x2  }
0x325: {  	v1 =	vld.idx.msk [tilespmem:v1+s2+$0x0], $0xffff  }
0x326: {  	v3 =	vld.idx.msk [tilespmem:v3+s2+$0x0], $0xffff;
	_ =	sdelay $0x1  }
0x327: {  	v4 =	vld.idx.msk [tilespmem:v4+s2+$0x0], $0xffff;
	_ =	sdelay $0x1  }
0x328: {  	v2 =	vld.idx.msk [tilespmem:v2+s2+$0x0], $0xffff  }
0x329: {  	v1 =	vadd.f32 v3, v1;
	_ =	sdelay $0x1  }
0x32a: {  	v1 =	vadd.f32 v4, v1;
	_ =	sdelay $0x1  }
0x32b: {  	v1 =	vadd.f32 v2, v1;
	v2 =	vor.u32 $0xD80, v0  }
0x32c: {  	v3 =	vor.u32 $0xD81, v0  }
0x32d: {  	v1 =	vmul.f32 $2.500000000e-01, v1  }
0x32e: {  	v4 =	vor.u32 $0xD82, v0  }
0x32f: {  	[tilespmem:$0x19A50] =	vst v1  }
0x330: {  	v1 =	vld.idx.msk [tilespmem:v2+s9+$0x0], $0xffff;
	v2 =	vor.u32 $0xD83, v0  }
0x331: {  	v3 =	vld.idx.msk [tilespmem:v3+s9+$0x0], $0xffff;
	_ =	sdelay $0x1  }
0x332: {  	v4 =	vld.idx.msk [tilespmem:v4+s9+$0x0], $0xffff;
	_ =	sdelay $0x1  }
0x333: {  	v2 =	vld.idx.msk [tilespmem:v2+s9+$0x0], $0xffff;
	_ =	sdelay $0x2  }
0x334: {  	v1 =	vld.idx.msk [tilespmem:v1+s2+$0x0], $0xffff  }
0x335: {  	v3 =	vld.idx.msk [tilespmem:v3+s2+$0x0], $0xffff;
	_ =	sdelay $0x1  }
0x336: {  	v4 =	vld.idx.msk [tilespmem:v4+s2+$0x0], $0xffff;
	_ =	sdelay $0x1  }
0x337: {  	v2 =	vld.idx.msk [tilespmem:v2+s2+$0x0], $0xffff  }
0x338: {  	v1 =	vadd.f32 v3, v1;
	_ =	sdelay $0x1  }
0x339: {  	v1 =	vadd.f32 v4, v1;
	_ =	sdelay $0x1  }
0x33a: {  	v1 =	vadd.f32 v2, v1;
	v2 =	vor.u32 $0xDC0, v0  }
0x33b: {  	v3 =	vor.u32 $0xDC1, v0  }
0x33c: {  	v1 =	vmul.f32 $2.500000000e-01, v1  }
0x33d: {  	v4 =	vor.u32 $0xDC2, v0  }
0x33e: {  	[tilespmem:$0x19A60] =	vst v1  }
0x33f: {  	v1 =	vld.idx.msk [tilespmem:v2+s9+$0x0], $0xffff;
	v2 =	vor.u32 $0xDC3, v0  }
0x340: {  	v3 =	vld.idx.msk [tilespmem:v3+s9+$0x0], $0xffff;
	_ =	sdelay $0x1  }
0x341: {  	v4 =	vld.idx.msk [tilespmem:v4+s9+$0x0], $0xffff;
	_ =	sdelay $0x1  }
0x342: {  	v2 =	vld.idx.msk [tilespmem:v2+s9+$0x0], $0xffff;
	_ =	sdelay $0x2  }
0x343: {  	v1 =	vld.idx.msk [tilespmem:v1+s2+$0x0], $0xffff  }
0x344: {  	v3 =	vld.idx.msk [tilespmem:v3+s2+$0x0], $0xffff;
	_ =	sdelay $0x1  }
0x345: {  	v4 =	vld.idx.msk [tilespmem:v4+s2+$0x0], $0xffff;
	_ =	sdelay $0x1  }
0x346: {  	v2 =	vld.idx.msk [tilespmem:v2+s2+$0x0], $0xffff  }
0x347: {  	v1 =	vadd.f32 v3, v1;
	_ =	sdelay $0x1  }
0x348: {  	v1 =	vadd.f32 v4, v1;
	_ =	sdelay $0x1  }
0x349: {  	v1 =	vadd.f32 v2, v1;
	v2 =	vor.u32 $0xE00, v0  }
0x34a: {  	v3 =	vor.u32 $0xE01, v0  }
0x34b: {  	v1 =	vmul.f32 $2.500000000e-01, v1  }
0x34c: {  	v4 =	vor.u32 $0xE02, v0  }
0x34d: {  	[tilespmem:$0x19A70] =	vst v1  }
0x34e: {  	v1 =	vld.idx.msk [tilespmem:v2+s9+$0x0], $0xffff;
	v2 =	vor.u32 $0xE03, v0  }
0x34f: {  	v3 =	vld.idx.msk [tilespmem:v3+s9+$0x0], $0xffff;
	_ =	sdelay $0x1  }
0x350: {  	v4 =	vld.idx.msk [tilespmem:v4+s9+$0x0], $0xffff;
	_ =	sdelay $0x1  }
0x351: {  	v2 =	vld.idx.msk [tilespmem:v2+s9+$0x0], $0xffff;
	_ =	sdelay $0x2  }
0x352: {  	v1 =	vld.idx.msk [tilespmem:v1+s2+$0x0], $0xffff  }
0x353: {  	v3 =	vld.idx.msk [tilespmem:v3+s2+$0x0], $0xffff;
	_ =	sdelay $0x1  }
0x354: {  	v4 =	vld.idx.msk [tilespmem:v4+s2+$0x0], $0xffff;
	_ =	sdelay $0x1  }
0x355: {  	v2 =	vld.idx.msk [tilespmem:v2+s2+$0x0], $0xffff  }
0x356: {  	v1 =	vadd.f32 v3, v1;
	_ =	sdelay $0x1  }
0x357: {  	v1 =	vadd.f32 v4, v1;
	_ =	sdelay $0x1  }
0x358: {  	v1 =	vadd.f32 v2, v1;
	v2 =	vor.u32 $0xE40, v0  }
0x359: {  	v3 =	vor.u32 $0xE41, v0  }
0x35a: {  	v1 =	vmul.f32 $2.500000000e-01, v1  }
0x35b: {  	v4 =	vor.u32 $0xE42, v0  }
0x35c: {  	[tilespmem:$0x19A80] =	vst v1  }
0x35d: {  	v1 =	vld.idx.msk [tilespmem:v2+s9+$0x0], $0xffff;
	v2 =	vor.u32 $0xE43, v0  }
0x35e: {  	v3 =	vld.idx.msk [tilespmem:v3+s9+$0x0], $0xffff;
	_ =	sdelay $0x1  }
0x35f: {  	v4 =	vld.idx.msk [tilespmem:v4+s9+$0x0], $0xffff;
	_ =	sdelay $0x1  }
0x360: {  	v2 =	vld.idx.msk [tilespmem:v2+s9+$0x0], $0xffff;
	_ =	sdelay $0x2  }
0x361: {  	v1 =	vld.idx.msk [tilespmem:v1+s2+$0x0], $0xffff  }
0x362: {  	v3 =	vld.idx.msk [tilespmem:v3+s2+$0x0], $0xffff;
	_ =	sdelay $0x1  }
0x363: {  	v4 =	vld.idx.msk [tilespmem:v4+s2+$0x0], $0xffff;
	_ =	sdelay $0x1  }
0x364: {  	v2 =	vld.idx.msk [tilespmem:v2+s2+$0x0], $0xffff  }
0x365: {  	v1 =	vadd.f32 v3, v1;
	_ =	sdelay $0x1  }
0x366: {  	v1 =	vadd.f32 v4, v1;
	_ =	sdelay $0x1  }
0x367: {  	v1 =	vadd.f32 v2, v1;
	v2 =	vor.u32 $0xE80, v0  }
0x368: {  	v3 =	vor.u32 $0xE81, v0  }
0x369: {  	v1 =	vmul.f32 $2.500000000e-01, v1  }
0x36a: {  	v4 =	vor.u32 $0xE82, v0  }
0x36b: {  	[tilespmem:$0x19A90] =	vst v1  }
0x36c: {  	v1 =	vld.idx.msk [tilespmem:v2+s9+$0x0], $0xffff;
	v2 =	vor.u32 $0xE83, v0  }
0x36d: {  	v3 =	vld.idx.msk [tilespmem:v3+s9+$0x0], $0xffff;
	_ =	sdelay $0x1  }
0x36e: {  	v4 =	vld.idx.msk [tilespmem:v4+s9+$0x0], $0xffff;
	_ =	sdelay $0x1  }
0x36f: {  	v2 =	vld.idx.msk [tilespmem:v2+s9+$0x0], $0xffff;
	_ =	sdelay $0x2  }
0x370: {  	v1 =	vld.idx.msk [tilespmem:v1+s2+$0x0], $0xffff  }
0x371: {  	v3 =	vld.idx.msk [tilespmem:v3+s2+$0x0], $0xffff;
	_ =	sdelay $0x1  }
0x372: {  	v4 =	vld.idx.msk [tilespmem:v4+s2+$0x0], $0xffff;
	_ =	sdelay $0x1  }
0x373: {  	v2 =	vld.idx.msk [tilespmem:v2+s2+$0x0], $0xffff  }
0x374: {  	v1 =	vadd.f32 v3, v1;
	_ =	sdelay $0x1  }
0x375: {  	v1 =	vadd.f32 v4, v1;
	_ =	sdelay $0x1  }
0x376: {  	v1 =	vadd.f32 v2, v1;
	v2 =	vor.u32 $0xEC0, v0  }
0x377: {  	v3 =	vor.u32 $0xEC1, v0  }
0x378: {  	v1 =	vmul.f32 $2.500000000e-01, v1  }
0x379: {  	v4 =	vor.u32 $0xEC2, v0  }
0x37a: {  	[tilespmem:$0x19AA0] =	vst v1  }
0x37b: {  	v1 =	vld.idx.msk [tilespmem:v2+s9+$0x0], $0xffff;
	v2 =	vor.u32 $0xEC3, v0  }
0x37c: {  	v3 =	vld.idx.msk [tilespmem:v3+s9+$0x0], $0xffff;
	_ =	sdelay $0x1  }
0x37d: {  	v4 =	vld.idx.msk [tilespmem:v4+s9+$0x0], $0xffff;
	_ =	sdelay $0x1  }
0x37e: {  	v2 =	vld.idx.msk [tilespmem:v2+s9+$0x0], $0xffff;
	_ =	sdelay $0x2  }
0x37f: {  	v1 =	vld.idx.msk [tilespmem:v1+s2+$0x0], $0xffff  }
0x380: {  	v3 =	vld.idx.msk [tilespmem:v3+s2+$0x0], $0xffff;
	_ =	sdelay $0x1  }
0x381: {  	v4 =	vld.idx.msk [tilespmem:v4+s2+$0x0], $0xffff;
	_ =	sdelay $0x1  }
0x382: {  	v2 =	vld.idx.msk [tilespmem:v2+s2+$0x0], $0xffff  }
0x383: {  	v1 =	vadd.f32 v3, v1;
	_ =	sdelay $0x1  }
0x384: {  	v1 =	vadd.f32 v4, v1;
	_ =	sdelay $0x1  }
0x385: {  	v1 =	vadd.f32 v2, v1;
	v2 =	vor.u32 $0xF00, v0  }
0x386: {  	v3 =	vor.u32 $0xF01, v0  }
0x387: {  	v1 =	vmul.f32 $2.500000000e-01, v1  }
0x388: {  	v4 =	vor.u32 $0xF02, v0  }
0x389: {  	[tilespmem:$0x19AB0] =	vst v1  }
0x38a: {  	v1 =	vld.idx.msk [tilespmem:v2+s9+$0x0], $0xffff;
	v2 =	vor.u32 $0xF03, v0  }
0x38b: {  	v3 =	vld.idx.msk [tilespmem:v3+s9+$0x0], $0xffff;
	_ =	sdelay $0x1  }
0x38c: {  	v4 =	vld.idx.msk [tilespmem:v4+s9+$0x0], $0xffff;
	_ =	sdelay $0x1  }
0x38d: {  	v2 =	vld.idx.msk [tilespmem:v2+s9+$0x0], $0xffff;
	_ =	sdelay $0x2  }
0x38e: {  	v1 =	vld.idx.msk [tilespmem:v1+s2+$0x0], $0xffff  }
0x38f: {  	v3 =	vld.idx.msk [tilespmem:v3+s2+$0x0], $0xffff;
	_ =	sdelay $0x1  }
0x390: {  	v4 =	vld.idx.msk [tilespmem:v4+s2+$0x0], $0xffff;
	_ =	sdelay $0x1  }
0x391: {  	v2 =	vld.idx.msk [tilespmem:v2+s2+$0x0], $0xffff  }
0x392: {  	v1 =	vadd.f32 v3, v1;
	_ =	sdelay $0x1  }
0x393: {  	v1 =	vadd.f32 v4, v1;
	_ =	sdelay $0x1  }
0x394: {  	v1 =	vadd.f32 v2, v1;
	v2 =	vor.u32 $0xF40, v0  }
0x395: {  	v3 =	vor.u32 $0xF41, v0  }
0x396: {  	v1 =	vmul.f32 $2.500000000e-01, v1  }
0x397: {  	v4 =	vor.u32 $0xF42, v0  }
0x398: {  	[tilespmem:$0x19AC0] =	vst v1  }
0x399: {  	v1 =	vld.idx.msk [tilespmem:v2+s9+$0x0], $0xffff;
	v2 =	vor.u32 $0xF43, v0  }
0x39a: {  	v3 =	vld.idx.msk [tilespmem:v3+s9+$0x0], $0xffff;
	_ =	sdelay $0x1  }
0x39b: {  	v4 =	vld.idx.msk [tilespmem:v4+s9+$0x0], $0xffff;
	_ =	sdelay $0x1  }
0x39c: {  	v2 =	vld.idx.msk [tilespmem:v2+s9+$0x0], $0xffff;
	_ =	sdelay $0x2  }
0x39d: {  	v1 =	vld.idx.msk [tilespmem:v1+s2+$0x0], $0xffff  }
0x39e: {  	v3 =	vld.idx.msk [tilespmem:v3+s2+$0x0], $0xffff;
	_ =	sdelay $0x1  }
0x39f: {  	v4 =	vld.idx.msk [tilespmem:v4+s2+$0x0], $0xffff;
	_ =	sdelay $0x1  }
0x3a0: {  	v2 =	vld.idx.msk [tilespmem:v2+s2+$0x0], $0xffff  }
0x3a1: {  	v1 =	vadd.f32 v3, v1;
	_ =	sdelay $0x1  }
0x3a2: {  	v1 =	vadd.f32 v4, v1;
	_ =	sdelay $0x1  }
0x3a3: {  	v1 =	vadd.f32 v2, v1;
	v2 =	vor.u32 $0xF80, v0  }
0x3a4: {  	v3 =	vor.u32 $0xF81, v0  }
0x3a5: {  	v1 =	vmul.f32 $2.500000000e-01, v1  }
0x3a6: {  	v4 =	vor.u32 $0xF82, v0  }
0x3a7: {  	[tilespmem:$0x19AD0] =	vst v1  }
0x3a8: {  	v1 =	vld.idx.msk [tilespmem:v2+s9+$0x0], $0xffff;
	v2 =	vor.u32 $0xF83, v0  }
0x3a9: {  	v3 =	vld.idx.msk [tilespmem:v3+s9+$0x0], $0xffff;
	_ =	sdelay $0x1  }
0x3aa: {  	v4 =	vld.idx.msk [tilespmem:v4+s9+$0x0], $0xffff;
	_ =	sdelay $0x1  }
0x3ab: {  	v2 =	vld.idx.msk [tilespmem:v2+s9+$0x0], $0xffff;
	_ =	sdelay $0x2  }
0x3ac: {  	v1 =	vld.idx.msk [tilespmem:v1+s2+$0x0], $0xffff  }
0x3ad: {  	v3 =	vld.idx.msk [tilespmem:v3+s2+$0x0], $0xffff;
	_ =	sdelay $0x1  }
0x3ae: {  	v4 =	vld.idx.msk [tilespmem:v4+s2+$0x0], $0xffff;
	_ =	sdelay $0x1  }
0x3af: {  	v2 =	vld.idx.msk [tilespmem:v2+s2+$0x0], $0xffff  }
0x3b0: {  	v1 =	vadd.f32 v3, v1;
	_ =	sdelay $0x1  }
0x3b1: {  	v1 =	vadd.f32 v4, v1;
	_ =	sdelay $0x1  }
0x3b2: {  	v1 =	vadd.f32 v2, v1;
	v2 =	vor.u32 $0xFC0, v0  }
0x3b3: {  	v3 =	vor.u32 $0xFC1, v0  }
0x3b4: {  	v1 =	vmul.f32 $2.500000000e-01, v1  }
0x3b5: {  	v4 =	vor.u32 $0xFC2, v0  }
0x3b6: {  	[tilespmem:$0x19AE0] =	vst v1  }
0x3b7: {  	v1 =	vld.idx.msk [tilespmem:v2+s9+$0x0], $0xffff;
	v2 =	vor.u32 $0xFC3, v0  }
0x3b8: {  	v3 =	vld.idx.msk [tilespmem:v3+s9+$0x0], $0xffff;
	_ =	sdelay $0x1  }
0x3b9: {  	v4 =	vld.idx.msk [tilespmem:v4+s9+$0x0], $0xffff;
	_ =	sdelay $0x1  }
0x3ba: {  	v2 =	vld.idx.msk [tilespmem:v2+s9+$0x0], $0xffff;
	_ =	sdelay $0x2  }
0x3bb: {  	v1 =	vld.idx.msk [tilespmem:v1+s2+$0x0], $0xffff  }
0x3bc: {  	v3 =	vld.idx.msk [tilespmem:v3+s2+$0x0], $0xffff;
	_ =	sdelay $0x1  }
0x3bd: {  	v4 =	vld.idx.msk [tilespmem:v4+s2+$0x0], $0xffff;
	_ =	sdelay $0x1  }
0x3be: {  	v2 =	vld.idx.msk [tilespmem:v2+s2+$0x0], $0xffff  }
0x3bf: {  	v1 =	vadd.f32 v3, v1;
	_ =	sdelay $0x1  }
0x3c0: {  	v1 =	vadd.f32 v4, v1;
	_ =	sdelay $0x1  }
0x3c1: {  	v1 =	vadd.f32 v2, v1;
	_ =	sdelay $0x1  }
0x3c2: {  	v1 =	vmul.f32 $2.500000000e-01, v1  }
0x3c3: {  	p0 =	sne.s32 s6, $0x1  }
.Ltmp0:
0x3c4: {  	[tilespmem:$0x19AF0] =	vst v1;
	(pc) =	sbr.rel @p0 .LBB2_1-.Ltmp0, $4  }
0x3c5: {  	[hbm4b:s5+s2] =	stream.linear.scatter [tilespmem:s12], [sflag:$0x2], $0x400, $0x38;
	[tilespmem:$0x19B00] =	vst v63  }
0x3c6: {  	_ =	swait.ge [sflag:s10], $0x400  }
0x3c7: {  	[sflag:s10] =	ssyncset.done $0x0  }
0x3c8: {  	s6 =	sadd.s32 $0xFFFFFFFF, s6;
	[sflag:s10] =	ssyncadd.s32 $0xFFFFFC00  }
0x3c9: {  	_ =	sfence.sel $0x180000  }
0x3ca: {  	[bflag:$0x0] =	sbarrier.arrive $0xFFFF  }
0x3cb: {  	p0 =	sne.s32 s0, $0x0;
	_ =	strace $0x90000047  }
0x3cc: {  	s0 =	sadd.s32 @!p0 $0x100000, s1;
	[bflag:$0x2] =	sbarrier.arrive $0xFFFF  }
0x3cd: {  	[sflag:s0] =	ssyncadd.tile.s32 @!p0 $0x1;
	_ =	shalt  }
.Lfunc_end2:
_tile_overlayer_lowered:
.L_overlay_start_2:
0x3ce: {  	(tag) =	ssettag $0x2  }
0x3cf: {  	s0 =	rddreg [dreg:$0x0];
	s2 =	stileid.u32  }
0x3d0: {  	s1 =	rddreg [dreg:$0x1];
	p0 =	sne.s32 s2, $0x0  }
0x3d1: {  	s3 =	rddreg [dreg:$0x2];
	[bflag:$0x3] =	sbarrier.arrive $0xFFFF;
	s2 =	simm.s32 @!p0 $0x1C02  }
0x3d2: {  	[timem:s3], [sflag:s2] =	dma.local @!p0 [hbm:s0], s1  }
0x3d3: {  	s0 =	simm.s32 @!p0 $0x2  }
0x3d4: {  	_ =	swait.ge @!p0 [sflag:s0], s1  }
0x3d5: {  	s1 =	ssub.s32 @!p0 $0x0, s1;
	[sflag:s0] =	ssyncset.done @!p0 $0x0  }
0x3d6: {  	[sflag:s0] =	ssyncadd.s32 @!p0 s1  }
0x3d7: {  	[bflag:$0x3] =	sbarrier.arrive $0xFFFF  }
0x3d8: {  	_ =	shalt  }

</sc_bundles>
